<compile_context>
chip_gen: v7x
topology: tpu7x:2x2x1
jax: 0.10.2.dev20260603
libtpu: 0.0.44.dev20260713+nightly
codegen_flags: <defaults>
</compile_context>

<pallas_src>
import jax
import jax.numpy as jnp
from jax import lax
from jax.experimental import pallas as pl
from jax.experimental.pallas import tpu as pltpu
from jax.experimental.pallas import tpu_sc as plsc

NUM_CLASSES = 1000000
NUM_FEATURES = 64
BATCH = 16384

NUM_CORES = 2
NUM_SUBCORES = 16
NW = NUM_CORES * NUM_SUBCORES
NTC = (NUM_CLASSES + 127) // 128
NT = (NTC + NW - 1) // NW
NTPAD = 272
RING = 64
NCHUNK = BATCH // 16


def _embed_body(lab_hbm, tt_hbm, out_hbm, laball, sel_code, so_code,
                hist, starts, ptrs,
                strip0, strip1, strip2, strip3, strip4, strip5, strip6,
                strip7, ring_v, cnt_v,
                sem0, sem1, sem2, sem3, sem4, sem5, sem6, sem7, wsem):
    wid = lax.axis_index("s") * NUM_CORES + lax.axis_index("c")
    lanes = jnp.arange(16, dtype=jnp.int32)
    ones = jnp.ones((16,), jnp.int32)
    zeros = jnp.zeros((16,), jnp.int32)
    lane0 = lanes == 0
    pltpu.sync_copy(lab_hbm, laball)
    cnt_v[pl.ds(0, 16)] = zeros
    for i in range(NTPAD // 16):
        hist[pl.ds(i * 16, 16)] = zeros

    strips = [strip0, strip1, strip2, strip3, strip4, strip5, strip6, strip7]
    sems = [sem0, sem1, sem2, sem3, sem4, sem5, sem6, sem7]
    nt = (NTC - 1 - wid) // NW + 1

    def fetch(t, strip_ref, sem):
        pltpu.async_copy(
            tt_hbm.at[pl.ds(0, NUM_FEATURES), pl.ds((t * NW + wid) * 128, 128)],
            strip_ref,
            sem,
        )

    def wait_strip(strip_ref, sem):
        pltpu.make_async_copy(
            tt_hbm.at[pl.ds(0, NUM_FEATURES), pl.ds(0, 128)], strip_ref, sem
        ).wait()

    for u in range(8):
        @pl.when(u < nt)
        def _(u=u):
            fetch(jnp.int32(u), strips[u], sems[u])

    @pl.loop(0, NCHUNK // 4, init_carry=jnp.int32(0))
    def scan(g4, cnt):
        offs = cnt
        for i in range(4):
            g = g4 * 4 + i
            lab = laball[pl.ds(g * 16, 16)]
            m = ((lab >> 7) & (NW - 1)) == wid
            code = ((lab >> 12) << 21) | ((lanes + g * 16) << 7) | (lab & 127)
            plsc.store_compressed(sel_code.at[pl.ds(offs, 16)], code, mask=m)
            plsc.addupdate_scatter(hist, [lab >> 12], ones, mask=m)
            offs = offs + plsc.all_reduce_population_count(m)[0]
        return offs

    cnt = scan

    @pl.loop(0, NTPAD // 16, init_carry=jnp.int32(0))
    def prefix(i, run):
        v = hist[pl.ds(i * 16, 16)]
        cs = plsc.cumsum(v)
        starts[pl.ds(i * 16, 16)] = cs - v + run
        ptrs[pl.ds(i * 16, 16)] = cs - v + run
        return run + cs[15]

    @pl.loop(0, cnt)
    def place(k):
        c0 = sel_code[pl.ds(k, 16)][0]
        t0 = c0 >> 21
        p0 = ptrs[pl.ds(t0, 16)][0]
        plsc.store_scatter(so_code, [jnp.full((16,), p0, jnp.int32)],
                           jnp.full((16,), c0, jnp.int32), mask=lane0)
        plsc.store_scatter(ptrs, [jnp.full((16,), t0, jnp.int32)],
                           jnp.full((16,), p0 + 1, jnp.int32), mask=lane0)

    def process(t, strip_ref):
        start_t = starts[pl.ds(t, 16)][0]
        cnt_t = hist[pl.ds(t, 16)][0]

        @pl.loop(0, cnt_t)
        def emit(k):
            c0 = so_code[pl.ds(start_t + k, 16)][0]
            pos0 = (c0 >> 7) & 16383
            l0 = jnp.full((16,), c0 & 127, jnp.int32)
            slotc = cnt_v[pl.ds(0, 16)][0]
            slot = slotc & (RING - 1)

            @pl.when(slotc >= RING)
            def _():
                pltpu.make_async_copy(
                    out_hbm.at[pl.ds(0, NUM_FEATURES)], ring_v.at[0], wsem
                ).wait()

            for seg in range(NUM_FEATURES // 16):
                vals = plsc.load_gather(strip_ref, [lanes + seg * 16, l0])
                ring_v[slot, pl.ds(seg * 16, 16)] = vals
            pltpu.async_copy(
                ring_v.at[slot],
                out_hbm.at[pl.ds(pos0 * NUM_FEATURES, NUM_FEATURES)],
                wsem,
            )
            cnt_v[pl.ds(0, 16)] = jnp.full((16,), slotc + 1, jnp.int32)

    @pl.loop(0, (NT + 7) // 8)
    def sweep(p):
        for u in range(8):
            t = p * 8 + u
            fetched = jnp.where(t < 8, t < nt,
                                (t < nt) & (hist[pl.ds(t, 16)][0] > 0))

            @pl.when(fetched)
            def _(t=t, u=u):
                wait_strip(strips[u], sems[u])
                process(t, strips[u])

            @pl.when((t + 8 < nt) & (hist[pl.ds(t + 8, 16)][0] > 0))
            def _(t=t, u=u):
                fetch(t + 8, strips[u], sems[u])

    total = cnt_v[pl.ds(0, 16)][0]

    @pl.loop(0, jnp.minimum(total, RING))
    def drain(_):
        pltpu.make_async_copy(
            out_hbm.at[pl.ds(0, NUM_FEATURES)], ring_v.at[0], wsem
        ).wait()


@jax.jit
def kernel(labels, table):
    lab = labels.astype(jnp.int32)
    tt = table.T
    mesh = plsc.VectorSubcoreMesh(
        core_axis_name="c", subcore_axis_name="s",
        num_cores=NUM_CORES, num_subcores=NUM_SUBCORES,
    )
    run = pl.kernel(
        _embed_body,
        mesh=mesh,
        out_type=jax.ShapeDtypeStruct((BATCH * NUM_FEATURES,), jnp.float32),
        scratch_types=[
            pltpu.VMEM((BATCH,), jnp.int32),
            pltpu.VMEM((BATCH + 16,), jnp.int32),
            pltpu.VMEM((BATCH + 16,), jnp.int32),
            pltpu.VMEM((NTPAD,), jnp.int32),
            pltpu.VMEM((NTPAD,), jnp.int32),
            pltpu.VMEM((NTPAD,), jnp.int32),
            pltpu.VMEM((NUM_FEATURES, 128), jnp.float32),
            pltpu.VMEM((NUM_FEATURES, 128), jnp.float32),
            pltpu.VMEM((NUM_FEATURES, 128), jnp.float32),
            pltpu.VMEM((NUM_FEATURES, 128), jnp.float32),
            pltpu.VMEM((NUM_FEATURES, 128), jnp.float32),
            pltpu.VMEM((NUM_FEATURES, 128), jnp.float32),
            pltpu.VMEM((NUM_FEATURES, 128), jnp.float32),
            pltpu.VMEM((NUM_FEATURES, 128), jnp.float32),
            pltpu.VMEM((RING, NUM_FEATURES), jnp.float32),
            pltpu.VMEM((16,), jnp.int32),
            pltpu.SemaphoreType.DMA,
            pltpu.SemaphoreType.DMA,
            pltpu.SemaphoreType.DMA,
            pltpu.SemaphoreType.DMA,
            pltpu.SemaphoreType.DMA,
            pltpu.SemaphoreType.DMA,
            pltpu.SemaphoreType.DMA,
            pltpu.SemaphoreType.DMA,
            pltpu.SemaphoreType.DMA,
        ],
        compiler_params=pltpu.CompilerParams(
            use_tc_tiling_on_sc=True, needs_layout_passes=False
        ),
    )
    out1 = run(lab, tt)
    return out1.reshape(BATCH, NUM_FEATURES)

# --- scband reference (transcript-rebuilt; emitter-appended) ---
"""Pipeline reference for scband-label-embedder-14972255994312 (READ-ONLY COPY).

The authoritative reference and input builder live on the scoring server;
editing this copy changes nothing except your own understanding.
"""

import jax, jax.numpy as jnp
import numpy as np

NUM_CLASSES = 1000000
NUM_FEATURES = 64
BATCH = 16384


def setup_inputs(seed: int = 0) -> dict:
    key = jax.random.key(seed)
    k_idx, k_tab = jax.random.split(key)
    labels = jax.random.randint(k_idx, (BATCH,), 0, NUM_CLASSES, dtype=jnp.int32)
    # flax nn.Embed default init: normal(stddev=1.0)
    table = jax.random.normal(k_tab, (NUM_CLASSES, NUM_FEATURES), dtype=jnp.float32)
    return {"labels": labels, "table": table}


def reference(labels, table):
    # LabelEmbedder.__call__: cast to int32, then nn.Embed lookup
    integer_inputs = labels.astype(jnp.int32)
    out = jnp.take(table, integer_inputs, axis=0)
    return out

if __name__ == "__main__":
    import jax
    _d = setup_inputs()
    print(jax.jit(kernel)(*tuple(_d.values())))

</pallas_src>

<mosaic_0001>
#map = affine_map<(d0, d1) -> (0)>
#map1 = affine_map<(d0, d1) -> (0, 0)>
module attributes {stable_mosaic.version = 14 : i64} {
  func.func @_embed_body(%arg0: i32, %arg1: i32, %arg2: memref<16384xi32, #tpu.memory_space<hbm>>, %arg3: memref<64x1000000xf32, #tpu.memory_space<hbm>>, %arg4: memref<1048576xf32, #tpu.memory_space<hbm>>, %arg5: memref<16384xi32, #tpu.memory_space<vmem>>, %arg6: memref<16400xi32, #tpu.memory_space<vmem>>, %arg7: memref<16400xi32, #tpu.memory_space<vmem>>, %arg8: memref<272xi32, #tpu.memory_space<vmem>>, %arg9: memref<272xi32, #tpu.memory_space<vmem>>, %arg10: memref<272xi32, #tpu.memory_space<vmem>>, %arg11: memref<64x128xf32, #tpu.memory_space<vmem>>, %arg12: memref<64x128xf32, #tpu.memory_space<vmem>>, %arg13: memref<64x128xf32, #tpu.memory_space<vmem>>, %arg14: memref<64x128xf32, #tpu.memory_space<vmem>>, %arg15: memref<64x128xf32, #tpu.memory_space<vmem>>, %arg16: memref<64x128xf32, #tpu.memory_space<vmem>>, %arg17: memref<64x128xf32, #tpu.memory_space<vmem>>, %arg18: memref<64x128xf32, #tpu.memory_space<vmem>>, %arg19: memref<64x64xf32, #tpu.memory_space<vmem>>, %arg20: memref<16xi32, #tpu.memory_space<vmem>>, %arg21: memref<!tpu.dma_semaphore, #tpu.memory_space<semaphore_mem>>, %arg22: memref<!tpu.dma_semaphore, #tpu.memory_space<semaphore_mem>>, %arg23: memref<!tpu.dma_semaphore, #tpu.memory_space<semaphore_mem>>, %arg24: memref<!tpu.dma_semaphore, #tpu.memory_space<semaphore_mem>>, %arg25: memref<!tpu.dma_semaphore, #tpu.memory_space<semaphore_mem>>, %arg26: memref<!tpu.dma_semaphore, #tpu.memory_space<semaphore_mem>>, %arg27: memref<!tpu.dma_semaphore, #tpu.memory_space<semaphore_mem>>, %arg28: memref<!tpu.dma_semaphore, #tpu.memory_space<semaphore_mem>>, %arg29: memref<!tpu.dma_semaphore, #tpu.memory_space<semaphore_mem>>) attributes {dimension_semantics = [#tpu.dimension_semantics<core_parallel>, #tpu.dimension_semantics<subcore_parallel>], iteration_bounds = array<i64: 2, 16>, scalar_prefetch = 0 : i64, scratch_operands = 25 : i64, tpu.core_type = #tpu.core_type<sc_vector_subcore>, window_params = [{transform_indices = #map}, {transform_indices = #map1}, {transform_indices = #map}]} {
    %mul3A = arith.constant 2 : i32
    %mul3A_0 = arith.muli %arg1, %mul3A : i32
    %add3A = arith.addi %mul3A_0, %arg0 : i32
    %iota3A = tpu.iota {dimensions = array<i32: 0>} : vector<16xi32>
    %broadcast_in_dim3A = arith.constant 1 : i32
    %broadcast_in_dim3A_1 = vector.broadcast %broadcast_in_dim3A : i32 to vector<16xi32>
    %broadcast_in_dim3A_2 = arith.constant 0 : i32
    %broadcast_in_dim3A_3 = vector.broadcast %broadcast_in_dim3A_2 : i32 to vector<16xi32>
    %eq3A = arith.constant 0 : i32
    %eq3A_4 = vector.broadcast %eq3A : i32 to vector<16xi32>
    %eq3A_5 = arith.cmpi eq, %iota3A, %eq3A_4 : vector<16xi32>
    "tpu.region"() ({
      %run_scoped3A = tpu.sem_alloc : memref<!tpu.dma_semaphore, #tpu.memory_space<semaphore_mem>>
      tpu.enqueue_dma source(%arg2 : memref<16384xi32, #tpu.memory_space<hbm>>) target(%arg5 : memref<16384xi32, #tpu.memory_space<vmem>>) target_semaphore(%run_scoped3A : memref<!tpu.dma_semaphore, #tpu.memory_space<semaphore_mem>>)
      tpu.wait_dma2 semaphore(%run_scoped3A : memref<!tpu.dma_semaphore, #tpu.memory_space<semaphore_mem>>) src(%arg2 : memref<16384xi32, #tpu.memory_space<hbm>>) dst(%arg5 : memref<16384xi32, #tpu.memory_space<vmem>>)
      tpu.yield
    }) : () -> ()
    %swap3A = arith.constant 0 : index
    %swap3A_6 = tpu.vector_load %arg20[%swap3A] {strides = array<i32>} : memref<16xi32, #tpu.memory_space<vmem>>, vector<16xi32>,
    tpu.vector_store %arg20[%swap3A], %broadcast_in_dim3A_3 {strides = array<i32>} : memref<16xi32, #tpu.memory_space<vmem>>, vector<16xi32>,
    %swap3A_7 = arith.constant 0 : index
    %swap3A_8 = tpu.vector_load %arg8[%swap3A_7] {strides = array<i32>} : memref<272xi32, #tpu.memory_space<vmem>>, vector<16xi32>,
    tpu.vector_store %arg8[%swap3A_7], %broadcast_in_dim3A_3 {strides = array<i32>} : memref<272xi32, #tpu.memory_space<vmem>>, vector<16xi32>,
    %swap3A_9 = arith.constant 16 : index
    %swap3A_10 = tpu.vector_load %arg8[%swap3A_9] {strides = array<i32>} : memref<272xi32, #tpu.memory_space<vmem>>, vector<16xi32>,
    tpu.vector_store %arg8[%swap3A_9], %broadcast_in_dim3A_3 {strides = array<i32>} : memref<272xi32, #tpu.memory_space<vmem>>, vector<16xi32>,
    %swap3A_11 = arith.constant 32 : index
    %swap3A_12 = tpu.vector_load %arg8[%swap3A_11] {strides = array<i32>} : memref<272xi32, #tpu.memory_space<vmem>>, vector<16xi32>,
    tpu.vector_store %arg8[%swap3A_11], %broadcast_in_dim3A_3 {strides = array<i32>} : memref<272xi32, #tpu.memory_space<vmem>>, vector<16xi32>,
    %swap3A_13 = arith.constant 48 : index
    %swap3A_14 = tpu.vector_load %arg8[%swap3A_13] {strides = array<i32>} : memref<272xi32, #tpu.memory_space<vmem>>, vector<16xi32>,
    tpu.vector_store %arg8[%swap3A_13], %broadcast_in_dim3A_3 {strides = array<i32>} : memref<272xi32, #tpu.memory_space<vmem>>, vector<16xi32>,
    %swap3A_15 = arith.constant 64 : index
    %swap3A_16 = tpu.vector_load %arg8[%swap3A_15] {strides = array<i32>} : memref<272xi32, #tpu.memory_space<vmem>>, vector<16xi32>,
    tpu.vector_store %arg8[%swap3A_15], %broadcast_in_dim3A_3 {strides = array<i32>} : memref<272xi32, #tpu.memory_space<vmem>>, vector<16xi32>,
    %swap3A_17 = arith.constant 80 : index
    %swap3A_18 = tpu.vector_load %arg8[%swap3A_17] {strides = array<i32>} : memref<272xi32, #tpu.memory_space<vmem>>, vector<16xi32>,
    tpu.vector_store %arg8[%swap3A_17], %broadcast_in_dim3A_3 {strides = array<i32>} : memref<272xi32, #tpu.memory_space<vmem>>, vector<16xi32>,
    %swap3A_19 = arith.constant 96 : index
    %swap3A_20 = tpu.vector_load %arg8[%swap3A_19] {strides = array<i32>} : memref<272xi32, #tpu.memory_space<vmem>>, vector<16xi32>,
    tpu.vector_store %arg8[%swap3A_19], %broadcast_in_dim3A_3 {strides = array<i32>} : memref<272xi32, #tpu.memory_space<vmem>>, vector<16xi32>,
    %swap3A_21 = arith.constant 112 : index
    %swap3A_22 = tpu.vector_load %arg8[%swap3A_21] {strides = array<i32>} : memref<272xi32, #tpu.memory_space<vmem>>, vector<16xi32>,
    tpu.vector_store %arg8[%swap3A_21], %broadcast_in_dim3A_3 {strides = array<i32>} : memref<272xi32, #tpu.memory_space<vmem>>, vector<16xi32>,
    %swap3A_23 = arith.constant 128 : index
    %swap3A_24 = tpu.vector_load %arg8[%swap3A_23] {strides = array<i32>} : memref<272xi32, #tpu.memory_space<vmem>>, vector<16xi32>,
    tpu.vector_store %arg8[%swap3A_23], %broadcast_in_dim3A_3 {strides = array<i32>} : memref<272xi32, #tpu.memory_space<vmem>>, vector<16xi32>,
    %swap3A_25 = arith.constant 144 : index
    %swap3A_26 = tpu.vector_load %arg8[%swap3A_25] {strides = array<i32>} : memref<272xi32, #tpu.memory_space<vmem>>, vector<16xi32>,
    tpu.vector_store %arg8[%swap3A_25], %broadcast_in_dim3A_3 {strides = array<i32>} : memref<272xi32, #tpu.memory_space<vmem>>, vector<16xi32>,
    %swap3A_27 = arith.constant 160 : index
    %swap3A_28 = tpu.vector_load %arg8[%swap3A_27] {strides = array<i32>} : memref<272xi32, #tpu.memory_space<vmem>>, vector<16xi32>,
    tpu.vector_store %arg8[%swap3A_27], %broadcast_in_dim3A_3 {strides = array<i32>} : memref<272xi32, #tpu.memory_space<vmem>>, vector<16xi32>,
    %swap3A_29 = arith.constant 176 : index
    %swap3A_30 = tpu.vector_load %arg8[%swap3A_29] {strides = array<i32>} : memref<272xi32, #tpu.memory_space<vmem>>, vector<16xi32>,
    tpu.vector_store %arg8[%swap3A_29], %broadcast_in_dim3A_3 {strides = array<i32>} : memref<272xi32, #tpu.memory_space<vmem>>, vector<16xi32>,
    %swap3A_31 = arith.constant 192 : index
    %swap3A_32 = tpu.vector_load %arg8[%swap3A_31] {strides = array<i32>} : memref<272xi32, #tpu.memory_space<vmem>>, vector<16xi32>,
    tpu.vector_store %arg8[%swap3A_31], %broadcast_in_dim3A_3 {strides = array<i32>} : memref<272xi32, #tpu.memory_space<vmem>>, vector<16xi32>,
    %swap3A_33 = arith.constant 208 : index
    %swap3A_34 = tpu.vector_load %arg8[%swap3A_33] {strides = array<i32>} : memref<272xi32, #tpu.memory_space<vmem>>, vector<16xi32>,
    tpu.vector_store %arg8[%swap3A_33], %broadcast_in_dim3A_3 {strides = array<i32>} : memref<272xi32, #tpu.memory_space<vmem>>, vector<16xi32>,
    %swap3A_35 = arith.constant 224 : index
    %swap3A_36 = tpu.vector_load %arg8[%swap3A_35] {strides = array<i32>} : memref<272xi32, #tpu.memory_space<vmem>>, vector<16xi32>,
    tpu.vector_store %arg8[%swap3A_35], %broadcast_in_dim3A_3 {strides = array<i32>} : memref<272xi32, #tpu.memory_space<vmem>>, vector<16xi32>,
    %swap3A_37 = arith.constant 240 : index
    %swap3A_38 = tpu.vector_load %arg8[%swap3A_37] {strides = array<i32>} : memref<272xi32, #tpu.memory_space<vmem>>, vector<16xi32>,
    tpu.vector_store %arg8[%swap3A_37], %broadcast_in_dim3A_3 {strides = array<i32>} : memref<272xi32, #tpu.memory_space<vmem>>, vector<16xi32>,
    %swap3A_39 = arith.constant 256 : index
    %swap3A_40 = tpu.vector_load %arg8[%swap3A_39] {strides = array<i32>} : memref<272xi32, #tpu.memory_space<vmem>>, vector<16xi32>,
    tpu.vector_store %arg8[%swap3A_39], %broadcast_in_dim3A_3 {strides = array<i32>} : memref<272xi32, #tpu.memory_space<vmem>>, vector<16xi32>,
    %sub3A = arith.constant 7812 : i32
    %sub3A_41 = arith.subi %sub3A, %add3A : i32
    %jit3A = arith.constant 32 : i32
    %div3A = arith.divsi %sub3A_41, %jit3A : i32
    %sign3A = arith.constant 0 : i32
    %sign3A_42 = arith.cmpi sgt, %sub3A_41, %sign3A : i32
    %sign3A_43 = arith.extui %sign3A_42 : i1 to i32
    %sign3A_44 = arith.constant 0 : i32
    %sign3A_45 = arith.cmpi slt, %sub3A_41, %sign3A_44 : i32
    %sign3A_46 = arith.extui %sign3A_45 : i1 to i32
    %sign3A_47 = arith.subi %sign3A_43, %sign3A_46 : i32
    %sign3A_48 = arith.constant 0 : i32
    %sign3A_49 = arith.cmpi sgt, %jit3A, %sign3A_48 : i32
    %sign3A_50 = arith.extui %sign3A_49 : i1 to i32
    %sign3A_51 = arith.constant 0 : i32
    %sign3A_52 = arith.cmpi slt, %jit3A, %sign3A_51 : i32
    %sign3A_53 = arith.extui %sign3A_52 : i1 to i32
    %sign3A_54 = arith.subi %sign3A_50, %sign3A_53 : i32
    %ne3A = arith.cmpi ne, %sign3A_47, %sign3A_54 : i32
    %rem3A = arith.remsi %sub3A_41, %jit3A : i32
    %ne3A_55 = arith.constant 0 : i32
    %ne3A_56 = arith.cmpi ne, %rem3A, %ne3A_55 : i32
    %and3A = arith.andi %ne3A, %ne3A_56 : i1
    %sub3A_57 = arith.constant 1 : i32
    %sub3A_58 = arith.subi %div3A, %sub3A_57 : i32
    %select_n3A = arith.select %and3A, %sub3A_58, %div3A : i32
    %add3A_59 = arith.constant 1 : i32
    %add3A_60 = arith.addi %select_n3A, %add3A_59 : i32
    %gt3A = arith.constant 0 : i32
    %gt3A_61 = arith.cmpi sgt, %add3A_60, %gt3A : i32
    %convert_element_type3A = arith.extui %gt3A_61 : i1 to i32
    %cond3A = arith.constant 0 : i32
    %cond3A_62 = arith.cmpi ne, %convert_element_type3A, %cond3A : i32
    scf.if %cond3A_62 {
      %mul3A_155 = arith.constant 0 : i32
      %mul3A_156 = arith.constant 32 : i32
      %mul3A_157 = arith.muli %mul3A_155, %mul3A_156 : i32
      %add3A_158 = arith.addi %mul3A_157, %add3A : i32
      %mul3A_159 = arith.constant 128 : i32
      %mul3A_160 = arith.muli %add3A_158, %mul3A_159 : i32
      %dma_start3A = arith.constant 0 : i32
      %dma_start3A_161 = tpu.memref_slice %arg3[%dma_start3A, %mul3A_160] : memref<64x1000000xf32, #tpu.memory_space<hbm>> -> memref<64x128xf32, #tpu.memory_space<hbm>>
      %dma_start3A_162 = arith.constant 0 : i32
      %dma_start3A_163 = tpu.memref_slice %arg3[%dma_start3A_162, %mul3A_160] : memref<64x1000000xf32, #tpu.memory_space<hbm>> -> memref<64x128xf32, #tpu.memory_space<hbm>>
      tpu.enqueue_dma source(%dma_start3A_163 : memref<64x128xf32, #tpu.memory_space<hbm>>) target(%arg11 : memref<64x128xf32, #tpu.memory_space<vmem>>) target_semaphore(%arg21 : memref<!tpu.dma_semaphore, #tpu.memory_space<semaphore_mem>>)
    } else {
    }
    %gt3A_63 = arith.constant 1 : i32
    %gt3A_64 = arith.cmpi sgt, %add3A_60, %gt3A_63 : i32
    %convert_element_type3A_65 = arith.extui %gt3A_64 : i1 to i32
    %cond3A_66 = arith.constant 0 : i32
    %cond3A_67 = arith.cmpi ne, %convert_element_type3A_65, %cond3A_66 : i32
    scf.if %cond3A_67 {
      %mul3A_155 = arith.constant 1 : i32
      %mul3A_156 = arith.constant 32 : i32
      %mul3A_157 = arith.muli %mul3A_155, %mul3A_156 : i32
      %add3A_158 = arith.addi %mul3A_157, %add3A : i32
      %mul3A_159 = arith.constant 128 : i32
      %mul3A_160 = arith.muli %add3A_158, %mul3A_159 : i32
      %dma_start3A = arith.constant 0 : i32
      %dma_start3A_161 = tpu.memref_slice %arg3[%dma_start3A, %mul3A_160] : memref<64x1000000xf32, #tpu.memory_space<hbm>> -> memref<64x128xf32, #tpu.memory_space<hbm>>
      %dma_start3A_162 = arith.constant 0 : i32
      %dma_start3A_163 = tpu.memref_slice %arg3[%dma_start3A_162, %mul3A_160] : memref<64x1000000xf32, #tpu.memory_space<hbm>> -> memref<64x128xf32, #tpu.memory_space<hbm>>
      tpu.enqueue_dma source(%dma_start3A_163 : memref<64x128xf32, #tpu.memory_space<hbm>>) target(%arg12 : memref<64x128xf32, #tpu.memory_space<vmem>>) target_semaphore(%arg22 : memref<!tpu.dma_semaphore, #tpu.memory_space<semaphore_mem>>)
    } else {
    }
    %gt3A_68 = arith.constant 2 : i32
    %gt3A_69 = arith.cmpi sgt, %add3A_60, %gt3A_68 : i32
    %convert_element_type3A_70 = arith.extui %gt3A_69 : i1 to i32
    %cond3A_71 = arith.constant 0 : i32
    %cond3A_72 = arith.cmpi ne, %convert_element_type3A_70, %cond3A_71 : i32
    scf.if %cond3A_72 {
      %mul3A_155 = arith.constant 2 : i32
      %mul3A_156 = arith.constant 32 : i32
      %mul3A_157 = arith.muli %mul3A_155, %mul3A_156 : i32
      %add3A_158 = arith.addi %mul3A_157, %add3A : i32
      %mul3A_159 = arith.constant 128 : i32
      %mul3A_160 = arith.muli %add3A_158, %mul3A_159 : i32
      %dma_start3A = arith.constant 0 : i32
      %dma_start3A_161 = tpu.memref_slice %arg3[%dma_start3A, %mul3A_160] : memref<64x1000000xf32, #tpu.memory_space<hbm>> -> memref<64x128xf32, #tpu.memory_space<hbm>>
      %dma_start3A_162 = arith.constant 0 : i32
      %dma_start3A_163 = tpu.memref_slice %arg3[%dma_start3A_162, %mul3A_160] : memref<64x1000000xf32, #tpu.memory_space<hbm>> -> memref<64x128xf32, #tpu.memory_space<hbm>>
      tpu.enqueue_dma source(%dma_start3A_163 : memref<64x128xf32, #tpu.memory_space<hbm>>) target(%arg13 : memref<64x128xf32, #tpu.memory_space<vmem>>) target_semaphore(%arg23 : memref<!tpu.dma_semaphore, #tpu.memory_space<semaphore_mem>>)
    } else {
    }
    %gt3A_73 = arith.constant 3 : i32
    %gt3A_74 = arith.cmpi sgt, %add3A_60, %gt3A_73 : i32
    %convert_element_type3A_75 = arith.extui %gt3A_74 : i1 to i32
    %cond3A_76 = arith.constant 0 : i32
    %cond3A_77 = arith.cmpi ne, %convert_element_type3A_75, %cond3A_76 : i32
    scf.if %cond3A_77 {
      %mul3A_155 = arith.constant 3 : i32
      %mul3A_156 = arith.constant 32 : i32
      %mul3A_157 = arith.muli %mul3A_155, %mul3A_156 : i32
      %add3A_158 = arith.addi %mul3A_157, %add3A : i32
      %mul3A_159 = arith.constant 128 : i32
      %mul3A_160 = arith.muli %add3A_158, %mul3A_159 : i32
      %dma_start3A = arith.constant 0 : i32
      %dma_start3A_161 = tpu.memref_slice %arg3[%dma_start3A, %mul3A_160] : memref<64x1000000xf32, #tpu.memory_space<hbm>> -> memref<64x128xf32, #tpu.memory_space<hbm>>
      %dma_start3A_162 = arith.constant 0 : i32
      %dma_start3A_163 = tpu.memref_slice %arg3[%dma_start3A_162, %mul3A_160] : memref<64x1000000xf32, #tpu.memory_space<hbm>> -> memref<64x128xf32, #tpu.memory_space<hbm>>
      tpu.enqueue_dma source(%dma_start3A_163 : memref<64x128xf32, #tpu.memory_space<hbm>>) target(%arg14 : memref<64x128xf32, #tpu.memory_space<vmem>>) target_semaphore(%arg24 : memref<!tpu.dma_semaphore, #tpu.memory_space<semaphore_mem>>)
    } else {
    }
    %gt3A_78 = arith.constant 4 : i32
    %gt3A_79 = arith.cmpi sgt, %add3A_60, %gt3A_78 : i32
    %convert_element_type3A_80 = arith.extui %gt3A_79 : i1 to i32
    %cond3A_81 = arith.constant 0 : i32
    %cond3A_82 = arith.cmpi ne, %convert_element_type3A_80, %cond3A_81 : i32
    scf.if %cond3A_82 {
      %mul3A_155 = arith.constant 4 : i32
      %mul3A_156 = arith.constant 32 : i32
      %mul3A_157 = arith.muli %mul3A_155, %mul3A_156 : i32
      %add3A_158 = arith.addi %mul3A_157, %add3A : i32
      %mul3A_159 = arith.constant 128 : i32
      %mul3A_160 = arith.muli %add3A_158, %mul3A_159 : i32
      %dma_start3A = arith.constant 0 : i32
      %dma_start3A_161 = tpu.memref_slice %arg3[%dma_start3A, %mul3A_160] : memref<64x1000000xf32, #tpu.memory_space<hbm>> -> memref<64x128xf32, #tpu.memory_space<hbm>>
      %dma_start3A_162 = arith.constant 0 : i32
      %dma_start3A_163 = tpu.memref_slice %arg3[%dma_start3A_162, %mul3A_160] : memref<64x1000000xf32, #tpu.memory_space<hbm>> -> memref<64x128xf32, #tpu.memory_space<hbm>>
      tpu.enqueue_dma source(%dma_start3A_163 : memref<64x128xf32, #tpu.memory_space<hbm>>) target(%arg15 : memref<64x128xf32, #tpu.memory_space<vmem>>) target_semaphore(%arg25 : memref<!tpu.dma_semaphore, #tpu.memory_space<semaphore_mem>>)
    } else {
    }
    %gt3A_83 = arith.constant 5 : i32
    %gt3A_84 = arith.cmpi sgt, %add3A_60, %gt3A_83 : i32
    %convert_element_type3A_85 = arith.extui %gt3A_84 : i1 to i32
    %cond3A_86 = arith.constant 0 : i32
    %cond3A_87 = arith.cmpi ne, %convert_element_type3A_85, %cond3A_86 : i32
    scf.if %cond3A_87 {
      %mul3A_155 = arith.constant 5 : i32
      %mul3A_156 = arith.constant 32 : i32
      %mul3A_157 = arith.muli %mul3A_155, %mul3A_156 : i32
      %add3A_158 = arith.addi %mul3A_157, %add3A : i32
      %mul3A_159 = arith.constant 128 : i32
      %mul3A_160 = arith.muli %add3A_158, %mul3A_159 : i32
      %dma_start3A = arith.constant 0 : i32
      %dma_start3A_161 = tpu.memref_slice %arg3[%dma_start3A, %mul3A_160] : memref<64x1000000xf32, #tpu.memory_space<hbm>> -> memref<64x128xf32, #tpu.memory_space<hbm>>
      %dma_start3A_162 = arith.constant 0 : i32
      %dma_start3A_163 = tpu.memref_slice %arg3[%dma_start3A_162, %mul3A_160] : memref<64x1000000xf32, #tpu.memory_space<hbm>> -> memref<64x128xf32, #tpu.memory_space<hbm>>
      tpu.enqueue_dma source(%dma_start3A_163 : memref<64x128xf32, #tpu.memory_space<hbm>>) target(%arg16 : memref<64x128xf32, #tpu.memory_space<vmem>>) target_semaphore(%arg26 : memref<!tpu.dma_semaphore, #tpu.memory_space<semaphore_mem>>)
    } else {
    }
    %gt3A_88 = arith.constant 6 : i32
    %gt3A_89 = arith.cmpi sgt, %add3A_60, %gt3A_88 : i32
    %convert_element_type3A_90 = arith.extui %gt3A_89 : i1 to i32
    %cond3A_91 = arith.constant 0 : i32
    %cond3A_92 = arith.cmpi ne, %convert_element_type3A_90, %cond3A_91 : i32
    scf.if %cond3A_92 {
      %mul3A_155 = arith.constant 6 : i32
      %mul3A_156 = arith.constant 32 : i32
      %mul3A_157 = arith.muli %mul3A_155, %mul3A_156 : i32
      %add3A_158 = arith.addi %mul3A_157, %add3A : i32
      %mul3A_159 = arith.constant 128 : i32
      %mul3A_160 = arith.muli %add3A_158, %mul3A_159 : i32
      %dma_start3A = arith.constant 0 : i32
      %dma_start3A_161 = tpu.memref_slice %arg3[%dma_start3A, %mul3A_160] : memref<64x1000000xf32, #tpu.memory_space<hbm>> -> memref<64x128xf32, #tpu.memory_space<hbm>>
      %dma_start3A_162 = arith.constant 0 : i32
      %dma_start3A_163 = tpu.memref_slice %arg3[%dma_start3A_162, %mul3A_160] : memref<64x1000000xf32, #tpu.memory_space<hbm>> -> memref<64x128xf32, #tpu.memory_space<hbm>>
      tpu.enqueue_dma source(%dma_start3A_163 : memref<64x128xf32, #tpu.memory_space<hbm>>) target(%arg17 : memref<64x128xf32, #tpu.memory_space<vmem>>) target_semaphore(%arg27 : memref<!tpu.dma_semaphore, #tpu.memory_space<semaphore_mem>>)
    } else {
    }
    %gt3A_93 = arith.constant 7 : i32
    %gt3A_94 = arith.cmpi sgt, %add3A_60, %gt3A_93 : i32
    %convert_element_type3A_95 = arith.extui %gt3A_94 : i1 to i32
    %cond3A_96 = arith.constant 0 : i32
    %cond3A_97 = arith.cmpi ne, %convert_element_type3A_95, %cond3A_96 : i32
    scf.if %cond3A_97 {
      %mul3A_155 = arith.constant 7 : i32
      %mul3A_156 = arith.constant 32 : i32
      %mul3A_157 = arith.muli %mul3A_155, %mul3A_156 : i32
      %add3A_158 = arith.addi %mul3A_157, %add3A : i32
      %mul3A_159 = arith.constant 128 : i32
      %mul3A_160 = arith.muli %add3A_158, %mul3A_159 : i32
      %dma_start3A = arith.constant 0 : i32
      %dma_start3A_161 = tpu.memref_slice %arg3[%dma_start3A, %mul3A_160] : memref<64x1000000xf32, #tpu.memory_space<hbm>> -> memref<64x128xf32, #tpu.memory_space<hbm>>
      %dma_start3A_162 = arith.constant 0 : i32
      %dma_start3A_163 = tpu.memref_slice %arg3[%dma_start3A_162, %mul3A_160] : memref<64x1000000xf32, #tpu.memory_space<hbm>> -> memref<64x128xf32, #tpu.memory_space<hbm>>
      tpu.enqueue_dma source(%dma_start3A_163 : memref<64x128xf32, #tpu.memory_space<hbm>>) target(%arg18 : memref<64x128xf32, #tpu.memory_space<vmem>>) target_semaphore(%arg28 : memref<!tpu.dma_semaphore, #tpu.memory_space<semaphore_mem>>)
    } else {
    }
    %scan3A = arith.constant 0 : i32
    %scan3A_98 = arith.constant 0 : i32
    %scan3A_99 = arith.constant 256 : i32
    %scan3A_100 = arith.addi %scan3A_98, %scan3A_99 : i32
    %scan3A_101 = arith.constant 1 : i32
    %scan3A_102 = scf.for %scan3A_155 = %scan3A_98 to %scan3A_100 step %scan3A_101 iter_args(%scan3A_156 = %scan3A) -> (i32)  : i32 {
      %mul3A_157 = arith.constant 1 : i32
      %mul3A_158 = arith.muli %scan3A_155, %mul3A_157 : i32
      %add3A_159 = arith.constant 0 : i32
      %add3A_160 = arith.addi %add3A_159, %mul3A_158 : i32
      %mul3A_161 = arith.constant 4 : i32
      %mul3A_162 = arith.muli %add3A_160, %mul3A_161 : i32
      %add3A_163 = arith.constant 0 : i32
      %add3A_164 = arith.addi %mul3A_162, %add3A_163 : i32
      %mul3A_165 = arith.constant 16 : i32
      %mul3A_166 = arith.muli %add3A_164, %mul3A_165 : i32
      %get3A_167 = arith.index_cast %mul3A_166 : i32 to index
      %get3A_168 = tpu.vector_load %arg5[%get3A_167] {strides = array<i32>} : memref<16384xi32, #tpu.memory_space<vmem>>, vector<16xi32>,
      %shift_right_arithmetic3A = arith.constant 7 : i32
      %shift_right_arithmetic3A_169 = vector.broadcast %shift_right_arithmetic3A : i32 to vector<16xi32>
      %shift_right_arithmetic3A_170 = arith.shrsi %get3A_168, %shift_right_arithmetic3A_169 : vector<16xi32>
      %and3A_171 = arith.constant 31 : i32
      %and3A_172 = vector.broadcast %and3A_171 : i32 to vector<16xi32>
      %and3A_173 = arith.andi %shift_right_arithmetic3A_170, %and3A_172 : vector<16xi32>
      %eq3A_174 = vector.broadcast %add3A : i32 to vector<16xi32>
      %eq3A_175 = arith.cmpi eq, %and3A_173, %eq3A_174 : vector<16xi32>
      %shift_right_arithmetic3A_176 = arith.constant 12 : i32
      %shift_right_arithmetic3A_177 = vector.broadcast %shift_right_arithmetic3A_176 : i32 to vector<16xi32>
      %shift_right_arithmetic3A_178 = arith.shrsi %get3A_168, %shift_right_arithmetic3A_177 : vector<16xi32>
      %shift_left3A = arith.constant 21 : i32
      %shift_left3A_179 = vector.broadcast %shift_left3A : i32 to vector<16xi32>
      %shift_left3A_180 = arith.shli %shift_right_arithmetic3A_178, %shift_left3A_179 : vector<16xi32>
      %mul3A_181 = arith.constant 16 : i32
      %mul3A_182 = arith.muli %add3A_164, %mul3A_181 : i32
      %add3A_183 = vector.broadcast %mul3A_182 : i32 to vector<16xi32>
      %add3A_184 = arith.addi %iota3A, %add3A_183 : vector<16xi32>
      %shift_left3A_185 = arith.constant 7 : i32
      %shift_left3A_186 = vector.broadcast %shift_left3A_185 : i32 to vector<16xi32>
      %shift_left3A_187 = arith.shli %add3A_184, %shift_left3A_186 : vector<16xi32>
      %or3A = arith.ori %shift_left3A_180, %shift_left3A_187 : vector<16xi32>
      %and3A_188 = arith.constant 127 : i32
      %and3A_189 = vector.broadcast %and3A_188 : i32 to vector<16xi32>
      %and3A_190 = arith.andi %get3A_168, %and3A_189 : vector<16xi32>
      %or3A_191 = arith.ori %or3A, %and3A_190 : vector<16xi32>
      %swap3A_192 = arith.index_cast %scan3A_156 : i32 to index
      %swap3A_193 = tpu.vector_load %arg6[%swap3A_192] masked %eq3A_175 {strides = array<i32>} : memref<16400xi32, #tpu.memory_space<vmem>>, vector<16xi32>, vector<16xi1>
      tpu.vector_store %arg6[%swap3A_192], %or3A_191 masked %eq3A_175 {strides = array<i32>} : memref<16400xi32, #tpu.memory_space<vmem>>, vector<16xi32>, vector<16xi1>
      %shift_right_arithmetic3A_194 = arith.constant 12 : i32
      %shift_right_arithmetic3A_195 = vector.broadcast %shift_right_arithmetic3A_194 : i32 to vector<16xi32>
      %shift_right_arithmetic3A_196 = arith.shrsi %get3A_168, %shift_right_arithmetic3A_195 : vector<16xi32>
      tpu.vector_store_idx %arg8[%shift_right_arithmetic3A_196], %broadcast_in_dim3A_1 masked %eq3A_175 {add = true} : memref<272xi32, #tpu.memory_space<vmem>>[vector<16xi32>], vector<16xi32>, vector<16xi1>
      %all_reduce_population_count3A = tpu.all_reduce %eq3A_175 {dim = 0 : i64, kind = #tpu.reduction_kind<sum>} : vector<16xi1> -> vector<16xi32>
      %slice3A_197 = vector.extract_strided_slice %all_reduce_population_count3A {offsets = [0], sizes = [1], strides = [1]} : vector<16xi32> to vector<1xi32>
      %squeeze3A_198 = vector.extract %slice3A_197[0] : i32 from vector<1xi32>
      %add3A_199 = arith.addi %scan3A_156, %squeeze3A_198 : i32
      %mul3A_200 = arith.constant 4 : i32
      %mul3A_201 = arith.muli %add3A_160, %mul3A_200 : i32
      %add3A_202 = arith.constant 1 : i32
      %add3A_203 = arith.addi %mul3A_201, %add3A_202 : i32
      %mul3A_204 = arith.constant 16 : i32
      %mul3A_205 = arith.muli %add3A_203, %mul3A_204 : i32
      %get3A_206 = arith.index_cast %mul3A_205 : i32 to index
      %get3A_207 = tpu.vector_load %arg5[%get3A_206] {strides = array<i32>} : memref<16384xi32, #tpu.memory_space<vmem>>, vector<16xi32>,
      %shift_right_arithmetic3A_208 = arith.constant 7 : i32
      %shift_right_arithmetic3A_209 = vector.broadcast %shift_right_arithmetic3A_208 : i32 to vector<16xi32>
      %shift_right_arithmetic3A_210 = arith.shrsi %get3A_207, %shift_right_arithmetic3A_209 : vector<16xi32>
      %and3A_211 = arith.constant 31 : i32
      %and3A_212 = vector.broadcast %and3A_211 : i32 to vector<16xi32>
      %and3A_213 = arith.andi %shift_right_arithmetic3A_210, %and3A_212 : vector<16xi32>
      %eq3A_214 = vector.broadcast %add3A : i32 to vector<16xi32>
      %eq3A_215 = arith.cmpi eq, %and3A_213, %eq3A_214 : vector<16xi32>
      %shift_right_arithmetic3A_216 = arith.constant 12 : i32
      %shift_right_arithmetic3A_217 = vector.broadcast %shift_right_arithmetic3A_216 : i32 to vector<16xi32>
      %shift_right_arithmetic3A_218 = arith.shrsi %get3A_207, %shift_right_arithmetic3A_217 : vector<16xi32>
      %shift_left3A_219 = arith.constant 21 : i32
      %shift_left3A_220 = vector.broadcast %shift_left3A_219 : i32 to vector<16xi32>
      %shift_left3A_221 = arith.shli %shift_right_arithmetic3A_218, %shift_left3A_220 : vector<16xi32>
      %mul3A_222 = arith.constant 16 : i32
      %mul3A_223 = arith.muli %add3A_203, %mul3A_222 : i32
      %add3A_224 = vector.broadcast %mul3A_223 : i32 to vector<16xi32>
      %add3A_225 = arith.addi %iota3A, %add3A_224 : vector<16xi32>
      %shift_left3A_226 = arith.constant 7 : i32
      %shift_left3A_227 = vector.broadcast %shift_left3A_226 : i32 to vector<16xi32>
      %shift_left3A_228 = arith.shli %add3A_225, %shift_left3A_227 : vector<16xi32>
      %or3A_229 = arith.ori %shift_left3A_221, %shift_left3A_228 : vector<16xi32>
      %and3A_230 = arith.constant 127 : i32
      %and3A_231 = vector.broadcast %and3A_230 : i32 to vector<16xi32>
      %and3A_232 = arith.andi %get3A_207, %and3A_231 : vector<16xi32>
      %or3A_233 = arith.ori %or3A_229, %and3A_232 : vector<16xi32>
      %swap3A_234 = arith.index_cast %add3A_199 : i32 to index
      %swap3A_235 = tpu.vector_load %arg6[%swap3A_234] masked %eq3A_215 {strides = array<i32>} : memref<16400xi32, #tpu.memory_space<vmem>>, vector<16xi32>, vector<16xi1>
      tpu.vector_store %arg6[%swap3A_234], %or3A_233 masked %eq3A_215 {strides = array<i32>} : memref<16400xi32, #tpu.memory_space<vmem>>, vector<16xi32>, vector<16xi1>
      %shift_right_arithmetic3A_236 = arith.constant 12 : i32
      %shift_right_arithmetic3A_237 = vector.broadcast %shift_right_arithmetic3A_236 : i32 to vector<16xi32>
      %shift_right_arithmetic3A_238 = arith.shrsi %get3A_207, %shift_right_arithmetic3A_237 : vector<16xi32>
      tpu.vector_store_idx %arg8[%shift_right_arithmetic3A_238], %broadcast_in_dim3A_1 masked %eq3A_215 {add = true} : memref<272xi32, #tpu.memory_space<vmem>>[vector<16xi32>], vector<16xi32>, vector<16xi1>
      %all_reduce_population_count3A_239 = tpu.all_reduce %eq3A_215 {dim = 0 : i64, kind = #tpu.reduction_kind<sum>} : vector<16xi1> -> vector<16xi32>
      %slice3A_240 = vector.extract_strided_slice %all_reduce_population_count3A_239 {offsets = [0], sizes = [1], strides = [1]} : vector<16xi32> to vector<1xi32>
      %squeeze3A_241 = vector.extract %slice3A_240[0] : i32 from vector<1xi32>
      %add3A_242 = arith.addi %add3A_199, %squeeze3A_241 : i32
      %mul3A_243 = arith.constant 4 : i32
      %mul3A_244 = arith.muli %add3A_160, %mul3A_243 : i32
      %add3A_245 = arith.constant 2 : i32
      %add3A_246 = arith.addi %mul3A_244, %add3A_245 : i32
      %mul3A_247 = arith.constant 16 : i32
      %mul3A_248 = arith.muli %add3A_246, %mul3A_247 : i32
      %get3A_249 = arith.index_cast %mul3A_248 : i32 to index
      %get3A_250 = tpu.vector_load %arg5[%get3A_249] {strides = array<i32>} : memref<16384xi32, #tpu.memory_space<vmem>>, vector<16xi32>,
      %shift_right_arithmetic3A_251 = arith.constant 7 : i32
      %shift_right_arithmetic3A_252 = vector.broadcast %shift_right_arithmetic3A_251 : i32 to vector<16xi32>
      %shift_right_arithmetic3A_253 = arith.shrsi %get3A_250, %shift_right_arithmetic3A_252 : vector<16xi32>
      %and3A_254 = arith.constant 31 : i32
      %and3A_255 = vector.broadcast %and3A_254 : i32 to vector<16xi32>
      %and3A_256 = arith.andi %shift_right_arithmetic3A_253, %and3A_255 : vector<16xi32>
      %eq3A_257 = vector.broadcast %add3A : i32 to vector<16xi32>
      %eq3A_258 = arith.cmpi eq, %and3A_256, %eq3A_257 : vector<16xi32>
      %shift_right_arithmetic3A_259 = arith.constant 12 : i32
      %shift_right_arithmetic3A_260 = vector.broadcast %shift_right_arithmetic3A_259 : i32 to vector<16xi32>
      %shift_right_arithmetic3A_261 = arith.shrsi %get3A_250, %shift_right_arithmetic3A_260 : vector<16xi32>
      %shift_left3A_262 = arith.constant 21 : i32
      %shift_left3A_263 = vector.broadcast %shift_left3A_262 : i32 to vector<16xi32>
      %shift_left3A_264 = arith.shli %shift_right_arithmetic3A_261, %shift_left3A_263 : vector<16xi32>
      %mul3A_265 = arith.constant 16 : i32
      %mul3A_266 = arith.muli %add3A_246, %mul3A_265 : i32
      %add3A_267 = vector.broadcast %mul3A_266 : i32 to vector<16xi32>
      %add3A_268 = arith.addi %iota3A, %add3A_267 : vector<16xi32>
      %shift_left3A_269 = arith.constant 7 : i32
      %shift_left3A_270 = vector.broadcast %shift_left3A_269 : i32 to vector<16xi32>
      %shift_left3A_271 = arith.shli %add3A_268, %shift_left3A_270 : vector<16xi32>
      %or3A_272 = arith.ori %shift_left3A_264, %shift_left3A_271 : vector<16xi32>
      %and3A_273 = arith.constant 127 : i32
      %and3A_274 = vector.broadcast %and3A_273 : i32 to vector<16xi32>
      %and3A_275 = arith.andi %get3A_250, %and3A_274 : vector<16xi32>
      %or3A_276 = arith.ori %or3A_272, %and3A_275 : vector<16xi32>
      %swap3A_277 = arith.index_cast %add3A_242 : i32 to index
      %swap3A_278 = tpu.vector_load %arg6[%swap3A_277] masked %eq3A_258 {strides = array<i32>} : memref<16400xi32, #tpu.memory_space<vmem>>, vector<16xi32>, vector<16xi1>
      tpu.vector_store %arg6[%swap3A_277], %or3A_276 masked %eq3A_258 {strides = array<i32>} : memref<16400xi32, #tpu.memory_space<vmem>>, vector<16xi32>, vector<16xi1>
      %shift_right_arithmetic3A_279 = arith.constant 12 : i32
      %shift_right_arithmetic3A_280 = vector.broadcast %shift_right_arithmetic3A_279 : i32 to vector<16xi32>
      %shift_right_arithmetic3A_281 = arith.shrsi %get3A_250, %shift_right_arithmetic3A_280 : vector<16xi32>
      tpu.vector_store_idx %arg8[%shift_right_arithmetic3A_281], %broadcast_in_dim3A_1 masked %eq3A_258 {add = true} : memref<272xi32, #tpu.memory_space<vmem>>[vector<16xi32>], vector<16xi32>, vector<16xi1>
      %all_reduce_population_count3A_282 = tpu.all_reduce %eq3A_258 {dim = 0 : i64, kind = #tpu.reduction_kind<sum>} : vector<16xi1> -> vector<16xi32>
      %slice3A_283 = vector.extract_strided_slice %all_reduce_population_count3A_282 {offsets = [0], sizes = [1], strides = [1]} : vector<16xi32> to vector<1xi32>
      %squeeze3A_284 = vector.extract %slice3A_283[0] : i32 from vector<1xi32>
      %add3A_285 = arith.addi %add3A_242, %squeeze3A_284 : i32
      %mul3A_286 = arith.constant 4 : i32
      %mul3A_287 = arith.muli %add3A_160, %mul3A_286 : i32
      %add3A_288 = arith.constant 3 : i32
      %add3A_289 = arith.addi %mul3A_287, %add3A_288 : i32
      %mul3A_290 = arith.constant 16 : i32
      %mul3A_291 = arith.muli %add3A_289, %mul3A_290 : i32
      %get3A_292 = arith.index_cast %mul3A_291 : i32 to index
      %get3A_293 = tpu.vector_load %arg5[%get3A_292] {strides = array<i32>} : memref<16384xi32, #tpu.memory_space<vmem>>, vector<16xi32>,
      %shift_right_arithmetic3A_294 = arith.constant 7 : i32
      %shift_right_arithmetic3A_295 = vector.broadcast %shift_right_arithmetic3A_294 : i32 to vector<16xi32>
      %shift_right_arithmetic3A_296 = arith.shrsi %get3A_293, %shift_right_arithmetic3A_295 : vector<16xi32>
      %and3A_297 = arith.constant 31 : i32
      %and3A_298 = vector.broadcast %and3A_297 : i32 to vector<16xi32>
      %and3A_299 = arith.andi %shift_right_arithmetic3A_296, %and3A_298 : vector<16xi32>
      %eq3A_300 = vector.broadcast %add3A : i32 to vector<16xi32>
      %eq3A_301 = arith.cmpi eq, %and3A_299, %eq3A_300 : vector<16xi32>
      %shift_right_arithmetic3A_302 = arith.constant 12 : i32
      %shift_right_arithmetic3A_303 = vector.broadcast %shift_right_arithmetic3A_302 : i32 to vector<16xi32>
      %shift_right_arithmetic3A_304 = arith.shrsi %get3A_293, %shift_right_arithmetic3A_303 : vector<16xi32>
      %shift_left3A_305 = arith.constant 21 : i32
      %shift_left3A_306 = vector.broadcast %shift_left3A_305 : i32 to vector<16xi32>
      %shift_left3A_307 = arith.shli %shift_right_arithmetic3A_304, %shift_left3A_306 : vector<16xi32>
      %mul3A_308 = arith.constant 16 : i32
      %mul3A_309 = arith.muli %add3A_289, %mul3A_308 : i32
      %add3A_310 = vector.broadcast %mul3A_309 : i32 to vector<16xi32>
      %add3A_311 = arith.addi %iota3A, %add3A_310 : vector<16xi32>
      %shift_left3A_312 = arith.constant 7 : i32
      %shift_left3A_313 = vector.broadcast %shift_left3A_312 : i32 to vector<16xi32>
      %shift_left3A_314 = arith.shli %add3A_311, %shift_left3A_313 : vector<16xi32>
      %or3A_315 = arith.ori %shift_left3A_307, %shift_left3A_314 : vector<16xi32>
      %and3A_316 = arith.constant 127 : i32
      %and3A_317 = vector.broadcast %and3A_316 : i32 to vector<16xi32>
      %and3A_318 = arith.andi %get3A_293, %and3A_317 : vector<16xi32>
      %or3A_319 = arith.ori %or3A_315, %and3A_318 : vector<16xi32>
      %swap3A_320 = arith.index_cast %add3A_285 : i32 to index
      %swap3A_321 = tpu.vector_load %arg6[%swap3A_320] masked %eq3A_301 {strides = array<i32>} : memref<16400xi32, #tpu.memory_space<vmem>>, vector<16xi32>, vector<16xi1>
      tpu.vector_store %arg6[%swap3A_320], %or3A_319 masked %eq3A_301 {strides = array<i32>} : memref<16400xi32, #tpu.memory_space<vmem>>, vector<16xi32>, vector<16xi1>
      %shift_right_arithmetic3A_322 = arith.constant 12 : i32
      %shift_right_arithmetic3A_323 = vector.broadcast %shift_right_arithmetic3A_322 : i32 to vector<16xi32>
      %shift_right_arithmetic3A_324 = arith.shrsi %get3A_293, %shift_right_arithmetic3A_323 : vector<16xi32>
      tpu.vector_store_idx %arg8[%shift_right_arithmetic3A_324], %broadcast_in_dim3A_1 masked %eq3A_301 {add = true} : memref<272xi32, #tpu.memory_space<vmem>>[vector<16xi32>], vector<16xi32>, vector<16xi1>
      %all_reduce_population_count3A_325 = tpu.all_reduce %eq3A_301 {dim = 0 : i64, kind = #tpu.reduction_kind<sum>} : vector<16xi1> -> vector<16xi32>
      %slice3A_326 = vector.extract_strided_slice %all_reduce_population_count3A_325 {offsets = [0], sizes = [1], strides = [1]} : vector<16xi32> to vector<1xi32>
      %squeeze3A_327 = vector.extract %slice3A_326[0] : i32 from vector<1xi32>
      %add3A_328 = arith.addi %add3A_285, %squeeze3A_327 : i32
      scf.yield %add3A_328 : i32
    }
    %scan3A_103 = arith.constant 256 : i32
    %scan3A_104 = arith.constant 0 : i32
    %scan3A_105 = arith.constant 0 : i32
    %scan3A_106 = arith.constant 17 : i32
    %scan3A_107 = arith.addi %scan3A_105, %scan3A_106 : i32
    %scan3A_108 = arith.constant 1 : i32
    %scan3A_109 = scf.for %scan3A_155 = %scan3A_105 to %scan3A_107 step %scan3A_108 iter_args(%scan3A_156 = %scan3A_104) -> (i32)  : i32 {
      %mul3A_157 = arith.constant 1 : i32
      %mul3A_158 = arith.muli %scan3A_155, %mul3A_157 : i32
      %add3A_159 = arith.constant 0 : i32
      %add3A_160 = arith.addi %add3A_159, %mul3A_158 : i32
      %mul3A_161 = arith.constant 16 : i32
      %mul3A_162 = arith.muli %add3A_160, %mul3A_161 : i32
      %get3A_163 = arith.index_cast %mul3A_162 : i32 to index
      %get3A_164 = tpu.vector_load %arg8[%get3A_163] {strides = array<i32>} : memref<272xi32, #tpu.memory_space<vmem>>, vector<16xi32>,
      %broadcast_in_dim3A_165 = arith.constant true
      %broadcast_in_dim3A_166 = vector.broadcast %broadcast_in_dim3A_165 : i1 to vector<16xi1>
      %masked_cumsum3A = tpu.scan <sum>, %get3A_164 masked %broadcast_in_dim3A_166 : vector<16xi32>, vector<16xi1> -> vector<16xi32>
      %sub3A_167 = arith.subi %masked_cumsum3A, %get3A_164 : vector<16xi32>
      %add3A_168 = vector.broadcast %scan3A_156 : i32 to vector<16xi32>
      %add3A_169 = arith.addi %sub3A_167, %add3A_168 : vector<16xi32>
      %mul3A_170 = arith.constant 16 : i32
      %mul3A_171 = arith.muli %add3A_160, %mul3A_170 : i32
      %swap3A_172 = arith.index_cast %mul3A_171 : i32 to index
      %swap3A_173 = tpu.vector_load %arg9[%swap3A_172] {strides = array<i32>} : memref<272xi32, #tpu.memory_space<vmem>>, vector<16xi32>,
      tpu.vector_store %arg9[%swap3A_172], %add3A_169 {strides = array<i32>} : memref<272xi32, #tpu.memory_space<vmem>>, vector<16xi32>,
      %sub3A_174 = arith.subi %masked_cumsum3A, %get3A_164 : vector<16xi32>
      %add3A_175 = vector.broadcast %scan3A_156 : i32 to vector<16xi32>
      %add3A_176 = arith.addi %sub3A_174, %add3A_175 : vector<16xi32>
      %mul3A_177 = arith.constant 16 : i32
      %mul3A_178 = arith.muli %add3A_160, %mul3A_177 : i32
      %swap3A_179 = arith.index_cast %mul3A_178 : i32 to index
      %swap3A_180 = tpu.vector_load %arg10[%swap3A_179] {strides = array<i32>} : memref<272xi32, #tpu.memory_space<vmem>>, vector<16xi32>,
      tpu.vector_store %arg10[%swap3A_179], %add3A_176 {strides = array<i32>} : memref<272xi32, #tpu.memory_space<vmem>>, vector<16xi32>,
      %slice3A_181 = vector.extract_strided_slice %masked_cumsum3A {offsets = [15], sizes = [1], strides = [1]} : vector<16xi32> to vector<1xi32>
      %squeeze3A_182 = vector.extract %slice3A_181[0] : i32 from vector<1xi32>
      %add3A_183 = arith.addi %scan3A_156, %squeeze3A_182 : i32
      scf.yield %add3A_183 : i32
    }
    %scan3A_110 = arith.constant 17 : i32
    %sub3A_111 = arith.constant 0 : i32
    %sub3A_112 = arith.subi %scan3A_102, %sub3A_111 : i32
    %sub3A_113 = arith.constant 1 : i32
    %sub3A_114 = arith.constant 1 : i32
    %sub3A_115 = arith.subi %sub3A_113, %sub3A_114 : i32
    %add3A_116 = arith.addi %sub3A_112, %sub3A_115 : i32
    %div3A_117 = arith.constant 1 : i32
    %div3A_118 = arith.divsi %add3A_116, %div3A_117 : i32
    %while3A = arith.constant 1 : i32
    %while3A_119 = arith.constant 0 : i32
    %while3A_120 = arith.constant 0 : i32
    %while3A_121 = arith.subi %div3A_118, %while3A_120 : i32
    %while3A_122 = arith.addi %while3A_120, %while3A_121 : i32
    %while3A_123 = arith.constant 1 : i32
    %while3A_124 = arith.divsi %while3A_121, %while3A_123 : i32
    %while3A_125 = arith.muli %while3A_124, %while3A_123 : i32
    %while3A_126 = arith.addi %while3A_120, %while3A_125 : i32
    %while3A_127 = arith.constant 1 : i32
    scf.for %while3A_155 = %while3A_120 to %while3A_126 step %while3A_127  : i32 {
      %mul3A_156 = arith.muli %while3A_155, %while3A : i32
      %add3A_157 = arith.addi %while3A_119, %mul3A_156 : i32
      %get3A_158 = arith.index_cast %add3A_157 : i32 to index
      %get3A_159 = tpu.vector_load %arg6[%get3A_158] {strides = array<i32>} : memref<16400xi32, #tpu.memory_space<vmem>>, vector<16xi32>,
      %slice3A_160 = vector.extract_strided_slice %get3A_159 {offsets = [0], sizes = [1], strides = [1]} : vector<16xi32> to vector<1xi32>
      %squeeze3A_161 = vector.extract %slice3A_160[0] : i32 from vector<1xi32>
      %shift_right_arithmetic3A = arith.constant 21 : i32
      %shift_right_arithmetic3A_162 = arith.shrsi %squeeze3A_161, %shift_right_arithmetic3A : i32
      %get3A_163 = arith.index_cast %shift_right_arithmetic3A_162 : i32 to index
      %get3A_164 = tpu.vector_load %arg10[%get3A_163] {strides = array<i32>} : memref<272xi32, #tpu.memory_space<vmem>>, vector<16xi32>,
      %slice3A_165 = vector.extract_strided_slice %get3A_164 {offsets = [0], sizes = [1], strides = [1]} : vector<16xi32> to vector<1xi32>
      %squeeze3A_166 = vector.extract %slice3A_165[0] : i32 from vector<1xi32>
      %broadcast_in_dim3A_167 = vector.broadcast %squeeze3A_166 : i32 to vector<16xi32>
      %broadcast_in_dim3A_168 = vector.broadcast %squeeze3A_161 : i32 to vector<16xi32>
      tpu.vector_store_idx %arg7[%broadcast_in_dim3A_167], %broadcast_in_dim3A_168 masked %eq3A_5 : memref<16400xi32, #tpu.memory_space<vmem>>[vector<16xi32>], vector<16xi32>, vector<16xi1>
      %broadcast_in_dim3A_169 = vector.broadcast %shift_right_arithmetic3A_162 : i32 to vector<16xi32>
      %add3A_170 = arith.constant 1 : i32
      %add3A_171 = arith.addi %squeeze3A_166, %add3A_170 : i32
      %broadcast_in_dim3A_172 = vector.broadcast %add3A_171 : i32 to vector<16xi32>
      tpu.vector_store_idx %arg10[%broadcast_in_dim3A_169], %broadcast_in_dim3A_172 masked %eq3A_5 : memref<272xi32, #tpu.memory_space<vmem>>[vector<16xi32>], vector<16xi32>, vector<16xi1>
    }
    %while3A_128 = arith.constant 1 : i32
    scf.for %while3A_155 = %while3A_126 to %while3A_122 step %while3A_128  : i32 {
      %mul3A_156 = arith.muli %while3A_155, %while3A : i32
      %add3A_157 = arith.addi %while3A_119, %mul3A_156 : i32
      %get3A_158 = arith.index_cast %add3A_157 : i32 to index
      %get3A_159 = tpu.vector_load %arg6[%get3A_158] {strides = array<i32>} : memref<16400xi32, #tpu.memory_space<vmem>>, vector<16xi32>,
      %slice3A_160 = vector.extract_strided_slice %get3A_159 {offsets = [0], sizes = [1], strides = [1]} : vector<16xi32> to vector<1xi32>
      %squeeze3A_161 = vector.extract %slice3A_160[0] : i32 from vector<1xi32>
      %shift_right_arithmetic3A = arith.constant 21 : i32
      %shift_right_arithmetic3A_162 = arith.shrsi %squeeze3A_161, %shift_right_arithmetic3A : i32
      %get3A_163 = arith.index_cast %shift_right_arithmetic3A_162 : i32 to index
      %get3A_164 = tpu.vector_load %arg10[%get3A_163] {strides = array<i32>} : memref<272xi32, #tpu.memory_space<vmem>>, vector<16xi32>,
      %slice3A_165 = vector.extract_strided_slice %get3A_164 {offsets = [0], sizes = [1], strides = [1]} : vector<16xi32> to vector<1xi32>
      %squeeze3A_166 = vector.extract %slice3A_165[0] : i32 from vector<1xi32>
      %broadcast_in_dim3A_167 = vector.broadcast %squeeze3A_166 : i32 to vector<16xi32>
      %broadcast_in_dim3A_168 = vector.broadcast %squeeze3A_161 : i32 to vector<16xi32>
      tpu.vector_store_idx %arg7[%broadcast_in_dim3A_167], %broadcast_in_dim3A_168 masked %eq3A_5 : memref<16400xi32, #tpu.memory_space<vmem>>[vector<16xi32>], vector<16xi32>, vector<16xi1>
      %broadcast_in_dim3A_169 = vector.broadcast %shift_right_arithmetic3A_162 : i32 to vector<16xi32>
      %add3A_170 = arith.constant 1 : i32
      %add3A_171 = arith.addi %squeeze3A_166, %add3A_170 : i32
      %broadcast_in_dim3A_172 = vector.broadcast %add3A_171 : i32 to vector<16xi32>
      tpu.vector_store_idx %arg10[%broadcast_in_dim3A_169], %broadcast_in_dim3A_172 masked %eq3A_5 : memref<272xi32, #tpu.memory_space<vmem>>[vector<16xi32>], vector<16xi32>, vector<16xi1>
    }
    %scan3A_129 = arith.constant 0 : i32
    %scan3A_130 = arith.constant 31 : i32
    %scan3A_131 = arith.addi %scan3A_129, %scan3A_130 : i32
    %scan3A_132 = arith.constant 1 : i32
    scf.for %scan3A_155 = %scan3A_129 to %scan3A_131 step %scan3A_132  : i32 {
      %mul3A_156 = arith.constant 1 : i32
      %mul3A_157 = arith.muli %scan3A_155, %mul3A_156 : i32
      %add3A_158 = arith.constant 0 : i32
      %add3A_159 = arith.addi %add3A_158, %mul3A_157 : i32
      %mul3A_160 = arith.constant 8 : i32
      %mul3A_161 = arith.muli %add3A_159, %mul3A_160 : i32
      %add3A_162 = arith.constant 0 : i32
      %add3A_163 = arith.addi %mul3A_161, %add3A_162 : i32
      %lt3A = arith.constant 8 : i32
      %lt3A_164 = arith.cmpi slt, %add3A_163, %lt3A : i32
      %lt3A_165 = arith.cmpi slt, %add3A_163, %add3A_60 : i32
      %lt3A_166 = arith.cmpi slt, %add3A_163, %add3A_60 : i32
      %get3A_167 = arith.index_cast %add3A_163 : i32 to index
      %get3A_168 = tpu.vector_load %arg8[%get3A_167] {strides = array<i32>} : memref<272xi32, #tpu.memory_space<vmem>>, vector<16xi32>,
      %slice3A_169 = vector.extract_strided_slice %get3A_168 {offsets = [0], sizes = [1], strides = [1]} : vector<16xi32> to vector<1xi32>
      %squeeze3A_170 = vector.extract %slice3A_169[0] : i32 from vector<1xi32>
      %gt3A_171 = arith.constant 0 : i32
      %gt3A_172 = arith.cmpi sgt, %squeeze3A_170, %gt3A_171 : i32
      %and3A_173 = arith.andi %lt3A_166, %gt3A_172 : i1
      %select_n3A_174 = arith.select %lt3A_164, %lt3A_165, %and3A_173 : i1
      %convert_element_type3A_175 = arith.extui %select_n3A_174 : i1 to i32
      %cond3A_176 = arith.constant 0 : i32
      %cond3A_177 = arith.cmpi ne, %convert_element_type3A_175, %cond3A_176 : i32
      scf.if %cond3A_177 {
        %dma_wait3A = arith.constant 0 : i32
        %dma_wait3A_431 = arith.constant 0 : i32
        %dma_wait3A_432 = tpu.memref_slice %arg3[%dma_wait3A, %dma_wait3A_431] : memref<64x1000000xf32, #tpu.memory_space<hbm>> -> memref<64x128xf32, #tpu.memory_space<hbm>>
        %dma_wait3A_433 = arith.constant 0 : i32
        %dma_wait3A_434 = arith.constant 0 : i32
        %dma_wait3A_435 = tpu.memref_slice %arg3[%dma_wait3A_433, %dma_wait3A_434] : memref<64x1000000xf32, #tpu.memory_space<hbm>> -> memref<64x128xf32, #tpu.memory_space<hbm>>
        tpu.wait_dma2 semaphore(%arg21 : memref<!tpu.dma_semaphore, #tpu.memory_space<semaphore_mem>>) src(%dma_wait3A_435 : memref<64x128xf32, #tpu.memory_space<hbm>>) dst(%arg11 : memref<64x128xf32, #tpu.memory_space<vmem>>)
        %get3A_436 = arith.index_cast %add3A_163 : i32 to index
        %get3A_437 = tpu.vector_load %arg9[%get3A_436] {strides = array<i32>} : memref<272xi32, #tpu.memory_space<vmem>>, vector<16xi32>,
        %slice3A_438 = vector.extract_strided_slice %get3A_437 {offsets = [0], sizes = [1], strides = [1]} : vector<16xi32> to vector<1xi32>
        %squeeze3A_439 = vector.extract %slice3A_438[0] : i32 from vector<1xi32>
        %get3A_440 = arith.index_cast %add3A_163 : i32 to index
        %get3A_441 = tpu.vector_load %arg8[%get3A_440] {strides = array<i32>} : memref<272xi32, #tpu.memory_space<vmem>>, vector<16xi32>,
        %slice3A_442 = vector.extract_strided_slice %get3A_441 {offsets = [0], sizes = [1], strides = [1]} : vector<16xi32> to vector<1xi32>
        %squeeze3A_443 = vector.extract %slice3A_442[0] : i32 from vector<1xi32>
        %sub3A_444 = arith.constant 0 : i32
        %sub3A_445 = arith.subi %squeeze3A_443, %sub3A_444 : i32
        %sub3A_446 = arith.constant 1 : i32
        %sub3A_447 = arith.constant 1 : i32
        %sub3A_448 = arith.subi %sub3A_446, %sub3A_447 : i32
        %add3A_449 = arith.addi %sub3A_445, %sub3A_448 : i32
        %div3A_450 = arith.constant 1 : i32
        %div3A_451 = arith.divsi %add3A_449, %div3A_450 : i32
        %while3A_452 = arith.constant 1 : i32
        %while3A_453 = arith.constant 0 : i32
        %while3A_454 = arith.constant 0 : i32
        %while3A_455 = arith.subi %div3A_451, %while3A_454 : i32
        %while3A_456 = arith.addi %while3A_454, %while3A_455 : i32
        %while3A_457 = arith.constant 1 : i32
        %while3A_458 = arith.divsi %while3A_455, %while3A_457 : i32
        %while3A_459 = arith.muli %while3A_458, %while3A_457 : i32
        %while3A_460 = arith.addi %while3A_454, %while3A_459 : i32
        %while3A_461 = arith.constant 1 : i32
        scf.for %while3A_463 = %while3A_454 to %while3A_460 step %while3A_461  : i32 {
          %mul3A_464 = arith.muli %while3A_463, %while3A_452 : i32
          %add3A_465 = arith.addi %while3A_453, %mul3A_464 : i32
          %add3A_466 = arith.addi %squeeze3A_439, %add3A_465 : i32
          %get3A_467 = arith.index_cast %add3A_466 : i32 to index
          %get3A_468 = tpu.vector_load %arg7[%get3A_467] {strides = array<i32>} : memref<16400xi32, #tpu.memory_space<vmem>>, vector<16xi32>,
          %slice3A_469 = vector.extract_strided_slice %get3A_468 {offsets = [0], sizes = [1], strides = [1]} : vector<16xi32> to vector<1xi32>
          %squeeze3A_470 = vector.extract %slice3A_469[0] : i32 from vector<1xi32>
          %shift_right_arithmetic3A = arith.constant 7 : i32
          %shift_right_arithmetic3A_471 = arith.shrsi %squeeze3A_470, %shift_right_arithmetic3A : i32
          %and3A_472 = arith.constant 16383 : i32
          %and3A_473 = arith.andi %shift_right_arithmetic3A_471, %and3A_472 : i32
          %and3A_474 = arith.constant 127 : i32
          %and3A_475 = arith.andi %squeeze3A_470, %and3A_474 : i32
          %broadcast_in_dim3A_476 = vector.broadcast %and3A_475 : i32 to vector<16xi32>
          %get3A_477 = arith.constant 0 : index
          %get3A_478 = tpu.vector_load %arg20[%get3A_477] {strides = array<i32>} : memref<16xi32, #tpu.memory_space<vmem>>, vector<16xi32>,
          %slice3A_479 = vector.extract_strided_slice %get3A_478 {offsets = [0], sizes = [1], strides = [1]} : vector<16xi32> to vector<1xi32>
          %squeeze3A_480 = vector.extract %slice3A_479[0] : i32 from vector<1xi32>
          %and3A_481 = arith.constant 63 : i32
          %and3A_482 = arith.andi %squeeze3A_480, %and3A_481 : i32
          %ge3A = arith.constant 64 : i32
          %ge3A_483 = arith.cmpi sge, %squeeze3A_480, %ge3A : i32
          %convert_element_type3A_484 = arith.extui %ge3A_483 : i1 to i32
          %cond3A_485 = arith.constant 0 : i32
          %cond3A_486 = arith.cmpi ne, %convert_element_type3A_484, %cond3A_485 : i32
          scf.if %cond3A_486 {
            %dma_wait3A_528 = arith.constant 0 : i32
            %dma_wait3A_529 = arith.constant 0 : i32
            %dma_wait3A_530 = tpu.memref_slice %arg19[%dma_wait3A_528, %dma_wait3A_529] : memref<64x64xf32, #tpu.memory_space<vmem>> -> memref<1x64xf32, #tpu.memory_space<vmem>>
            %dma_wait3A_531 = tpu.memref_squeeze %dma_wait3A_530 : memref<1x64xf32, #tpu.memory_space<vmem>> -> memref<64xf32, #tpu.memory_space<vmem>>
            %dma_wait3A_532 = arith.constant 0 : i32
            %dma_wait3A_533 = tpu.memref_slice %arg4[%dma_wait3A_532] : memref<1048576xf32, #tpu.memory_space<hbm>> -> memref<64xf32, #tpu.memory_space<hbm>>
            %dma_wait3A_534 = arith.constant 0 : i32
            %dma_wait3A_535 = tpu.memref_slice %arg19[%dma_wait3A_528, %dma_wait3A_534] : memref<64x64xf32, #tpu.memory_space<vmem>> -> memref<1x64xf32, #tpu.memory_space<vmem>>
            %dma_wait3A_536 = tpu.memref_squeeze %dma_wait3A_535 : memref<1x64xf32, #tpu.memory_space<vmem>> -> memref<64xf32, #tpu.memory_space<vmem>>
            %dma_wait3A_537 = arith.constant 0 : i32
            %dma_wait3A_538 = tpu.memref_slice %arg4[%dma_wait3A_537] : memref<1048576xf32, #tpu.memory_space<hbm>> -> memref<64xf32, #tpu.memory_space<hbm>>
            tpu.wait_dma2 semaphore(%arg29 : memref<!tpu.dma_semaphore, #tpu.memory_space<semaphore_mem>>) src(%dma_wait3A_538 : memref<64xf32, #tpu.memory_space<hbm>>) dst(%dma_wait3A_536 : memref<64xf32, #tpu.memory_space<vmem>>)
          } else {
          }
          %add3A_487 = arith.constant 0 : i32
          %add3A_488 = vector.broadcast %add3A_487 : i32 to vector<16xi32>
          %add3A_489 = arith.addi %iota3A, %add3A_488 : vector<16xi32>
          %gather3A = tpu.vector_load_idx %arg11[%add3A_489, %broadcast_in_dim3A_476] : memref<64x128xf32, #tpu.memory_space<vmem>>[vector<16xi32>, vector<16xi32>], vector<16xf32>,
          %swap3A_490 = arith.index_cast %and3A_482 : i32 to index
          %swap3A_491 = arith.constant 0 : index
          %swap3A_492 = tpu.vector_load %arg19[%swap3A_490, %swap3A_491] {strides = array<i32>} : memref<64x64xf32, #tpu.memory_space<vmem>>, vector<16xf32>,
          tpu.vector_store %arg19[%swap3A_490, %swap3A_491], %gather3A {strides = array<i32>} : memref<64x64xf32, #tpu.memory_space<vmem>>, vector<16xf32>,
          %add3A_493 = arith.constant 16 : i32
          %add3A_494 = vector.broadcast %add3A_493 : i32 to vector<16xi32>
          %add3A_495 = arith.addi %iota3A, %add3A_494 : vector<16xi32>
          %gather3A_496 = tpu.vector_load_idx %arg11[%add3A_495, %broadcast_in_dim3A_476] : memref<64x128xf32, #tpu.memory_space<vmem>>[vector<16xi32>, vector<16xi32>], vector<16xf32>,
          %swap3A_497 = arith.index_cast %and3A_482 : i32 to index
          %swap3A_498 = arith.constant 16 : index
          %swap3A_499 = tpu.vector_load %arg19[%swap3A_497, %swap3A_498] {strides = array<i32>} : memref<64x64xf32, #tpu.memory_space<vmem>>, vector<16xf32>,
          tpu.vector_store %arg19[%swap3A_497, %swap3A_498], %gather3A_496 {strides = array<i32>} : memref<64x64xf32, #tpu.memory_space<vmem>>, vector<16xf32>,
          %add3A_500 = arith.constant 32 : i32
          %add3A_501 = vector.broadcast %add3A_500 : i32 to vector<16xi32>
          %add3A_502 = arith.addi %iota3A, %add3A_501 : vector<16xi32>
          %gather3A_503 = tpu.vector_load_idx %arg11[%add3A_502, %broadcast_in_dim3A_476] : memref<64x128xf32, #tpu.memory_space<vmem>>[vector<16xi32>, vector<16xi32>], vector<16xf32>,
          %swap3A_504 = arith.index_cast %and3A_482 : i32 to index
          %swap3A_505 = arith.constant 32 : index
          %swap3A_506 = tpu.vector_load %arg19[%swap3A_504, %swap3A_505] {strides = array<i32>} : memref<64x64xf32, #tpu.memory_space<vmem>>, vector<16xf32>,
          tpu.vector_store %arg19[%swap3A_504, %swap3A_505], %gather3A_503 {strides = array<i32>} : memref<64x64xf32, #tpu.memory_space<vmem>>, vector<16xf32>,
          %add3A_507 = arith.constant 48 : i32
          %add3A_508 = vector.broadcast %add3A_507 : i32 to vector<16xi32>
          %add3A_509 = arith.addi %iota3A, %add3A_508 : vector<16xi32>
          %gather3A_510 = tpu.vector_load_idx %arg11[%add3A_509, %broadcast_in_dim3A_476] : memref<64x128xf32, #tpu.memory_space<vmem>>[vector<16xi32>, vector<16xi32>], vector<16xf32>,
          %swap3A_511 = arith.index_cast %and3A_482 : i32 to index
          %swap3A_512 = arith.constant 48 : index
          %swap3A_513 = tpu.vector_load %arg19[%swap3A_511, %swap3A_512] {strides = array<i32>} : memref<64x64xf32, #tpu.memory_space<vmem>>, vector<16xf32>,
          tpu.vector_store %arg19[%swap3A_511, %swap3A_512], %gather3A_510 {strides = array<i32>} : memref<64x64xf32, #tpu.memory_space<vmem>>, vector<16xf32>,
          %mul3A_514 = arith.constant 64 : i32
          %mul3A_515 = arith.muli %and3A_473, %mul3A_514 : i32
          %dma_start3A = arith.constant 0 : i32
          %dma_start3A_516 = tpu.memref_slice %arg19[%and3A_482, %dma_start3A] : memref<64x64xf32, #tpu.memory_space<vmem>> -> memref<1x64xf32, #tpu.memory_space<vmem>>
          %dma_start3A_517 = tpu.memref_squeeze %dma_start3A_516 : memref<1x64xf32, #tpu.memory_space<vmem>> -> memref<64xf32, #tpu.memory_space<vmem>>
          %dma_start3A_518 = tpu.memref_slice %arg4[%mul3A_515] : memref<1048576xf32, #tpu.memory_space<hbm>> -> memref<64xf32, #tpu.memory_space<hbm>>
          %dma_start3A_519 = tpu.memref_slice %arg4[%mul3A_515] : memref<1048576xf32, #tpu.memory_space<hbm>> -> memref<64xf32, #tpu.memory_space<hbm>>
          %dma_start3A_520 = arith.constant 0 : i32
          %dma_start3A_521 = tpu.memref_slice %arg19[%and3A_482, %dma_start3A_520] : memref<64x64xf32, #tpu.memory_space<vmem>> -> memref<1x64xf32, #tpu.memory_space<vmem>>
          %dma_start3A_522 = tpu.memref_squeeze %dma_start3A_521 : memref<1x64xf32, #tpu.memory_space<vmem>> -> memref<64xf32, #tpu.memory_space<vmem>>
          tpu.enqueue_dma source(%dma_start3A_522 : memref<64xf32, #tpu.memory_space<vmem>>) target(%dma_start3A_519 : memref<64xf32, #tpu.memory_space<hbm>>) target_semaphore(%arg29 : memref<!tpu.dma_semaphore, #tpu.memory_space<semaphore_mem>>)
          %add3A_523 = arith.constant 1 : i32
          %add3A_524 = arith.addi %squeeze3A_480, %add3A_523 : i32
          %broadcast_in_dim3A_525 = vector.broadcast %add3A_524 : i32 to vector<16xi32>
          %swap3A_526 = arith.constant 0 : index
          %swap3A_527 = tpu.vector_load %arg20[%swap3A_526] {strides = array<i32>} : memref<16xi32, #tpu.memory_space<vmem>>, vector<16xi32>,
          tpu.vector_store %arg20[%swap3A_526], %broadcast_in_dim3A_525 {strides = array<i32>} : memref<16xi32, #tpu.memory_space<vmem>>, vector<16xi32>,
        }
        %while3A_462 = arith.constant 1 : i32
        scf.for %while3A_463 = %while3A_460 to %while3A_456 step %while3A_462  : i32 {
          %mul3A_464 = arith.muli %while3A_463, %while3A_452 : i32
          %add3A_465 = arith.addi %while3A_453, %mul3A_464 : i32
          %add3A_466 = arith.addi %squeeze3A_439, %add3A_465 : i32
          %get3A_467 = arith.index_cast %add3A_466 : i32 to index
          %get3A_468 = tpu.vector_load %arg7[%get3A_467] {strides = array<i32>} : memref<16400xi32, #tpu.memory_space<vmem>>, vector<16xi32>,
          %slice3A_469 = vector.extract_strided_slice %get3A_468 {offsets = [0], sizes = [1], strides = [1]} : vector<16xi32> to vector<1xi32>
          %squeeze3A_470 = vector.extract %slice3A_469[0] : i32 from vector<1xi32>
          %shift_right_arithmetic3A = arith.constant 7 : i32
          %shift_right_arithmetic3A_471 = arith.shrsi %squeeze3A_470, %shift_right_arithmetic3A : i32
          %and3A_472 = arith.constant 16383 : i32
          %and3A_473 = arith.andi %shift_right_arithmetic3A_471, %and3A_472 : i32
          %and3A_474 = arith.constant 127 : i32
          %and3A_475 = arith.andi %squeeze3A_470, %and3A_474 : i32
          %broadcast_in_dim3A_476 = vector.broadcast %and3A_475 : i32 to vector<16xi32>
          %get3A_477 = arith.constant 0 : index
          %get3A_478 = tpu.vector_load %arg20[%get3A_477] {strides = array<i32>} : memref<16xi32, #tpu.memory_space<vmem>>, vector<16xi32>,
          %slice3A_479 = vector.extract_strided_slice %get3A_478 {offsets = [0], sizes = [1], strides = [1]} : vector<16xi32> to vector<1xi32>
          %squeeze3A_480 = vector.extract %slice3A_479[0] : i32 from vector<1xi32>
          %and3A_481 = arith.constant 63 : i32
          %and3A_482 = arith.andi %squeeze3A_480, %and3A_481 : i32
          %ge3A = arith.constant 64 : i32
          %ge3A_483 = arith.cmpi sge, %squeeze3A_480, %ge3A : i32
          %convert_element_type3A_484 = arith.extui %ge3A_483 : i1 to i32
          %cond3A_485 = arith.constant 0 : i32
          %cond3A_486 = arith.cmpi ne, %convert_element_type3A_484, %cond3A_485 : i32
          scf.if %cond3A_486 {
            %dma_wait3A_528 = arith.constant 0 : i32
            %dma_wait3A_529 = arith.constant 0 : i32
            %dma_wait3A_530 = tpu.memref_slice %arg19[%dma_wait3A_528, %dma_wait3A_529] : memref<64x64xf32, #tpu.memory_space<vmem>> -> memref<1x64xf32, #tpu.memory_space<vmem>>
            %dma_wait3A_531 = tpu.memref_squeeze %dma_wait3A_530 : memref<1x64xf32, #tpu.memory_space<vmem>> -> memref<64xf32, #tpu.memory_space<vmem>>
            %dma_wait3A_532 = arith.constant 0 : i32
            %dma_wait3A_533 = tpu.memref_slice %arg4[%dma_wait3A_532] : memref<1048576xf32, #tpu.memory_space<hbm>> -> memref<64xf32, #tpu.memory_space<hbm>>
            %dma_wait3A_534 = arith.constant 0 : i32
            %dma_wait3A_535 = tpu.memref_slice %arg19[%dma_wait3A_528, %dma_wait3A_534] : memref<64x64xf32, #tpu.memory_space<vmem>> -> memref<1x64xf32, #tpu.memory_space<vmem>>
            %dma_wait3A_536 = tpu.memref_squeeze %dma_wait3A_535 : memref<1x64xf32, #tpu.memory_space<vmem>> -> memref<64xf32, #tpu.memory_space<vmem>>
            %dma_wait3A_537 = arith.constant 0 : i32
            %dma_wait3A_538 = tpu.memref_slice %arg4[%dma_wait3A_537] : memref<1048576xf32, #tpu.memory_space<hbm>> -> memref<64xf32, #tpu.memory_space<hbm>>
            tpu.wait_dma2 semaphore(%arg29 : memref<!tpu.dma_semaphore, #tpu.memory_space<semaphore_mem>>) src(%dma_wait3A_538 : memref<64xf32, #tpu.memory_space<hbm>>) dst(%dma_wait3A_536 : memref<64xf32, #tpu.memory_space<vmem>>)
          } else {
          }
          %add3A_487 = arith.constant 0 : i32
          %add3A_488 = vector.broadcast %add3A_487 : i32 to vector<16xi32>
          %add3A_489 = arith.addi %iota3A, %add3A_488 : vector<16xi32>
          %gather3A = tpu.vector_load_idx %arg11[%add3A_489, %broadcast_in_dim3A_476] : memref<64x128xf32, #tpu.memory_space<vmem>>[vector<16xi32>, vector<16xi32>], vector<16xf32>,
          %swap3A_490 = arith.index_cast %and3A_482 : i32 to index
          %swap3A_491 = arith.constant 0 : index
          %swap3A_492 = tpu.vector_load %arg19[%swap3A_490, %swap3A_491] {strides = array<i32>} : memref<64x64xf32, #tpu.memory_space<vmem>>, vector<16xf32>,
          tpu.vector_store %arg19[%swap3A_490, %swap3A_491], %gather3A {strides = array<i32>} : memref<64x64xf32, #tpu.memory_space<vmem>>, vector<16xf32>,
          %add3A_493 = arith.constant 16 : i32
          %add3A_494 = vector.broadcast %add3A_493 : i32 to vector<16xi32>
          %add3A_495 = arith.addi %iota3A, %add3A_494 : vector<16xi32>
          %gather3A_496 = tpu.vector_load_idx %arg11[%add3A_495, %broadcast_in_dim3A_476] : memref<64x128xf32, #tpu.memory_space<vmem>>[vector<16xi32>, vector<16xi32>], vector<16xf32>,
          %swap3A_497 = arith.index_cast %and3A_482 : i32 to index
          %swap3A_498 = arith.constant 16 : index
          %swap3A_499 = tpu.vector_load %arg19[%swap3A_497, %swap3A_498] {strides = array<i32>} : memref<64x64xf32, #tpu.memory_space<vmem>>, vector<16xf32>,
          tpu.vector_store %arg19[%swap3A_497, %swap3A_498], %gather3A_496 {strides = array<i32>} : memref<64x64xf32, #tpu.memory_space<vmem>>, vector<16xf32>,
          %add3A_500 = arith.constant 32 : i32
          %add3A_501 = vector.broadcast %add3A_500 : i32 to vector<16xi32>
          %add3A_502 = arith.addi %iota3A, %add3A_501 : vector<16xi32>
          %gather3A_503 = tpu.vector_load_idx %arg11[%add3A_502, %broadcast_in_dim3A_476] : memref<64x128xf32, #tpu.memory_space<vmem>>[vector<16xi32>, vector<16xi32>], vector<16xf32>,
          %swap3A_504 = arith.index_cast %and3A_482 : i32 to index
          %swap3A_505 = arith.constant 32 : index
          %swap3A_506 = tpu.vector_load %arg19[%swap3A_504, %swap3A_505] {strides = array<i32>} : memref<64x64xf32, #tpu.memory_space<vmem>>, vector<16xf32>,
          tpu.vector_store %arg19[%swap3A_504, %swap3A_505], %gather3A_503 {strides = array<i32>} : memref<64x64xf32, #tpu.memory_space<vmem>>, vector<16xf32>,
          %add3A_507 = arith.constant 48 : i32
          %add3A_508 = vector.broadcast %add3A_507 : i32 to vector<16xi32>
          %add3A_509 = arith.addi %iota3A, %add3A_508 : vector<16xi32>
          %gather3A_510 = tpu.vector_load_idx %arg11[%add3A_509, %broadcast_in_dim3A_476] : memref<64x128xf32, #tpu.memory_space<vmem>>[vector<16xi32>, vector<16xi32>], vector<16xf32>,
          %swap3A_511 = arith.index_cast %and3A_482 : i32 to index
          %swap3A_512 = arith.constant 48 : index
          %swap3A_513 = tpu.vector_load %arg19[%swap3A_511, %swap3A_512] {strides = array<i32>} : memref<64x64xf32, #tpu.memory_space<vmem>>, vector<16xf32>,
          tpu.vector_store %arg19[%swap3A_511, %swap3A_512], %gather3A_510 {strides = array<i32>} : memref<64x64xf32, #tpu.memory_space<vmem>>, vector<16xf32>,
          %mul3A_514 = arith.constant 64 : i32
          %mul3A_515 = arith.muli %and3A_473, %mul3A_514 : i32
          %dma_start3A = arith.constant 0 : i32
          %dma_start3A_516 = tpu.memref_slice %arg19[%and3A_482, %dma_start3A] : memref<64x64xf32, #tpu.memory_space<vmem>> -> memref<1x64xf32, #tpu.memory_space<vmem>>
          %dma_start3A_517 = tpu.memref_squeeze %dma_start3A_516 : memref<1x64xf32, #tpu.memory_space<vmem>> -> memref<64xf32, #tpu.memory_space<vmem>>
          %dma_start3A_518 = tpu.memref_slice %arg4[%mul3A_515] : memref<1048576xf32, #tpu.memory_space<hbm>> -> memref<64xf32, #tpu.memory_space<hbm>>
          %dma_start3A_519 = tpu.memref_slice %arg4[%mul3A_515] : memref<1048576xf32, #tpu.memory_space<hbm>> -> memref<64xf32, #tpu.memory_space<hbm>>
          %dma_start3A_520 = arith.constant 0 : i32
          %dma_start3A_521 = tpu.memref_slice %arg19[%and3A_482, %dma_start3A_520] : memref<64x64xf32, #tpu.memory_space<vmem>> -> memref<1x64xf32, #tpu.memory_space<vmem>>
          %dma_start3A_522 = tpu.memref_squeeze %dma_start3A_521 : memref<1x64xf32, #tpu.memory_space<vmem>> -> memref<64xf32, #tpu.memory_space<vmem>>
          tpu.enqueue_dma source(%dma_start3A_522 : memref<64xf32, #tpu.memory_space<vmem>>) target(%dma_start3A_519 : memref<64xf32, #tpu.memory_space<hbm>>) target_semaphore(%arg29 : memref<!tpu.dma_semaphore, #tpu.memory_space<semaphore_mem>>)
          %add3A_523 = arith.constant 1 : i32
          %add3A_524 = arith.addi %squeeze3A_480, %add3A_523 : i32
          %broadcast_in_dim3A_525 = vector.broadcast %add3A_524 : i32 to vector<16xi32>
          %swap3A_526 = arith.constant 0 : index
          %swap3A_527 = tpu.vector_load %arg20[%swap3A_526] {strides = array<i32>} : memref<16xi32, #tpu.memory_space<vmem>>, vector<16xi32>,
          tpu.vector_store %arg20[%swap3A_526], %broadcast_in_dim3A_525 {strides = array<i32>} : memref<16xi32, #tpu.memory_space<vmem>>, vector<16xi32>,
        }
      } else {
      }
      %add3A_178 = arith.constant 8 : i32
      %add3A_179 = arith.addi %add3A_163, %add3A_178 : i32
      %lt3A_180 = arith.cmpi slt, %add3A_179, %add3A_60 : i32
      %add3A_181 = arith.constant 8 : i32
      %add3A_182 = arith.addi %add3A_163, %add3A_181 : i32
      %get3A_183 = arith.index_cast %add3A_182 : i32 to index
      %get3A_184 = tpu.vector_load %arg8[%get3A_183] {strides = array<i32>} : memref<272xi32, #tpu.memory_space<vmem>>, vector<16xi32>,
      %slice3A_185 = vector.extract_strided_slice %get3A_184 {offsets = [0], sizes = [1], strides = [1]} : vector<16xi32> to vector<1xi32>
      %squeeze3A_186 = vector.extract %slice3A_185[0] : i32 from vector<1xi32>
      %gt3A_187 = arith.constant 0 : i32
      %gt3A_188 = arith.cmpi sgt, %squeeze3A_186, %gt3A_187 : i32
      %and3A_189 = arith.andi %lt3A_180, %gt3A_188 : i1
      %convert_element_type3A_190 = arith.extui %and3A_189 : i1 to i32
      %cond3A_191 = arith.constant 0 : i32
      %cond3A_192 = arith.cmpi ne, %convert_element_type3A_190, %cond3A_191 : i32
      scf.if %cond3A_192 {
        %add3A_431 = arith.constant 8 : i32
        %add3A_432 = arith.addi %add3A_163, %add3A_431 : i32
        %mul3A_433 = arith.constant 32 : i32
        %mul3A_434 = arith.muli %add3A_432, %mul3A_433 : i32
        %add3A_435 = arith.addi %mul3A_434, %add3A : i32
        %mul3A_436 = arith.constant 128 : i32
        %mul3A_437 = arith.muli %add3A_435, %mul3A_436 : i32
        %dma_start3A = arith.constant 0 : i32
        %dma_start3A_438 = tpu.memref_slice %arg3[%dma_start3A, %mul3A_437] : memref<64x1000000xf32, #tpu.memory_space<hbm>> -> memref<64x128xf32, #tpu.memory_space<hbm>>
        %dma_start3A_439 = arith.constant 0 : i32
        %dma_start3A_440 = tpu.memref_slice %arg3[%dma_start3A_439, %mul3A_437] : memref<64x1000000xf32, #tpu.memory_space<hbm>> -> memref<64x128xf32, #tpu.memory_space<hbm>>
        tpu.enqueue_dma source(%dma_start3A_440 : memref<64x128xf32, #tpu.memory_space<hbm>>) target(%arg11 : memref<64x128xf32, #tpu.memory_space<vmem>>) target_semaphore(%arg21 : memref<!tpu.dma_semaphore, #tpu.memory_space<semaphore_mem>>)
      } else {
      }
      %mul3A_193 = arith.constant 8 : i32
      %mul3A_194 = arith.muli %add3A_159, %mul3A_193 : i32
      %add3A_195 = arith.constant 1 : i32
      %add3A_196 = arith.addi %mul3A_194, %add3A_195 : i32
      %lt3A_197 = arith.constant 8 : i32
      %lt3A_198 = arith.cmpi slt, %add3A_196, %lt3A_197 : i32
      %lt3A_199 = arith.cmpi slt, %add3A_196, %add3A_60 : i32
      %lt3A_200 = arith.cmpi slt, %add3A_196, %add3A_60 : i32
      %get3A_201 = arith.index_cast %add3A_196 : i32 to index
      %get3A_202 = tpu.vector_load %arg8[%get3A_201] {strides = array<i32>} : memref<272xi32, #tpu.memory_space<vmem>>, vector<16xi32>,
      %slice3A_203 = vector.extract_strided_slice %get3A_202 {offsets = [0], sizes = [1], strides = [1]} : vector<16xi32> to vector<1xi32>
      %squeeze3A_204 = vector.extract %slice3A_203[0] : i32 from vector<1xi32>
      %gt3A_205 = arith.constant 0 : i32
      %gt3A_206 = arith.cmpi sgt, %squeeze3A_204, %gt3A_205 : i32
      %and3A_207 = arith.andi %lt3A_200, %gt3A_206 : i1
      %select_n3A_208 = arith.select %lt3A_198, %lt3A_199, %and3A_207 : i1
      %convert_element_type3A_209 = arith.extui %select_n3A_208 : i1 to i32
      %cond3A_210 = arith.constant 0 : i32
      %cond3A_211 = arith.cmpi ne, %convert_element_type3A_209, %cond3A_210 : i32
      scf.if %cond3A_211 {
        %dma_wait3A = arith.constant 0 : i32
        %dma_wait3A_431 = arith.constant 0 : i32
        %dma_wait3A_432 = tpu.memref_slice %arg3[%dma_wait3A, %dma_wait3A_431] : memref<64x1000000xf32, #tpu.memory_space<hbm>> -> memref<64x128xf32, #tpu.memory_space<hbm>>
        %dma_wait3A_433 = arith.constant 0 : i32
        %dma_wait3A_434 = arith.constant 0 : i32
        %dma_wait3A_435 = tpu.memref_slice %arg3[%dma_wait3A_433, %dma_wait3A_434] : memref<64x1000000xf32, #tpu.memory_space<hbm>> -> memref<64x128xf32, #tpu.memory_space<hbm>>
        tpu.wait_dma2 semaphore(%arg22 : memref<!tpu.dma_semaphore, #tpu.memory_space<semaphore_mem>>) src(%dma_wait3A_435 : memref<64x128xf32, #tpu.memory_space<hbm>>) dst(%arg12 : memref<64x128xf32, #tpu.memory_space<vmem>>)
        %get3A_436 = arith.index_cast %add3A_196 : i32 to index
        %get3A_437 = tpu.vector_load %arg9[%get3A_436] {strides = array<i32>} : memref<272xi32, #tpu.memory_space<vmem>>, vector<16xi32>,
        %slice3A_438 = vector.extract_strided_slice %get3A_437 {offsets = [0], sizes = [1], strides = [1]} : vector<16xi32> to vector<1xi32>
        %squeeze3A_439 = vector.extract %slice3A_438[0] : i32 from vector<1xi32>
        %get3A_440 = arith.index_cast %add3A_196 : i32 to index
        %get3A_441 = tpu.vector_load %arg8[%get3A_440] {strides = array<i32>} : memref<272xi32, #tpu.memory_space<vmem>>, vector<16xi32>,
        %slice3A_442 = vector.extract_strided_slice %get3A_441 {offsets = [0], sizes = [1], strides = [1]} : vector<16xi32> to vector<1xi32>
        %squeeze3A_443 = vector.extract %slice3A_442[0] : i32 from vector<1xi32>
        %sub3A_444 = arith.constant 0 : i32
        %sub3A_445 = arith.subi %squeeze3A_443, %sub3A_444 : i32
        %sub3A_446 = arith.constant 1 : i32
        %sub3A_447 = arith.constant 1 : i32
        %sub3A_448 = arith.subi %sub3A_446, %sub3A_447 : i32
        %add3A_449 = arith.addi %sub3A_445, %sub3A_448 : i32
        %div3A_450 = arith.constant 1 : i32
        %div3A_451 = arith.divsi %add3A_449, %div3A_450 : i32
        %while3A_452 = arith.constant 1 : i32
        %while3A_453 = arith.constant 0 : i32
        %while3A_454 = arith.constant 0 : i32
        %while3A_455 = arith.subi %div3A_451, %while3A_454 : i32
        %while3A_456 = arith.addi %while3A_454, %while3A_455 : i32
        %while3A_457 = arith.constant 1 : i32
        %while3A_458 = arith.divsi %while3A_455, %while3A_457 : i32
        %while3A_459 = arith.muli %while3A_458, %while3A_457 : i32
        %while3A_460 = arith.addi %while3A_454, %while3A_459 : i32
        %while3A_461 = arith.constant 1 : i32
        scf.for %while3A_463 = %while3A_454 to %while3A_460 step %while3A_461  : i32 {
          %mul3A_464 = arith.muli %while3A_463, %while3A_452 : i32
          %add3A_465 = arith.addi %while3A_453, %mul3A_464 : i32
          %add3A_466 = arith.addi %squeeze3A_439, %add3A_465 : i32
          %get3A_467 = arith.index_cast %add3A_466 : i32 to index
          %get3A_468 = tpu.vector_load %arg7[%get3A_467] {strides = array<i32>} : memref<16400xi32, #tpu.memory_space<vmem>>, vector<16xi32>,
          %slice3A_469 = vector.extract_strided_slice %get3A_468 {offsets = [0], sizes = [1], strides = [1]} : vector<16xi32> to vector<1xi32>
          %squeeze3A_470 = vector.extract %slice3A_469[0] : i32 from vector<1xi32>
          %shift_right_arithmetic3A = arith.constant 7 : i32
          %shift_right_arithmetic3A_471 = arith.shrsi %squeeze3A_470, %shift_right_arithmetic3A : i32
          %and3A_472 = arith.constant 16383 : i32
          %and3A_473 = arith.andi %shift_right_arithmetic3A_471, %and3A_472 : i32
          %and3A_474 = arith.constant 127 : i32
          %and3A_475 = arith.andi %squeeze3A_470, %and3A_474 : i32
          %broadcast_in_dim3A_476 = vector.broadcast %and3A_475 : i32 to vector<16xi32>
          %get3A_477 = arith.constant 0 : index
          %get3A_478 = tpu.vector_load %arg20[%get3A_477] {strides = array<i32>} : memref<16xi32, #tpu.memory_space<vmem>>, vector<16xi32>,
          %slice3A_479 = vector.extract_strided_slice %get3A_478 {offsets = [0], sizes = [1], strides = [1]} : vector<16xi32> to vector<1xi32>
          %squeeze3A_480 = vector.extract %slice3A_479[0] : i32 from vector<1xi32>
          %and3A_481 = arith.constant 63 : i32
          %and3A_482 = arith.andi %squeeze3A_480, %and3A_481 : i32
          %ge3A = arith.constant 64 : i32
          %ge3A_483 = arith.cmpi sge, %squeeze3A_480, %ge3A : i32
          %convert_element_type3A_484 = arith.extui %ge3A_483 : i1 to i32
          %cond3A_485 = arith.constant 0 : i32
          %cond3A_486 = arith.cmpi ne, %convert_element_type3A_484, %cond3A_485 : i32
          scf.if %cond3A_486 {
            %dma_wait3A_528 = arith.constant 0 : i32
            %dma_wait3A_529 = arith.constant 0 : i32
            %dma_wait3A_530 = tpu.memref_slice %arg19[%dma_wait3A_528, %dma_wait3A_529] : memref<64x64xf32, #tpu.memory_space<vmem>> -> memref<1x64xf32, #tpu.memory_space<vmem>>
            %dma_wait3A_531 = tpu.memref_squeeze %dma_wait3A_530 : memref<1x64xf32, #tpu.memory_space<vmem>> -> memref<64xf32, #tpu.memory_space<vmem>>
            %dma_wait3A_532 = arith.constant 0 : i32
            %dma_wait3A_533 = tpu.memref_slice %arg4[%dma_wait3A_532] : memref<1048576xf32, #tpu.memory_space<hbm>> -> memref<64xf32, #tpu.memory_space<hbm>>
            %dma_wait3A_534 = arith.constant 0 : i32
            %dma_wait3A_535 = tpu.memref_slice %arg19[%dma_wait3A_528, %dma_wait3A_534] : memref<64x64xf32, #tpu.memory_space<vmem>> -> memref<1x64xf32, #tpu.memory_space<vmem>>
            %dma_wait3A_536 = tpu.memref_squeeze %dma_wait3A_535 : memref<1x64xf32, #tpu.memory_space<vmem>> -> memref<64xf32, #tpu.memory_space<vmem>>
            %dma_wait3A_537 = arith.constant 0 : i32
            %dma_wait3A_538 = tpu.memref_slice %arg4[%dma_wait3A_537] : memref<1048576xf32, #tpu.memory_space<hbm>> -> memref<64xf32, #tpu.memory_space<hbm>>
            tpu.wait_dma2 semaphore(%arg29 : memref<!tpu.dma_semaphore, #tpu.memory_space<semaphore_mem>>) src(%dma_wait3A_538 : memref<64xf32, #tpu.memory_space<hbm>>) dst(%dma_wait3A_536 : memref<64xf32, #tpu.memory_space<vmem>>)
          } else {
          }
          %add3A_487 = arith.constant 0 : i32
          %add3A_488 = vector.broadcast %add3A_487 : i32 to vector<16xi32>
          %add3A_489 = arith.addi %iota3A, %add3A_488 : vector<16xi32>
          %gather3A = tpu.vector_load_idx %arg12[%add3A_489, %broadcast_in_dim3A_476] : memref<64x128xf32, #tpu.memory_space<vmem>>[vector<16xi32>, vector<16xi32>], vector<16xf32>,
          %swap3A_490 = arith.index_cast %and3A_482 : i32 to index
          %swap3A_491 = arith.constant 0 : index
          %swap3A_492 = tpu.vector_load %arg19[%swap3A_490, %swap3A_491] {strides = array<i32>} : memref<64x64xf32, #tpu.memory_space<vmem>>, vector<16xf32>,
          tpu.vector_store %arg19[%swap3A_490, %swap3A_491], %gather3A {strides = array<i32>} : memref<64x64xf32, #tpu.memory_space<vmem>>, vector<16xf32>,
          %add3A_493 = arith.constant 16 : i32
          %add3A_494 = vector.broadcast %add3A_493 : i32 to vector<16xi32>
          %add3A_495 = arith.addi %iota3A, %add3A_494 : vector<16xi32>
          %gather3A_496 = tpu.vector_load_idx %arg12[%add3A_495, %broadcast_in_dim3A_476] : memref<64x128xf32, #tpu.memory_space<vmem>>[vector<16xi32>, vector<16xi32>], vector<16xf32>,
          %swap3A_497 = arith.index_cast %and3A_482 : i32 to index
          %swap3A_498 = arith.constant 16 : index
          %swap3A_499 = tpu.vector_load %arg19[%swap3A_497, %swap3A_498] {strides = array<i32>} : memref<64x64xf32, #tpu.memory_space<vmem>>, vector<16xf32>,
          tpu.vector_store %arg19[%swap3A_497, %swap3A_498], %gather3A_496 {strides = array<i32>} : memref<64x64xf32, #tpu.memory_space<vmem>>, vector<16xf32>,
          %add3A_500 = arith.constant 32 : i32
          %add3A_501 = vector.broadcast %add3A_500 : i32 to vector<16xi32>
          %add3A_502 = arith.addi %iota3A, %add3A_501 : vector<16xi32>
          %gather3A_503 = tpu.vector_load_idx %arg12[%add3A_502, %broadcast_in_dim3A_476] : memref<64x128xf32, #tpu.memory_space<vmem>>[vector<16xi32>, vector<16xi32>], vector<16xf32>,
          %swap3A_504 = arith.index_cast %and3A_482 : i32 to index
          %swap3A_505 = arith.constant 32 : index
          %swap3A_506 = tpu.vector_load %arg19[%swap3A_504, %swap3A_505] {strides = array<i32>} : memref<64x64xf32, #tpu.memory_space<vmem>>, vector<16xf32>,
          tpu.vector_store %arg19[%swap3A_504, %swap3A_505], %gather3A_503 {strides = array<i32>} : memref<64x64xf32, #tpu.memory_space<vmem>>, vector<16xf32>,
          %add3A_507 = arith.constant 48 : i32
          %add3A_508 = vector.broadcast %add3A_507 : i32 to vector<16xi32>
          %add3A_509 = arith.addi %iota3A, %add3A_508 : vector<16xi32>
          %gather3A_510 = tpu.vector_load_idx %arg12[%add3A_509, %broadcast_in_dim3A_476] : memref<64x128xf32, #tpu.memory_space<vmem>>[vector<16xi32>, vector<16xi32>], vector<16xf32>,
          %swap3A_511 = arith.index_cast %and3A_482 : i32 to index
          %swap3A_512 = arith.constant 48 : index
          %swap3A_513 = tpu.vector_load %arg19[%swap3A_511, %swap3A_512] {strides = array<i32>} : memref<64x64xf32, #tpu.memory_space<vmem>>, vector<16xf32>,
          tpu.vector_store %arg19[%swap3A_511, %swap3A_512], %gather3A_510 {strides = array<i32>} : memref<64x64xf32, #tpu.memory_space<vmem>>, vector<16xf32>,
          %mul3A_514 = arith.constant 64 : i32
          %mul3A_515 = arith.muli %and3A_473, %mul3A_514 : i32
          %dma_start3A = arith.constant 0 : i32
          %dma_start3A_516 = tpu.memref_slice %arg19[%and3A_482, %dma_start3A] : memref<64x64xf32, #tpu.memory_space<vmem>> -> memref<1x64xf32, #tpu.memory_space<vmem>>
          %dma_start3A_517 = tpu.memref_squeeze %dma_start3A_516 : memref<1x64xf32, #tpu.memory_space<vmem>> -> memref<64xf32, #tpu.memory_space<vmem>>
          %dma_start3A_518 = tpu.memref_slice %arg4[%mul3A_515] : memref<1048576xf32, #tpu.memory_space<hbm>> -> memref<64xf32, #tpu.memory_space<hbm>>
          %dma_start3A_519 = tpu.memref_slice %arg4[%mul3A_515] : memref<1048576xf32, #tpu.memory_space<hbm>> -> memref<64xf32, #tpu.memory_space<hbm>>
          %dma_start3A_520 = arith.constant 0 : i32
          %dma_start3A_521 = tpu.memref_slice %arg19[%and3A_482, %dma_start3A_520] : memref<64x64xf32, #tpu.memory_space<vmem>> -> memref<1x64xf32, #tpu.memory_space<vmem>>
          %dma_start3A_522 = tpu.memref_squeeze %dma_start3A_521 : memref<1x64xf32, #tpu.memory_space<vmem>> -> memref<64xf32, #tpu.memory_space<vmem>>
          tpu.enqueue_dma source(%dma_start3A_522 : memref<64xf32, #tpu.memory_space<vmem>>) target(%dma_start3A_519 : memref<64xf32, #tpu.memory_space<hbm>>) target_semaphore(%arg29 : memref<!tpu.dma_semaphore, #tpu.memory_space<semaphore_mem>>)
          %add3A_523 = arith.constant 1 : i32
          %add3A_524 = arith.addi %squeeze3A_480, %add3A_523 : i32
          %broadcast_in_dim3A_525 = vector.broadcast %add3A_524 : i32 to vector<16xi32>
          %swap3A_526 = arith.constant 0 : index
          %swap3A_527 = tpu.vector_load %arg20[%swap3A_526] {strides = array<i32>} : memref<16xi32, #tpu.memory_space<vmem>>, vector<16xi32>,
          tpu.vector_store %arg20[%swap3A_526], %broadcast_in_dim3A_525 {strides = array<i32>} : memref<16xi32, #tpu.memory_space<vmem>>, vector<16xi32>,
        }
        %while3A_462 = arith.constant 1 : i32
        scf.for %while3A_463 = %while3A_460 to %while3A_456 step %while3A_462  : i32 {
          %mul3A_464 = arith.muli %while3A_463, %while3A_452 : i32
          %add3A_465 = arith.addi %while3A_453, %mul3A_464 : i32
          %add3A_466 = arith.addi %squeeze3A_439, %add3A_465 : i32
          %get3A_467 = arith.index_cast %add3A_466 : i32 to index
          %get3A_468 = tpu.vector_load %arg7[%get3A_467] {strides = array<i32>} : memref<16400xi32, #tpu.memory_space<vmem>>, vector<16xi32>,
          %slice3A_469 = vector.extract_strided_slice %get3A_468 {offsets = [0], sizes = [1], strides = [1]} : vector<16xi32> to vector<1xi32>
          %squeeze3A_470 = vector.extract %slice3A_469[0] : i32 from vector<1xi32>
          %shift_right_arithmetic3A = arith.constant 7 : i32
          %shift_right_arithmetic3A_471 = arith.shrsi %squeeze3A_470, %shift_right_arithmetic3A : i32
          %and3A_472 = arith.constant 16383 : i32
          %and3A_473 = arith.andi %shift_right_arithmetic3A_471, %and3A_472 : i32
          %and3A_474 = arith.constant 127 : i32
          %and3A_475 = arith.andi %squeeze3A_470, %and3A_474 : i32
          %broadcast_in_dim3A_476 = vector.broadcast %and3A_475 : i32 to vector<16xi32>
          %get3A_477 = arith.constant 0 : index
          %get3A_478 = tpu.vector_load %arg20[%get3A_477] {strides = array<i32>} : memref<16xi32, #tpu.memory_space<vmem>>, vector<16xi32>,
          %slice3A_479 = vector.extract_strided_slice %get3A_478 {offsets = [0], sizes = [1], strides = [1]} : vector<16xi32> to vector<1xi32>
          %squeeze3A_480 = vector.extract %slice3A_479[0] : i32 from vector<1xi32>
          %and3A_481 = arith.constant 63 : i32
          %and3A_482 = arith.andi %squeeze3A_480, %and3A_481 : i32
          %ge3A = arith.constant 64 : i32
          %ge3A_483 = arith.cmpi sge, %squeeze3A_480, %ge3A : i32
          %convert_element_type3A_484 = arith.extui %ge3A_483 : i1 to i32
          %cond3A_485 = arith.constant 0 : i32
          %cond3A_486 = arith.cmpi ne, %convert_element_type3A_484, %cond3A_485 : i32
          scf.if %cond3A_486 {
            %dma_wait3A_528 = arith.constant 0 : i32
            %dma_wait3A_529 = arith.constant 0 : i32
            %dma_wait3A_530 = tpu.memref_slice %arg19[%dma_wait3A_528, %dma_wait3A_529] : memref<64x64xf32, #tpu.memory_space<vmem>> -> memref<1x64xf32, #tpu.memory_space<vmem>>
            %dma_wait3A_531 = tpu.memref_squeeze %dma_wait3A_530 : memref<1x64xf32, #tpu.memory_space<vmem>> -> memref<64xf32, #tpu.memory_space<vmem>>
            %dma_wait3A_532 = arith.constant 0 : i32
            %dma_wait3A_533 = tpu.memref_slice %arg4[%dma_wait3A_532] : memref<1048576xf32, #tpu.memory_space<hbm>> -> memref<64xf32, #tpu.memory_space<hbm>>
            %dma_wait3A_534 = arith.constant 0 : i32
            %dma_wait3A_535 = tpu.memref_slice %arg19[%dma_wait3A_528, %dma_wait3A_534] : memref<64x64xf32, #tpu.memory_space<vmem>> -> memref<1x64xf32, #tpu.memory_space<vmem>>
            %dma_wait3A_536 = tpu.memref_squeeze %dma_wait3A_535 : memref<1x64xf32, #tpu.memory_space<vmem>> -> memref<64xf32, #tpu.memory_space<vmem>>
            %dma_wait3A_537 = arith.constant 0 : i32
            %dma_wait3A_538 = tpu.memref_slice %arg4[%dma_wait3A_537] : memref<1048576xf32, #tpu.memory_space<hbm>> -> memref<64xf32, #tpu.memory_space<hbm>>
            tpu.wait_dma2 semaphore(%arg29 : memref<!tpu.dma_semaphore, #tpu.memory_space<semaphore_mem>>) src(%dma_wait3A_538 : memref<64xf32, #tpu.memory_space<hbm>>) dst(%dma_wait3A_536 : memref<64xf32, #tpu.memory_space<vmem>>)
          } else {
          }
          %add3A_487 = arith.constant 0 : i32
          %add3A_488 = vector.broadcast %add3A_487 : i32 to vector<16xi32>
          %add3A_489 = arith.addi %iota3A, %add3A_488 : vector<16xi32>
          %gather3A = tpu.vector_load_idx %arg12[%add3A_489, %broadcast_in_dim3A_476] : memref<64x128xf32, #tpu.memory_space<vmem>>[vector<16xi32>, vector<16xi32>], vector<16xf32>,
          %swap3A_490 = arith.index_cast %and3A_482 : i32 to index
          %swap3A_491 = arith.constant 0 : index
          %swap3A_492 = tpu.vector_load %arg19[%swap3A_490, %swap3A_491] {strides = array<i32>} : memref<64x64xf32, #tpu.memory_space<vmem>>, vector<16xf32>,
          tpu.vector_store %arg19[%swap3A_490, %swap3A_491], %gather3A {strides = array<i32>} : memref<64x64xf32, #tpu.memory_space<vmem>>, vector<16xf32>,
          %add3A_493 = arith.constant 16 : i32
          %add3A_494 = vector.broadcast %add3A_493 : i32 to vector<16xi32>
          %add3A_495 = arith.addi %iota3A, %add3A_494 : vector<16xi32>
          %gather3A_496 = tpu.vector_load_idx %arg12[%add3A_495, %broadcast_in_dim3A_476] : memref<64x128xf32, #tpu.memory_space<vmem>>[vector<16xi32>, vector<16xi32>], vector<16xf32>,
          %swap3A_497 = arith.index_cast %and3A_482 : i32 to index
          %swap3A_498 = arith.constant 16 : index
          %swap3A_499 = tpu.vector_load %arg19[%swap3A_497, %swap3A_498] {strides = array<i32>} : memref<64x64xf32, #tpu.memory_space<vmem>>, vector<16xf32>,
          tpu.vector_store %arg19[%swap3A_497, %swap3A_498], %gather3A_496 {strides = array<i32>} : memref<64x64xf32, #tpu.memory_space<vmem>>, vector<16xf32>,
          %add3A_500 = arith.constant 32 : i32
          %add3A_501 = vector.broadcast %add3A_500 : i32 to vector<16xi32>
          %add3A_502 = arith.addi %iota3A, %add3A_501 : vector<16xi32>
          %gather3A_503 = tpu.vector_load_idx %arg12[%add3A_502, %broadcast_in_dim3A_476] : memref<64x128xf32, #tpu.memory_space<vmem>>[vector<16xi32>, vector<16xi32>], vector<16xf32>,
          %swap3A_504 = arith.index_cast %and3A_482 : i32 to index
          %swap3A_505 = arith.constant 32 : index
          %swap3A_506 = tpu.vector_load %arg19[%swap3A_504, %swap3A_505] {strides = array<i32>} : memref<64x64xf32, #tpu.memory_space<vmem>>, vector<16xf32>,
          tpu.vector_store %arg19[%swap3A_504, %swap3A_505], %gather3A_503 {strides = array<i32>} : memref<64x64xf32, #tpu.memory_space<vmem>>, vector<16xf32>,
          %add3A_507 = arith.constant 48 : i32
          %add3A_508 = vector.broadcast %add3A_507 : i32 to vector<16xi32>
          %add3A_509 = arith.addi %iota3A, %add3A_508 : vector<16xi32>
          %gather3A_510 = tpu.vector_load_idx %arg12[%add3A_509, %broadcast_in_dim3A_476] : memref<64x128xf32, #tpu.memory_space<vmem>>[vector<16xi32>, vector<16xi32>], vector<16xf32>,
          %swap3A_511 = arith.index_cast %and3A_482 : i32 to index
          %swap3A_512 = arith.constant 48 : index
          %swap3A_513 = tpu.vector_load %arg19[%swap3A_511, %swap3A_512] {strides = array<i32>} : memref<64x64xf32, #tpu.memory_space<vmem>>, vector<16xf32>,
          tpu.vector_store %arg19[%swap3A_511, %swap3A_512], %gather3A_510 {strides = array<i32>} : memref<64x64xf32, #tpu.memory_space<vmem>>, vector<16xf32>,
          %mul3A_514 = arith.constant 64 : i32
          %mul3A_515 = arith.muli %and3A_473, %mul3A_514 : i32
          %dma_start3A = arith.constant 0 : i32
          %dma_start3A_516 = tpu.memref_slice %arg19[%and3A_482, %dma_start3A] : memref<64x64xf32, #tpu.memory_space<vmem>> -> memref<1x64xf32, #tpu.memory_space<vmem>>
          %dma_start3A_517 = tpu.memref_squeeze %dma_start3A_516 : memref<1x64xf32, #tpu.memory_space<vmem>> -> memref<64xf32, #tpu.memory_space<vmem>>
          %dma_start3A_518 = tpu.memref_slice %arg4[%mul3A_515] : memref<1048576xf32, #tpu.memory_space<hbm>> -> memref<64xf32, #tpu.memory_space<hbm>>
          %dma_start3A_519 = tpu.memref_slice %arg4[%mul3A_515] : memref<1048576xf32, #tpu.memory_space<hbm>> -> memref<64xf32, #tpu.memory_space<hbm>>
          %dma_start3A_520 = arith.constant 0 : i32
          %dma_start3A_521 = tpu.memref_slice %arg19[%and3A_482, %dma_start3A_520] : memref<64x64xf32, #tpu.memory_space<vmem>> -> memref<1x64xf32, #tpu.memory_space<vmem>>
          %dma_start3A_522 = tpu.memref_squeeze %dma_start3A_521 : memref<1x64xf32, #tpu.memory_space<vmem>> -> memref<64xf32, #tpu.memory_space<vmem>>
          tpu.enqueue_dma source(%dma_start3A_522 : memref<64xf32, #tpu.memory_space<vmem>>) target(%dma_start3A_519 : memref<64xf32, #tpu.memory_space<hbm>>) target_semaphore(%arg29 : memref<!tpu.dma_semaphore, #tpu.memory_space<semaphore_mem>>)
          %add3A_523 = arith.constant 1 : i32
          %add3A_524 = arith.addi %squeeze3A_480, %add3A_523 : i32
          %broadcast_in_dim3A_525 = vector.broadcast %add3A_524 : i32 to vector<16xi32>
          %swap3A_526 = arith.constant 0 : index
          %swap3A_527 = tpu.vector_load %arg20[%swap3A_526] {strides = array<i32>} : memref<16xi32, #tpu.memory_space<vmem>>, vector<16xi32>,
          tpu.vector_store %arg20[%swap3A_526], %broadcast_in_dim3A_525 {strides = array<i32>} : memref<16xi32, #tpu.memory_space<vmem>>, vector<16xi32>,
        }
      } else {
      }
      %add3A_212 = arith.constant 8 : i32
      %add3A_213 = arith.addi %add3A_196, %add3A_212 : i32
      %lt3A_214 = arith.cmpi slt, %add3A_213, %add3A_60 : i32
      %add3A_215 = arith.constant 8 : i32
      %add3A_216 = arith.addi %add3A_196, %add3A_215 : i32
      %get3A_217 = arith.index_cast %add3A_216 : i32 to index
      %get3A_218 = tpu.vector_load %arg8[%get3A_217] {strides = array<i32>} : memref<272xi32, #tpu.memory_space<vmem>>, vector<16xi32>,
      %slice3A_219 = vector.extract_strided_slice %get3A_218 {offsets = [0], sizes = [1], strides = [1]} : vector<16xi32> to vector<1xi32>
      %squeeze3A_220 = vector.extract %slice3A_219[0] : i32 from vector<1xi32>
      %gt3A_221 = arith.constant 0 : i32
      %gt3A_222 = arith.cmpi sgt, %squeeze3A_220, %gt3A_221 : i32
      %and3A_223 = arith.andi %lt3A_214, %gt3A_222 : i1
      %convert_element_type3A_224 = arith.extui %and3A_223 : i1 to i32
      %cond3A_225 = arith.constant 0 : i32
      %cond3A_226 = arith.cmpi ne, %convert_element_type3A_224, %cond3A_225 : i32
      scf.if %cond3A_226 {
        %add3A_431 = arith.constant 8 : i32
        %add3A_432 = arith.addi %add3A_196, %add3A_431 : i32
        %mul3A_433 = arith.constant 32 : i32
        %mul3A_434 = arith.muli %add3A_432, %mul3A_433 : i32
        %add3A_435 = arith.addi %mul3A_434, %add3A : i32
        %mul3A_436 = arith.constant 128 : i32
        %mul3A_437 = arith.muli %add3A_435, %mul3A_436 : i32
        %dma_start3A = arith.constant 0 : i32
        %dma_start3A_438 = tpu.memref_slice %arg3[%dma_start3A, %mul3A_437] : memref<64x1000000xf32, #tpu.memory_space<hbm>> -> memref<64x128xf32, #tpu.memory_space<hbm>>
        %dma_start3A_439 = arith.constant 0 : i32
        %dma_start3A_440 = tpu.memref_slice %arg3[%dma_start3A_439, %mul3A_437] : memref<64x1000000xf32, #tpu.memory_space<hbm>> -> memref<64x128xf32, #tpu.memory_space<hbm>>
        tpu.enqueue_dma source(%dma_start3A_440 : memref<64x128xf32, #tpu.memory_space<hbm>>) target(%arg12 : memref<64x128xf32, #tpu.memory_space<vmem>>) target_semaphore(%arg22 : memref<!tpu.dma_semaphore, #tpu.memory_space<semaphore_mem>>)
      } else {
      }
      %mul3A_227 = arith.constant 8 : i32
      %mul3A_228 = arith.muli %add3A_159, %mul3A_227 : i32
      %add3A_229 = arith.constant 2 : i32
      %add3A_230 = arith.addi %mul3A_228, %add3A_229 : i32
      %lt3A_231 = arith.constant 8 : i32
      %lt3A_232 = arith.cmpi slt, %add3A_230, %lt3A_231 : i32
      %lt3A_233 = arith.cmpi slt, %add3A_230, %add3A_60 : i32
      %lt3A_234 = arith.cmpi slt, %add3A_230, %add3A_60 : i32
      %get3A_235 = arith.index_cast %add3A_230 : i32 to index
      %get3A_236 = tpu.vector_load %arg8[%get3A_235] {strides = array<i32>} : memref<272xi32, #tpu.memory_space<vmem>>, vector<16xi32>,
      %slice3A_237 = vector.extract_strided_slice %get3A_236 {offsets = [0], sizes = [1], strides = [1]} : vector<16xi32> to vector<1xi32>
      %squeeze3A_238 = vector.extract %slice3A_237[0] : i32 from vector<1xi32>
      %gt3A_239 = arith.constant 0 : i32
      %gt3A_240 = arith.cmpi sgt, %squeeze3A_238, %gt3A_239 : i32
      %and3A_241 = arith.andi %lt3A_234, %gt3A_240 : i1
      %select_n3A_242 = arith.select %lt3A_232, %lt3A_233, %and3A_241 : i1
      %convert_element_type3A_243 = arith.extui %select_n3A_242 : i1 to i32
      %cond3A_244 = arith.constant 0 : i32
      %cond3A_245 = arith.cmpi ne, %convert_element_type3A_243, %cond3A_244 : i32
      scf.if %cond3A_245 {
        %dma_wait3A = arith.constant 0 : i32
        %dma_wait3A_431 = arith.constant 0 : i32
        %dma_wait3A_432 = tpu.memref_slice %arg3[%dma_wait3A, %dma_wait3A_431] : memref<64x1000000xf32, #tpu.memory_space<hbm>> -> memref<64x128xf32, #tpu.memory_space<hbm>>
        %dma_wait3A_433 = arith.constant 0 : i32
        %dma_wait3A_434 = arith.constant 0 : i32
        %dma_wait3A_435 = tpu.memref_slice %arg3[%dma_wait3A_433, %dma_wait3A_434] : memref<64x1000000xf32, #tpu.memory_space<hbm>> -> memref<64x128xf32, #tpu.memory_space<hbm>>
        tpu.wait_dma2 semaphore(%arg23 : memref<!tpu.dma_semaphore, #tpu.memory_space<semaphore_mem>>) src(%dma_wait3A_435 : memref<64x128xf32, #tpu.memory_space<hbm>>) dst(%arg13 : memref<64x128xf32, #tpu.memory_space<vmem>>)
        %get3A_436 = arith.index_cast %add3A_230 : i32 to index
        %get3A_437 = tpu.vector_load %arg9[%get3A_436] {strides = array<i32>} : memref<272xi32, #tpu.memory_space<vmem>>, vector<16xi32>,
        %slice3A_438 = vector.extract_strided_slice %get3A_437 {offsets = [0], sizes = [1], strides = [1]} : vector<16xi32> to vector<1xi32>
        %squeeze3A_439 = vector.extract %slice3A_438[0] : i32 from vector<1xi32>
        %get3A_440 = arith.index_cast %add3A_230 : i32 to index
        %get3A_441 = tpu.vector_load %arg8[%get3A_440] {strides = array<i32>} : memref<272xi32, #tpu.memory_space<vmem>>, vector<16xi32>,
        %slice3A_442 = vector.extract_strided_slice %get3A_441 {offsets = [0], sizes = [1], strides = [1]} : vector<16xi32> to vector<1xi32>
        %squeeze3A_443 = vector.extract %slice3A_442[0] : i32 from vector<1xi32>
        %sub3A_444 = arith.constant 0 : i32
        %sub3A_445 = arith.subi %squeeze3A_443, %sub3A_444 : i32
        %sub3A_446 = arith.constant 1 : i32
        %sub3A_447 = arith.constant 1 : i32
        %sub3A_448 = arith.subi %sub3A_446, %sub3A_447 : i32
        %add3A_449 = arith.addi %sub3A_445, %sub3A_448 : i32
        %div3A_450 = arith.constant 1 : i32
        %div3A_451 = arith.divsi %add3A_449, %div3A_450 : i32
        %while3A_452 = arith.constant 1 : i32
        %while3A_453 = arith.constant 0 : i32
        %while3A_454 = arith.constant 0 : i32
        %while3A_455 = arith.subi %div3A_451, %while3A_454 : i32
        %while3A_456 = arith.addi %while3A_454, %while3A_455 : i32
        %while3A_457 = arith.constant 1 : i32
        %while3A_458 = arith.divsi %while3A_455, %while3A_457 : i32
        %while3A_459 = arith.muli %while3A_458, %while3A_457 : i32
        %while3A_460 = arith.addi %while3A_454, %while3A_459 : i32
        %while3A_461 = arith.constant 1 : i32
        scf.for %while3A_463 = %while3A_454 to %while3A_460 step %while3A_461  : i32 {
          %mul3A_464 = arith.muli %while3A_463, %while3A_452 : i32
          %add3A_465 = arith.addi %while3A_453, %mul3A_464 : i32
          %add3A_466 = arith.addi %squeeze3A_439, %add3A_465 : i32
          %get3A_467 = arith.index_cast %add3A_466 : i32 to index
          %get3A_468 = tpu.vector_load %arg7[%get3A_467] {strides = array<i32>} : memref<16400xi32, #tpu.memory_space<vmem>>, vector<16xi32>,
          %slice3A_469 = vector.extract_strided_slice %get3A_468 {offsets = [0], sizes = [1], strides = [1]} : vector<16xi32> to vector<1xi32>
          %squeeze3A_470 = vector.extract %slice3A_469[0] : i32 from vector<1xi32>
          %shift_right_arithmetic3A = arith.constant 7 : i32
          %shift_right_arithmetic3A_471 = arith.shrsi %squeeze3A_470, %shift_right_arithmetic3A : i32
          %and3A_472 = arith.constant 16383 : i32
          %and3A_473 = arith.andi %shift_right_arithmetic3A_471, %and3A_472 : i32
          %and3A_474 = arith.constant 127 : i32
          %and3A_475 = arith.andi %squeeze3A_470, %and3A_474 : i32
          %broadcast_in_dim3A_476 = vector.broadcast %and3A_475 : i32 to vector<16xi32>
          %get3A_477 = arith.constant 0 : index
          %get3A_478 = tpu.vector_load %arg20[%get3A_477] {strides = array<i32>} : memref<16xi32, #tpu.memory_space<vmem>>, vector<16xi32>,
          %slice3A_479 = vector.extract_strided_slice %get3A_478 {offsets = [0], sizes = [1], strides = [1]} : vector<16xi32> to vector<1xi32>
          %squeeze3A_480 = vector.extract %slice3A_479[0] : i32 from vector<1xi32>
          %and3A_481 = arith.constant 63 : i32
          %and3A_482 = arith.andi %squeeze3A_480, %and3A_481 : i32
          %ge3A = arith.constant 64 : i32
          %ge3A_483 = arith.cmpi sge, %squeeze3A_480, %ge3A : i32
          %convert_element_type3A_484 = arith.extui %ge3A_483 : i1 to i32
          %cond3A_485 = arith.constant 0 : i32
          %cond3A_486 = arith.cmpi ne, %convert_element_type3A_484, %cond3A_485 : i32
          scf.if %cond3A_486 {
            %dma_wait3A_528 = arith.constant 0 : i32
            %dma_wait3A_529 = arith.constant 0 : i32
            %dma_wait3A_530 = tpu.memref_slice %arg19[%dma_wait3A_528, %dma_wait3A_529] : memref<64x64xf32, #tpu.memory_space<vmem>> -> memref<1x64xf32, #tpu.memory_space<vmem>>
            %dma_wait3A_531 = tpu.memref_squeeze %dma_wait3A_530 : memref<1x64xf32, #tpu.memory_space<vmem>> -> memref<64xf32, #tpu.memory_space<vmem>>
            %dma_wait3A_532 = arith.constant 0 : i32
            %dma_wait3A_533 = tpu.memref_slice %arg4[%dma_wait3A_532] : memref<1048576xf32, #tpu.memory_space<hbm>> -> memref<64xf32, #tpu.memory_space<hbm>>
            %dma_wait3A_534 = arith.constant 0 : i32
            %dma_wait3A_535 = tpu.memref_slice %arg19[%dma_wait3A_528, %dma_wait3A_534] : memref<64x64xf32, #tpu.memory_space<vmem>> -> memref<1x64xf32, #tpu.memory_space<vmem>>
            %dma_wait3A_536 = tpu.memref_squeeze %dma_wait3A_535 : memref<1x64xf32, #tpu.memory_space<vmem>> -> memref<64xf32, #tpu.memory_space<vmem>>
            %dma_wait3A_537 = arith.constant 0 : i32
            %dma_wait3A_538 = tpu.memref_slice %arg4[%dma_wait3A_537] : memref<1048576xf32, #tpu.memory_space<hbm>> -> memref<64xf32, #tpu.memory_space<hbm>>
            tpu.wait_dma2 semaphore(%arg29 : memref<!tpu.dma_semaphore, #tpu.memory_space<semaphore_mem>>) src(%dma_wait3A_538 : memref<64xf32, #tpu.memory_space<hbm>>) dst(%dma_wait3A_536 : memref<64xf32, #tpu.memory_space<vmem>>)
          } else {
          }
          %add3A_487 = arith.constant 0 : i32
          %add3A_488 = vector.broadcast %add3A_487 : i32 to vector<16xi32>
          %add3A_489 = arith.addi %iota3A, %add3A_488 : vector<16xi32>
          %gather3A = tpu.vector_load_idx %arg13[%add3A_489, %broadcast_in_dim3A_476] : memref<64x128xf32, #tpu.memory_space<vmem>>[vector<16xi32>, vector<16xi32>], vector<16xf32>,
          %swap3A_490 = arith.index_cast %and3A_482 : i32 to index
          %swap3A_491 = arith.constant 0 : index
          %swap3A_492 = tpu.vector_load %arg19[%swap3A_490, %swap3A_491] {strides = array<i32>} : memref<64x64xf32, #tpu.memory_space<vmem>>, vector<16xf32>,
          tpu.vector_store %arg19[%swap3A_490, %swap3A_491], %gather3A {strides = array<i32>} : memref<64x64xf32, #tpu.memory_space<vmem>>, vector<16xf32>,
          %add3A_493 = arith.constant 16 : i32
          %add3A_494 = vector.broadcast %add3A_493 : i32 to vector<16xi32>
          %add3A_495 = arith.addi %iota3A, %add3A_494 : vector<16xi32>
          %gather3A_496 = tpu.vector_load_idx %arg13[%add3A_495, %broadcast_in_dim3A_476] : memref<64x128xf32, #tpu.memory_space<vmem>>[vector<16xi32>, vector<16xi32>], vector<16xf32>,
          %swap3A_497 = arith.index_cast %and3A_482 : i32 to index
          %swap3A_498 = arith.constant 16 : index
          %swap3A_499 = tpu.vector_load %arg19[%swap3A_497, %swap3A_498] {strides = array<i32>} : memref<64x64xf32, #tpu.memory_space<vmem>>, vector<16xf32>,
          tpu.vector_store %arg19[%swap3A_497, %swap3A_498], %gather3A_496 {strides = array<i32>} : memref<64x64xf32, #tpu.memory_space<vmem>>, vector<16xf32>,
          %add3A_500 = arith.constant 32 : i32
          %add3A_501 = vector.broadcast %add3A_500 : i32 to vector<16xi32>
          %add3A_502 = arith.addi %iota3A, %add3A_501 : vector<16xi32>
          %gather3A_503 = tpu.vector_load_idx %arg13[%add3A_502, %broadcast_in_dim3A_476] : memref<64x128xf32, #tpu.memory_space<vmem>>[vector<16xi32>, vector<16xi32>], vector<16xf32>,
          %swap3A_504 = arith.index_cast %and3A_482 : i32 to index
          %swap3A_505 = arith.constant 32 : index
          %swap3A_506 = tpu.vector_load %arg19[%swap3A_504, %swap3A_505] {strides = array<i32>} : memref<64x64xf32, #tpu.memory_space<vmem>>, vector<16xf32>,
          tpu.vector_store %arg19[%swap3A_504, %swap3A_505], %gather3A_503 {strides = array<i32>} : memref<64x64xf32, #tpu.memory_space<vmem>>, vector<16xf32>,
          %add3A_507 = arith.constant 48 : i32
          %add3A_508 = vector.broadcast %add3A_507 : i32 to vector<16xi32>
          %add3A_509 = arith.addi %iota3A, %add3A_508 : vector<16xi32>
          %gather3A_510 = tpu.vector_load_idx %arg13[%add3A_509, %broadcast_in_dim3A_476] : memref<64x128xf32, #tpu.memory_space<vmem>>[vector<16xi32>, vector<16xi32>], vector<16xf32>,
          %swap3A_511 = arith.index_cast %and3A_482 : i32 to index
          %swap3A_512 = arith.constant 48 : index
          %swap3A_513 = tpu.vector_load %arg19[%swap3A_511, %swap3A_512] {strides = array<i32>} : memref<64x64xf32, #tpu.memory_space<vmem>>, vector<16xf32>,
          tpu.vector_store %arg19[%swap3A_511, %swap3A_512], %gather3A_510 {strides = array<i32>} : memref<64x64xf32, #tpu.memory_space<vmem>>, vector<16xf32>,
          %mul3A_514 = arith.constant 64 : i32
          %mul3A_515 = arith.muli %and3A_473, %mul3A_514 : i32
          %dma_start3A = arith.constant 0 : i32
          %dma_start3A_516 = tpu.memref_slice %arg19[%and3A_482, %dma_start3A] : memref<64x64xf32, #tpu.memory_space<vmem>> -> memref<1x64xf32, #tpu.memory_space<vmem>>
          %dma_start3A_517 = tpu.memref_squeeze %dma_start3A_516 : memref<1x64xf32, #tpu.memory_space<vmem>> -> memref<64xf32, #tpu.memory_space<vmem>>
          %dma_start3A_518 = tpu.memref_slice %arg4[%mul3A_515] : memref<1048576xf32, #tpu.memory_space<hbm>> -> memref<64xf32, #tpu.memory_space<hbm>>
          %dma_start3A_519 = tpu.memref_slice %arg4[%mul3A_515] : memref<1048576xf32, #tpu.memory_space<hbm>> -> memref<64xf32, #tpu.memory_space<hbm>>
          %dma_start3A_520 = arith.constant 0 : i32
          %dma_start3A_521 = tpu.memref_slice %arg19[%and3A_482, %dma_start3A_520] : memref<64x64xf32, #tpu.memory_space<vmem>> -> memref<1x64xf32, #tpu.memory_space<vmem>>
          %dma_start3A_522 = tpu.memref_squeeze %dma_start3A_521 : memref<1x64xf32, #tpu.memory_space<vmem>> -> memref<64xf32, #tpu.memory_space<vmem>>
          tpu.enqueue_dma source(%dma_start3A_522 : memref<64xf32, #tpu.memory_space<vmem>>) target(%dma_start3A_519 : memref<64xf32, #tpu.memory_space<hbm>>) target_semaphore(%arg29 : memref<!tpu.dma_semaphore, #tpu.memory_space<semaphore_mem>>)
          %add3A_523 = arith.constant 1 : i32
          %add3A_524 = arith.addi %squeeze3A_480, %add3A_523 : i32
          %broadcast_in_dim3A_525 = vector.broadcast %add3A_524 : i32 to vector<16xi32>
          %swap3A_526 = arith.constant 0 : index
          %swap3A_527 = tpu.vector_load %arg20[%swap3A_526] {strides = array<i32>} : memref<16xi32, #tpu.memory_space<vmem>>, vector<16xi32>,
          tpu.vector_store %arg20[%swap3A_526], %broadcast_in_dim3A_525 {strides = array<i32>} : memref<16xi32, #tpu.memory_space<vmem>>, vector<16xi32>,
        }
        %while3A_462 = arith.constant 1 : i32
        scf.for %while3A_463 = %while3A_460 to %while3A_456 step %while3A_462  : i32 {
          %mul3A_464 = arith.muli %while3A_463, %while3A_452 : i32
          %add3A_465 = arith.addi %while3A_453, %mul3A_464 : i32
          %add3A_466 = arith.addi %squeeze3A_439, %add3A_465 : i32
          %get3A_467 = arith.index_cast %add3A_466 : i32 to index
          %get3A_468 = tpu.vector_load %arg7[%get3A_467] {strides = array<i32>} : memref<16400xi32, #tpu.memory_space<vmem>>, vector<16xi32>,
          %slice3A_469 = vector.extract_strided_slice %get3A_468 {offsets = [0], sizes = [1], strides = [1]} : vector<16xi32> to vector<1xi32>
          %squeeze3A_470 = vector.extract %slice3A_469[0] : i32 from vector<1xi32>
          %shift_right_arithmetic3A = arith.constant 7 : i32
          %shift_right_arithmetic3A_471 = arith.shrsi %squeeze3A_470, %shift_right_arithmetic3A : i32
          %and3A_472 = arith.constant 16383 : i32
          %and3A_473 = arith.andi %shift_right_arithmetic3A_471, %and3A_472 : i32
          %and3A_474 = arith.constant 127 : i32
          %and3A_475 = arith.andi %squeeze3A_470, %and3A_474 : i32
          %broadcast_in_dim3A_476 = vector.broadcast %and3A_475 : i32 to vector<16xi32>
          %get3A_477 = arith.constant 0 : index
          %get3A_478 = tpu.vector_load %arg20[%get3A_477] {strides = array<i32>} : memref<16xi32, #tpu.memory_space<vmem>>, vector<16xi32>,
          %slice3A_479 = vector.extract_strided_slice %get3A_478 {offsets = [0], sizes = [1], strides = [1]} : vector<16xi32> to vector<1xi32>
          %squeeze3A_480 = vector.extract %slice3A_479[0] : i32 from vector<1xi32>
          %and3A_481 = arith.constant 63 : i32
          %and3A_482 = arith.andi %squeeze3A_480, %and3A_481 : i32
          %ge3A = arith.constant 64 : i32
          %ge3A_483 = arith.cmpi sge, %squeeze3A_480, %ge3A : i32
          %convert_element_type3A_484 = arith.extui %ge3A_483 : i1 to i32
          %cond3A_485 = arith.constant 0 : i32
          %cond3A_486 = arith.cmpi ne, %convert_element_type3A_484, %cond3A_485 : i32
          scf.if %cond3A_486 {
            %dma_wait3A_528 = arith.constant 0 : i32
            %dma_wait3A_529 = arith.constant 0 : i32
            %dma_wait3A_530 = tpu.memref_slice %arg19[%dma_wait3A_528, %dma_wait3A_529] : memref<64x64xf32, #tpu.memory_space<vmem>> -> memref<1x64xf32, #tpu.memory_space<vmem>>
            %dma_wait3A_531 = tpu.memref_squeeze %dma_wait3A_530 : memref<1x64xf32, #tpu.memory_space<vmem>> -> memref<64xf32, #tpu.memory_space<vmem>>
            %dma_wait3A_532 = arith.constant 0 : i32
            %dma_wait3A_533 = tpu.memref_slice %arg4[%dma_wait3A_532] : memref<1048576xf32, #tpu.memory_space<hbm>> -> memref<64xf32, #tpu.memory_space<hbm>>
            %dma_wait3A_534 = arith.constant 0 : i32
            %dma_wait3A_535 = tpu.memref_slice %arg19[%dma_wait3A_528, %dma_wait3A_534] : memref<64x64xf32, #tpu.memory_space<vmem>> -> memref<1x64xf32, #tpu.memory_space<vmem>>
            %dma_wait3A_536 = tpu.memref_squeeze %dma_wait3A_535 : memref<1x64xf32, #tpu.memory_space<vmem>> -> memref<64xf32, #tpu.memory_space<vmem>>
            %dma_wait3A_537 = arith.constant 0 : i32
            %dma_wait3A_538 = tpu.memref_slice %arg4[%dma_wait3A_537] : memref<1048576xf32, #tpu.memory_space<hbm>> -> memref<64xf32, #tpu.memory_space<hbm>>
            tpu.wait_dma2 semaphore(%arg29 : memref<!tpu.dma_semaphore, #tpu.memory_space<semaphore_mem>>) src(%dma_wait3A_538 : memref<64xf32, #tpu.memory_space<hbm>>) dst(%dma_wait3A_536 : memref<64xf32, #tpu.memory_space<vmem>>)
          } else {
          }
          %add3A_487 = arith.constant 0 : i32
          %add3A_488 = vector.broadcast %add3A_487 : i32 to vector<16xi32>
          %add3A_489 = arith.addi %iota3A, %add3A_488 : vector<16xi32>
          %gather3A = tpu.vector_load_idx %arg13[%add3A_489, %broadcast_in_dim3A_476] : memref<64x128xf32, #tpu.memory_space<vmem>>[vector<16xi32>, vector<16xi32>], vector<16xf32>,
          %swap3A_490 = arith.index_cast %and3A_482 : i32 to index
          %swap3A_491 = arith.constant 0 : index
          %swap3A_492 = tpu.vector_load %arg19[%swap3A_490, %swap3A_491] {strides = array<i32>} : memref<64x64xf32, #tpu.memory_space<vmem>>, vector<16xf32>,
          tpu.vector_store %arg19[%swap3A_490, %swap3A_491], %gather3A {strides = array<i32>} : memref<64x64xf32, #tpu.memory_space<vmem>>, vector<16xf32>,
          %add3A_493 = arith.constant 16 : i32
          %add3A_494 = vector.broadcast %add3A_493 : i32 to vector<16xi32>
          %add3A_495 = arith.addi %iota3A, %add3A_494 : vector<16xi32>
          %gather3A_496 = tpu.vector_load_idx %arg13[%add3A_495, %broadcast_in_dim3A_476] : memref<64x128xf32, #tpu.memory_space<vmem>>[vector<16xi32>, vector<16xi32>], vector<16xf32>,
          %swap3A_497 = arith.index_cast %and3A_482 : i32 to index
          %swap3A_498 = arith.constant 16 : index
          %swap3A_499 = tpu.vector_load %arg19[%swap3A_497, %swap3A_498] {strides = array<i32>} : memref<64x64xf32, #tpu.memory_space<vmem>>, vector<16xf32>,
          tpu.vector_store %arg19[%swap3A_497, %swap3A_498], %gather3A_496 {strides = array<i32>} : memref<64x64xf32, #tpu.memory_space<vmem>>, vector<16xf32>,
          %add3A_500 = arith.constant 32 : i32
          %add3A_501 = vector.broadcast %add3A_500 : i32 to vector<16xi32>
          %add3A_502 = arith.addi %iota3A, %add3A_501 : vector<16xi32>
          %gather3A_503 = tpu.vector_load_idx %arg13[%add3A_502, %broadcast_in_dim3A_476] : memref<64x128xf32, #tpu.memory_space<vmem>>[vector<16xi32>, vector<16xi32>], vector<16xf32>,
          %swap3A_504 = arith.index_cast %and3A_482 : i32 to index
          %swap3A_505 = arith.constant 32 : index
          %swap3A_506 = tpu.vector_load %arg19[%swap3A_504, %swap3A_505] {strides = array<i32>} : memref<64x64xf32, #tpu.memory_space<vmem>>, vector<16xf32>,
          tpu.vector_store %arg19[%swap3A_504, %swap3A_505], %gather3A_503 {strides = array<i32>} : memref<64x64xf32, #tpu.memory_space<vmem>>, vector<16xf32>,
          %add3A_507 = arith.constant 48 : i32
          %add3A_508 = vector.broadcast %add3A_507 : i32 to vector<16xi32>
          %add3A_509 = arith.addi %iota3A, %add3A_508 : vector<16xi32>
          %gather3A_510 = tpu.vector_load_idx %arg13[%add3A_509, %broadcast_in_dim3A_476] : memref<64x128xf32, #tpu.memory_space<vmem>>[vector<16xi32>, vector<16xi32>], vector<16xf32>,
          %swap3A_511 = arith.index_cast %and3A_482 : i32 to index
          %swap3A_512 = arith.constant 48 : index
          %swap3A_513 = tpu.vector_load %arg19[%swap3A_511, %swap3A_512] {strides = array<i32>} : memref<64x64xf32, #tpu.memory_space<vmem>>, vector<16xf32>,
          tpu.vector_store %arg19[%swap3A_511, %swap3A_512], %gather3A_510 {strides = array<i32>} : memref<64x64xf32, #tpu.memory_space<vmem>>, vector<16xf32>,
          %mul3A_514 = arith.constant 64 : i32
          %mul3A_515 = arith.muli %and3A_473, %mul3A_514 : i32
          %dma_start3A = arith.constant 0 : i32
          %dma_start3A_516 = tpu.memref_slice %arg19[%and3A_482, %dma_start3A] : memref<64x64xf32, #tpu.memory_space<vmem>> -> memref<1x64xf32, #tpu.memory_space<vmem>>
          %dma_start3A_517 = tpu.memref_squeeze %dma_start3A_516 : memref<1x64xf32, #tpu.memory_space<vmem>> -> memref<64xf32, #tpu.memory_space<vmem>>
          %dma_start3A_518 = tpu.memref_slice %arg4[%mul3A_515] : memref<1048576xf32, #tpu.memory_space<hbm>> -> memref<64xf32, #tpu.memory_space<hbm>>
          %dma_start3A_519 = tpu.memref_slice %arg4[%mul3A_515] : memref<1048576xf32, #tpu.memory_space<hbm>> -> memref<64xf32, #tpu.memory_space<hbm>>
          %dma_start3A_520 = arith.constant 0 : i32
          %dma_start3A_521 = tpu.memref_slice %arg19[%and3A_482, %dma_start3A_520] : memref<64x64xf32, #tpu.memory_space<vmem>> -> memref<1x64xf32, #tpu.memory_space<vmem>>
          %dma_start3A_522 = tpu.memref_squeeze %dma_start3A_521 : memref<1x64xf32, #tpu.memory_space<vmem>> -> memref<64xf32, #tpu.memory_space<vmem>>
          tpu.enqueue_dma source(%dma_start3A_522 : memref<64xf32, #tpu.memory_space<vmem>>) target(%dma_start3A_519 : memref<64xf32, #tpu.memory_space<hbm>>) target_semaphore(%arg29 : memref<!tpu.dma_semaphore, #tpu.memory_space<semaphore_mem>>)
          %add3A_523 = arith.constant 1 : i32
          %add3A_524 = arith.addi %squeeze3A_480, %add3A_523 : i32
          %broadcast_in_dim3A_525 = vector.broadcast %add3A_524 : i32 to vector<16xi32>
          %swap3A_526 = arith.constant 0 : index
          %swap3A_527 = tpu.vector_load %arg20[%swap3A_526] {strides = array<i32>} : memref<16xi32, #tpu.memory_space<vmem>>, vector<16xi32>,
          tpu.vector_store %arg20[%swap3A_526], %broadcast_in_dim3A_525 {strides = array<i32>} : memref<16xi32, #tpu.memory_space<vmem>>, vector<16xi32>,
        }
      } else {
      }
      %add3A_246 = arith.constant 8 : i32
      %add3A_247 = arith.addi %add3A_230, %add3A_246 : i32
      %lt3A_248 = arith.cmpi slt, %add3A_247, %add3A_60 : i32
      %add3A_249 = arith.constant 8 : i32
      %add3A_250 = arith.addi %add3A_230, %add3A_249 : i32
      %get3A_251 = arith.index_cast %add3A_250 : i32 to index
      %get3A_252 = tpu.vector_load %arg8[%get3A_251] {strides = array<i32>} : memref<272xi32, #tpu.memory_space<vmem>>, vector<16xi32>,
      %slice3A_253 = vector.extract_strided_slice %get3A_252 {offsets = [0], sizes = [1], strides = [1]} : vector<16xi32> to vector<1xi32>
      %squeeze3A_254 = vector.extract %slice3A_253[0] : i32 from vector<1xi32>
      %gt3A_255 = arith.constant 0 : i32
      %gt3A_256 = arith.cmpi sgt, %squeeze3A_254, %gt3A_255 : i32
      %and3A_257 = arith.andi %lt3A_248, %gt3A_256 : i1
      %convert_element_type3A_258 = arith.extui %and3A_257 : i1 to i32
      %cond3A_259 = arith.constant 0 : i32
      %cond3A_260 = arith.cmpi ne, %convert_element_type3A_258, %cond3A_259 : i32
      scf.if %cond3A_260 {
        %add3A_431 = arith.constant 8 : i32
        %add3A_432 = arith.addi %add3A_230, %add3A_431 : i32
        %mul3A_433 = arith.constant 32 : i32
        %mul3A_434 = arith.muli %add3A_432, %mul3A_433 : i32
        %add3A_435 = arith.addi %mul3A_434, %add3A : i32
        %mul3A_436 = arith.constant 128 : i32
        %mul3A_437 = arith.muli %add3A_435, %mul3A_436 : i32
        %dma_start3A = arith.constant 0 : i32
        %dma_start3A_438 = tpu.memref_slice %arg3[%dma_start3A, %mul3A_437] : memref<64x1000000xf32, #tpu.memory_space<hbm>> -> memref<64x128xf32, #tpu.memory_space<hbm>>
        %dma_start3A_439 = arith.constant 0 : i32
        %dma_start3A_440 = tpu.memref_slice %arg3[%dma_start3A_439, %mul3A_437] : memref<64x1000000xf32, #tpu.memory_space<hbm>> -> memref<64x128xf32, #tpu.memory_space<hbm>>
        tpu.enqueue_dma source(%dma_start3A_440 : memref<64x128xf32, #tpu.memory_space<hbm>>) target(%arg13 : memref<64x128xf32, #tpu.memory_space<vmem>>) target_semaphore(%arg23 : memref<!tpu.dma_semaphore, #tpu.memory_space<semaphore_mem>>)
      } else {
      }
      %mul3A_261 = arith.constant 8 : i32
      %mul3A_262 = arith.muli %add3A_159, %mul3A_261 : i32
      %add3A_263 = arith.constant 3 : i32
      %add3A_264 = arith.addi %mul3A_262, %add3A_263 : i32
      %lt3A_265 = arith.constant 8 : i32
      %lt3A_266 = arith.cmpi slt, %add3A_264, %lt3A_265 : i32
      %lt3A_267 = arith.cmpi slt, %add3A_264, %add3A_60 : i32
      %lt3A_268 = arith.cmpi slt, %add3A_264, %add3A_60 : i32
      %get3A_269 = arith.index_cast %add3A_264 : i32 to index
      %get3A_270 = tpu.vector_load %arg8[%get3A_269] {strides = array<i32>} : memref<272xi32, #tpu.memory_space<vmem>>, vector<16xi32>,
      %slice3A_271 = vector.extract_strided_slice %get3A_270 {offsets = [0], sizes = [1], strides = [1]} : vector<16xi32> to vector<1xi32>
      %squeeze3A_272 = vector.extract %slice3A_271[0] : i32 from vector<1xi32>
      %gt3A_273 = arith.constant 0 : i32
      %gt3A_274 = arith.cmpi sgt, %squeeze3A_272, %gt3A_273 : i32
      %and3A_275 = arith.andi %lt3A_268, %gt3A_274 : i1
      %select_n3A_276 = arith.select %lt3A_266, %lt3A_267, %and3A_275 : i1
      %convert_element_type3A_277 = arith.extui %select_n3A_276 : i1 to i32
      %cond3A_278 = arith.constant 0 : i32
      %cond3A_279 = arith.cmpi ne, %convert_element_type3A_277, %cond3A_278 : i32
      scf.if %cond3A_279 {
        %dma_wait3A = arith.constant 0 : i32
        %dma_wait3A_431 = arith.constant 0 : i32
        %dma_wait3A_432 = tpu.memref_slice %arg3[%dma_wait3A, %dma_wait3A_431] : memref<64x1000000xf32, #tpu.memory_space<hbm>> -> memref<64x128xf32, #tpu.memory_space<hbm>>
        %dma_wait3A_433 = arith.constant 0 : i32
        %dma_wait3A_434 = arith.constant 0 : i32
        %dma_wait3A_435 = tpu.memref_slice %arg3[%dma_wait3A_433, %dma_wait3A_434] : memref<64x1000000xf32, #tpu.memory_space<hbm>> -> memref<64x128xf32, #tpu.memory_space<hbm>>
        tpu.wait_dma2 semaphore(%arg24 : memref<!tpu.dma_semaphore, #tpu.memory_space<semaphore_mem>>) src(%dma_wait3A_435 : memref<64x128xf32, #tpu.memory_space<hbm>>) dst(%arg14 : memref<64x128xf32, #tpu.memory_space<vmem>>)
        %get3A_436 = arith.index_cast %add3A_264 : i32 to index
        %get3A_437 = tpu.vector_load %arg9[%get3A_436] {strides = array<i32>} : memref<272xi32, #tpu.memory_space<vmem>>, vector<16xi32>,
        %slice3A_438 = vector.extract_strided_slice %get3A_437 {offsets = [0], sizes = [1], strides = [1]} : vector<16xi32> to vector<1xi32>
        %squeeze3A_439 = vector.extract %slice3A_438[0] : i32 from vector<1xi32>
        %get3A_440 = arith.index_cast %add3A_264 : i32 to index
        %get3A_441 = tpu.vector_load %arg8[%get3A_440] {strides = array<i32>} : memref<272xi32, #tpu.memory_space<vmem>>, vector<16xi32>,
        %slice3A_442 = vector.extract_strided_slice %get3A_441 {offsets = [0], sizes = [1], strides = [1]} : vector<16xi32> to vector<1xi32>
        %squeeze3A_443 = vector.extract %slice3A_442[0] : i32 from vector<1xi32>
        %sub3A_444 = arith.constant 0 : i32
        %sub3A_445 = arith.subi %squeeze3A_443, %sub3A_444 : i32
        %sub3A_446 = arith.constant 1 : i32
        %sub3A_447 = arith.constant 1 : i32
        %sub3A_448 = arith.subi %sub3A_446, %sub3A_447 : i32
        %add3A_449 = arith.addi %sub3A_445, %sub3A_448 : i32
        %div3A_450 = arith.constant 1 : i32
        %div3A_451 = arith.divsi %add3A_449, %div3A_450 : i32
        %while3A_452 = arith.constant 1 : i32
        %while3A_453 = arith.constant 0 : i32
        %while3A_454 = arith.constant 0 : i32
        %while3A_455 = arith.subi %div3A_451, %while3A_454 : i32
        %while3A_456 = arith.addi %while3A_454, %while3A_455 : i32
        %while3A_457 = arith.constant 1 : i32
        %while3A_458 = arith.divsi %while3A_455, %while3A_457 : i32
        %while3A_459 = arith.muli %while3A_458, %while3A_457 : i32
        %while3A_460 = arith.addi %while3A_454, %while3A_459 : i32
        %while3A_461 = arith.constant 1 : i32
        scf.for %while3A_463 = %while3A_454 to %while3A_460 step %while3A_461  : i32 {
          %mul3A_464 = arith.muli %while3A_463, %while3A_452 : i32
          %add3A_465 = arith.addi %while3A_453, %mul3A_464 : i32
          %add3A_466 = arith.addi %squeeze3A_439, %add3A_465 : i32
          %get3A_467 = arith.index_cast %add3A_466 : i32 to index
          %get3A_468 = tpu.vector_load %arg7[%get3A_467] {strides = array<i32>} : memref<16400xi32, #tpu.memory_space<vmem>>, vector<16xi32>,
          %slice3A_469 = vector.extract_strided_slice %get3A_468 {offsets = [0], sizes = [1], strides = [1]} : vector<16xi32> to vector<1xi32>
          %squeeze3A_470 = vector.extract %slice3A_469[0] : i32 from vector<1xi32>
          %shift_right_arithmetic3A = arith.constant 7 : i32
          %shift_right_arithmetic3A_471 = arith.shrsi %squeeze3A_470, %shift_right_arithmetic3A : i32
          %and3A_472 = arith.constant 16383 : i32
          %and3A_473 = arith.andi %shift_right_arithmetic3A_471, %and3A_472 : i32
          %and3A_474 = arith.constant 127 : i32
          %and3A_475 = arith.andi %squeeze3A_470, %and3A_474 : i32
          %broadcast_in_dim3A_476 = vector.broadcast %and3A_475 : i32 to vector<16xi32>
          %get3A_477 = arith.constant 0 : index
          %get3A_478 = tpu.vector_load %arg20[%get3A_477] {strides = array<i32>} : memref<16xi32, #tpu.memory_space<vmem>>, vector<16xi32>,
          %slice3A_479 = vector.extract_strided_slice %get3A_478 {offsets = [0], sizes = [1], strides = [1]} : vector<16xi32> to vector<1xi32>
          %squeeze3A_480 = vector.extract %slice3A_479[0] : i32 from vector<1xi32>
          %and3A_481 = arith.constant 63 : i32
          %and3A_482 = arith.andi %squeeze3A_480, %and3A_481 : i32
          %ge3A = arith.constant 64 : i32
          %ge3A_483 = arith.cmpi sge, %squeeze3A_480, %ge3A : i32
          %convert_element_type3A_484 = arith.extui %ge3A_483 : i1 to i32
          %cond3A_485 = arith.constant 0 : i32
          %cond3A_486 = arith.cmpi ne, %convert_element_type3A_484, %cond3A_485 : i32
          scf.if %cond3A_486 {
            %dma_wait3A_528 = arith.constant 0 : i32
            %dma_wait3A_529 = arith.constant 0 : i32
            %dma_wait3A_530 = tpu.memref_slice %arg19[%dma_wait3A_528, %dma_wait3A_529] : memref<64x64xf32, #tpu.memory_space<vmem>> -> memref<1x64xf32, #tpu.memory_space<vmem>>
            %dma_wait3A_531 = tpu.memref_squeeze %dma_wait3A_530 : memref<1x64xf32, #tpu.memory_space<vmem>> -> memref<64xf32, #tpu.memory_space<vmem>>
            %dma_wait3A_532 = arith.constant 0 : i32
            %dma_wait3A_533 = tpu.memref_slice %arg4[%dma_wait3A_532] : memref<1048576xf32, #tpu.memory_space<hbm>> -> memref<64xf32, #tpu.memory_space<hbm>>
            %dma_wait3A_534 = arith.constant 0 : i32
            %dma_wait3A_535 = tpu.memref_slice %arg19[%dma_wait3A_528, %dma_wait3A_534] : memref<64x64xf32, #tpu.memory_space<vmem>> -> memref<1x64xf32, #tpu.memory_space<vmem>>
            %dma_wait3A_536 = tpu.memref_squeeze %dma_wait3A_535 : memref<1x64xf32, #tpu.memory_space<vmem>> -> memref<64xf32, #tpu.memory_space<vmem>>
            %dma_wait3A_537 = arith.constant 0 : i32
            %dma_wait3A_538 = tpu.memref_slice %arg4[%dma_wait3A_537] : memref<1048576xf32, #tpu.memory_space<hbm>> -> memref<64xf32, #tpu.memory_space<hbm>>
            tpu.wait_dma2 semaphore(%arg29 : memref<!tpu.dma_semaphore, #tpu.memory_space<semaphore_mem>>) src(%dma_wait3A_538 : memref<64xf32, #tpu.memory_space<hbm>>) dst(%dma_wait3A_536 : memref<64xf32, #tpu.memory_space<vmem>>)
          } else {
          }
          %add3A_487 = arith.constant 0 : i32
          %add3A_488 = vector.broadcast %add3A_487 : i32 to vector<16xi32>
          %add3A_489 = arith.addi %iota3A, %add3A_488 : vector<16xi32>
          %gather3A = tpu.vector_load_idx %arg14[%add3A_489, %broadcast_in_dim3A_476] : memref<64x128xf32, #tpu.memory_space<vmem>>[vector<16xi32>, vector<16xi32>], vector<16xf32>,
          %swap3A_490 = arith.index_cast %and3A_482 : i32 to index
          %swap3A_491 = arith.constant 0 : index
          %swap3A_492 = tpu.vector_load %arg19[%swap3A_490, %swap3A_491] {strides = array<i32>} : memref<64x64xf32, #tpu.memory_space<vmem>>, vector<16xf32>,
          tpu.vector_store %arg19[%swap3A_490, %swap3A_491], %gather3A {strides = array<i32>} : memref<64x64xf32, #tpu.memory_space<vmem>>, vector<16xf32>,
          %add3A_493 = arith.constant 16 : i32
          %add3A_494 = vector.broadcast %add3A_493 : i32 to vector<16xi32>
          %add3A_495 = arith.addi %iota3A, %add3A_494 : vector<16xi32>
          %gather3A_496 = tpu.vector_load_idx %arg14[%add3A_495, %broadcast_in_dim3A_476] : memref<64x128xf32, #tpu.memory_space<vmem>>[vector<16xi32>, vector<16xi32>], vector<16xf32>,
          %swap3A_497 = arith.index_cast %and3A_482 : i32 to index
          %swap3A_498 = arith.constant 16 : index
          %swap3A_499 = tpu.vector_load %arg19[%swap3A_497, %swap3A_498] {strides = array<i32>} : memref<64x64xf32, #tpu.memory_space<vmem>>, vector<16xf32>,
          tpu.vector_store %arg19[%swap3A_497, %swap3A_498], %gather3A_496 {strides = array<i32>} : memref<64x64xf32, #tpu.memory_space<vmem>>, vector<16xf32>,
          %add3A_500 = arith.constant 32 : i32
          %add3A_501 = vector.broadcast %add3A_500 : i32 to vector<16xi32>
          %add3A_502 = arith.addi %iota3A, %add3A_501 : vector<16xi32>
          %gather3A_503 = tpu.vector_load_idx %arg14[%add3A_502, %broadcast_in_dim3A_476] : memref<64x128xf32, #tpu.memory_space<vmem>>[vector<16xi32>, vector<16xi32>], vector<16xf32>,
          %swap3A_504 = arith.index_cast %and3A_482 : i32 to index
          %swap3A_505 = arith.constant 32 : index
          %swap3A_506 = tpu.vector_load %arg19[%swap3A_504, %swap3A_505] {strides = array<i32>} : memref<64x64xf32, #tpu.memory_space<vmem>>, vector<16xf32>,
          tpu.vector_store %arg19[%swap3A_504, %swap3A_505], %gather3A_503 {strides = array<i32>} : memref<64x64xf32, #tpu.memory_space<vmem>>, vector<16xf32>,
          %add3A_507 = arith.constant 48 : i32
          %add3A_508 = vector.broadcast %add3A_507 : i32 to vector<16xi32>
          %add3A_509 = arith.addi %iota3A, %add3A_508 : vector<16xi32>
          %gather3A_510 = tpu.vector_load_idx %arg14[%add3A_509, %broadcast_in_dim3A_476] : memref<64x128xf32, #tpu.memory_space<vmem>>[vector<16xi32>, vector<16xi32>], vector<16xf32>,
          %swap3A_511 = arith.index_cast %and3A_482 : i32 to index
          %swap3A_512 = arith.constant 48 : index
          %swap3A_513 = tpu.vector_load %arg19[%swap3A_511, %swap3A_512] {strides = array<i32>} : memref<64x64xf32, #tpu.memory_space<vmem>>, vector<16xf32>,
          tpu.vector_store %arg19[%swap3A_511, %swap3A_512], %gather3A_510 {strides = array<i32>} : memref<64x64xf32, #tpu.memory_space<vmem>>, vector<16xf32>,
          %mul3A_514 = arith.constant 64 : i32
          %mul3A_515 = arith.muli %and3A_473, %mul3A_514 : i32
          %dma_start3A = arith.constant 0 : i32
          %dma_start3A_516 = tpu.memref_slice %arg19[%and3A_482, %dma_start3A] : memref<64x64xf32, #tpu.memory_space<vmem>> -> memref<1x64xf32, #tpu.memory_space<vmem>>
          %dma_start3A_517 = tpu.memref_squeeze %dma_start3A_516 : memref<1x64xf32, #tpu.memory_space<vmem>> -> memref<64xf32, #tpu.memory_space<vmem>>
          %dma_start3A_518 = tpu.memref_slice %arg4[%mul3A_515] : memref<1048576xf32, #tpu.memory_space<hbm>> -> memref<64xf32, #tpu.memory_space<hbm>>
          %dma_start3A_519 = tpu.memref_slice %arg4[%mul3A_515] : memref<1048576xf32, #tpu.memory_space<hbm>> -> memref<64xf32, #tpu.memory_space<hbm>>
          %dma_start3A_520 = arith.constant 0 : i32
          %dma_start3A_521 = tpu.memref_slice %arg19[%and3A_482, %dma_start3A_520] : memref<64x64xf32, #tpu.memory_space<vmem>> -> memref<1x64xf32, #tpu.memory_space<vmem>>
          %dma_start3A_522 = tpu.memref_squeeze %dma_start3A_521 : memref<1x64xf32, #tpu.memory_space<vmem>> -> memref<64xf32, #tpu.memory_space<vmem>>
          tpu.enqueue_dma source(%dma_start3A_522 : memref<64xf32, #tpu.memory_space<vmem>>) target(%dma_start3A_519 : memref<64xf32, #tpu.memory_space<hbm>>) target_semaphore(%arg29 : memref<!tpu.dma_semaphore, #tpu.memory_space<semaphore_mem>>)
          %add3A_523 = arith.constant 1 : i32
          %add3A_524 = arith.addi %squeeze3A_480, %add3A_523 : i32
          %broadcast_in_dim3A_525 = vector.broadcast %add3A_524 : i32 to vector<16xi32>
          %swap3A_526 = arith.constant 0 : index
          %swap3A_527 = tpu.vector_load %arg20[%swap3A_526] {strides = array<i32>} : memref<16xi32, #tpu.memory_space<vmem>>, vector<16xi32>,
          tpu.vector_store %arg20[%swap3A_526], %broadcast_in_dim3A_525 {strides = array<i32>} : memref<16xi32, #tpu.memory_space<vmem>>, vector<16xi32>,
        }
        %while3A_462 = arith.constant 1 : i32
        scf.for %while3A_463 = %while3A_460 to %while3A_456 step %while3A_462  : i32 {
          %mul3A_464 = arith.muli %while3A_463, %while3A_452 : i32
          %add3A_465 = arith.addi %while3A_453, %mul3A_464 : i32
          %add3A_466 = arith.addi %squeeze3A_439, %add3A_465 : i32
          %get3A_467 = arith.index_cast %add3A_466 : i32 to index
          %get3A_468 = tpu.vector_load %arg7[%get3A_467] {strides = array<i32>} : memref<16400xi32, #tpu.memory_space<vmem>>, vector<16xi32>,
          %slice3A_469 = vector.extract_strided_slice %get3A_468 {offsets = [0], sizes = [1], strides = [1]} : vector<16xi32> to vector<1xi32>
          %squeeze3A_470 = vector.extract %slice3A_469[0] : i32 from vector<1xi32>
          %shift_right_arithmetic3A = arith.constant 7 : i32
          %shift_right_arithmetic3A_471 = arith.shrsi %squeeze3A_470, %shift_right_arithmetic3A : i32
          %and3A_472 = arith.constant 16383 : i32
          %and3A_473 = arith.andi %shift_right_arithmetic3A_471, %and3A_472 : i32
          %and3A_474 = arith.constant 127 : i32
          %and3A_475 = arith.andi %squeeze3A_470, %and3A_474 : i32
          %broadcast_in_dim3A_476 = vector.broadcast %and3A_475 : i32 to vector<16xi32>
          %get3A_477 = arith.constant 0 : index
          %get3A_478 = tpu.vector_load %arg20[%get3A_477] {strides = array<i32>} : memref<16xi32, #tpu.memory_space<vmem>>, vector<16xi32>,
          %slice3A_479 = vector.extract_strided_slice %get3A_478 {offsets = [0], sizes = [1], strides = [1]} : vector<16xi32> to vector<1xi32>
          %squeeze3A_480 = vector.extract %slice3A_479[0] : i32 from vector<1xi32>
          %and3A_481 = arith.constant 63 : i32
          %and3A_482 = arith.andi %squeeze3A_480, %and3A_481 : i32
          %ge3A = arith.constant 64 : i32
          %ge3A_483 = arith.cmpi sge, %squeeze3A_480, %ge3A : i32
          %convert_element_type3A_484 = arith.extui %ge3A_483 : i1 to i32
          %cond3A_485 = arith.constant 0 : i32
          %cond3A_486 = arith.cmpi ne, %convert_element_type3A_484, %cond3A_485 : i32
          scf.if %cond3A_486 {
            %dma_wait3A_528 = arith.constant 0 : i32
            %dma_wait3A_529 = arith.constant 0 : i32
            %dma_wait3A_530 = tpu.memref_slice %arg19[%dma_wait3A_528, %dma_wait3A_529] : memref<64x64xf32, #tpu.memory_space<vmem>> -> memref<1x64xf32, #tpu.memory_space<vmem>>
            %dma_wait3A_531 = tpu.memref_squeeze %dma_wait3A_530 : memref<1x64xf32, #tpu.memory_space<vmem>> -> memref<64xf32, #tpu.memory_space<vmem>>
            %dma_wait3A_532 = arith.constant 0 : i32
            %dma_wait3A_533 = tpu.memref_slice %arg4[%dma_wait3A_532] : memref<1048576xf32, #tpu.memory_space<hbm>> -> memref<64xf32, #tpu.memory_space<hbm>>
            %dma_wait3A_534 = arith.constant 0 : i32
            %dma_wait3A_535 = tpu.memref_slice %arg19[%dma_wait3A_528, %dma_wait3A_534] : memref<64x64xf32, #tpu.memory_space<vmem>> -> memref<1x64xf32, #tpu.memory_space<vmem>>
            %dma_wait3A_536 = tpu.memref_squeeze %dma_wait3A_535 : memref<1x64xf32, #tpu.memory_space<vmem>> -> memref<64xf32, #tpu.memory_space<vmem>>
            %dma_wait3A_537 = arith.constant 0 : i32
            %dma_wait3A_538 = tpu.memref_slice %arg4[%dma_wait3A_537] : memref<1048576xf32, #tpu.memory_space<hbm>> -> memref<64xf32, #tpu.memory_space<hbm>>
            tpu.wait_dma2 semaphore(%arg29 : memref<!tpu.dma_semaphore, #tpu.memory_space<semaphore_mem>>) src(%dma_wait3A_538 : memref<64xf32, #tpu.memory_space<hbm>>) dst(%dma_wait3A_536 : memref<64xf32, #tpu.memory_space<vmem>>)
          } else {
          }
          %add3A_487 = arith.constant 0 : i32
          %add3A_488 = vector.broadcast %add3A_487 : i32 to vector<16xi32>
          %add3A_489 = arith.addi %iota3A, %add3A_488 : vector<16xi32>
          %gather3A = tpu.vector_load_idx %arg14[%add3A_489, %broadcast_in_dim3A_476] : memref<64x128xf32, #tpu.memory_space<vmem>>[vector<16xi32>, vector<16xi32>], vector<16xf32>,
          %swap3A_490 = arith.index_cast %and3A_482 : i32 to index
          %swap3A_491 = arith.constant 0 : index
          %swap3A_492 = tpu.vector_load %arg19[%swap3A_490, %swap3A_491] {strides = array<i32>} : memref<64x64xf32, #tpu.memory_space<vmem>>, vector<16xf32>,
          tpu.vector_store %arg19[%swap3A_490, %swap3A_491], %gather3A {strides = array<i32>} : memref<64x64xf32, #tpu.memory_space<vmem>>, vector<16xf32>,
          %add3A_493 = arith.constant 16 : i32
          %add3A_494 = vector.broadcast %add3A_493 : i32 to vector<16xi32>
          %add3A_495 = arith.addi %iota3A, %add3A_494 : vector<16xi32>
          %gather3A_496 = tpu.vector_load_idx %arg14[%add3A_495, %broadcast_in_dim3A_476] : memref<64x128xf32, #tpu.memory_space<vmem>>[vector<16xi32>, vector<16xi32>], vector<16xf32>,
          %swap3A_497 = arith.index_cast %and3A_482 : i32 to index
          %swap3A_498 = arith.constant 16 : index
          %swap3A_499 = tpu.vector_load %arg19[%swap3A_497, %swap3A_498] {strides = array<i32>} : memref<64x64xf32, #tpu.memory_space<vmem>>, vector<16xf32>,
          tpu.vector_store %arg19[%swap3A_497, %swap3A_498], %gather3A_496 {strides = array<i32>} : memref<64x64xf32, #tpu.memory_space<vmem>>, vector<16xf32>,
          %add3A_500 = arith.constant 32 : i32
          %add3A_501 = vector.broadcast %add3A_500 : i32 to vector<16xi32>
          %add3A_502 = arith.addi %iota3A, %add3A_501 : vector<16xi32>
          %gather3A_503 = tpu.vector_load_idx %arg14[%add3A_502, %broadcast_in_dim3A_476] : memref<64x128xf32, #tpu.memory_space<vmem>>[vector<16xi32>, vector<16xi32>], vector<16xf32>,
          %swap3A_504 = arith.index_cast %and3A_482 : i32 to index
          %swap3A_505 = arith.constant 32 : index
          %swap3A_506 = tpu.vector_load %arg19[%swap3A_504, %swap3A_505] {strides = array<i32>} : memref<64x64xf32, #tpu.memory_space<vmem>>, vector<16xf32>,
          tpu.vector_store %arg19[%swap3A_504, %swap3A_505], %gather3A_503 {strides = array<i32>} : memref<64x64xf32, #tpu.memory_space<vmem>>, vector<16xf32>,
          %add3A_507 = arith.constant 48 : i32
          %add3A_508 = vector.broadcast %add3A_507 : i32 to vector<16xi32>
          %add3A_509 = arith.addi %iota3A, %add3A_508 : vector<16xi32>
          %gather3A_510 = tpu.vector_load_idx %arg14[%add3A_509, %broadcast_in_dim3A_476] : memref<64x128xf32, #tpu.memory_space<vmem>>[vector<16xi32>, vector<16xi32>], vector<16xf32>,
          %swap3A_511 = arith.index_cast %and3A_482 : i32 to index
          %swap3A_512 = arith.constant 48 : index
          %swap3A_513 = tpu.vector_load %arg19[%swap3A_511, %swap3A_512] {strides = array<i32>} : memref<64x64xf32, #tpu.memory_space<vmem>>, vector<16xf32>,
          tpu.vector_store %arg19[%swap3A_511, %swap3A_512], %gather3A_510 {strides = array<i32>} : memref<64x64xf32, #tpu.memory_space<vmem>>, vector<16xf32>,
          %mul3A_514 = arith.constant 64 : i32
          %mul3A_515 = arith.muli %and3A_473, %mul3A_514 : i32
          %dma_start3A = arith.constant 0 : i32
          %dma_start3A_516 = tpu.memref_slice %arg19[%and3A_482, %dma_start3A] : memref<64x64xf32, #tpu.memory_space<vmem>> -> memref<1x64xf32, #tpu.memory_space<vmem>>
          %dma_start3A_517 = tpu.memref_squeeze %dma_start3A_516 : memref<1x64xf32, #tpu.memory_space<vmem>> -> memref<64xf32, #tpu.memory_space<vmem>>
          %dma_start3A_518 = tpu.memref_slice %arg4[%mul3A_515] : memref<1048576xf32, #tpu.memory_space<hbm>> -> memref<64xf32, #tpu.memory_space<hbm>>
          %dma_start3A_519 = tpu.memref_slice %arg4[%mul3A_515] : memref<1048576xf32, #tpu.memory_space<hbm>> -> memref<64xf32, #tpu.memory_space<hbm>>
          %dma_start3A_520 = arith.constant 0 : i32
          %dma_start3A_521 = tpu.memref_slice %arg19[%and3A_482, %dma_start3A_520] : memref<64x64xf32, #tpu.memory_space<vmem>> -> memref<1x64xf32, #tpu.memory_space<vmem>>
          %dma_start3A_522 = tpu.memref_squeeze %dma_start3A_521 : memref<1x64xf32, #tpu.memory_space<vmem>> -> memref<64xf32, #tpu.memory_space<vmem>>
          tpu.enqueue_dma source(%dma_start3A_522 : memref<64xf32, #tpu.memory_space<vmem>>) target(%dma_start3A_519 : memref<64xf32, #tpu.memory_space<hbm>>) target_semaphore(%arg29 : memref<!tpu.dma_semaphore, #tpu.memory_space<semaphore_mem>>)
          %add3A_523 = arith.constant 1 : i32
          %add3A_524 = arith.addi %squeeze3A_480, %add3A_523 : i32
          %broadcast_in_dim3A_525 = vector.broadcast %add3A_524 : i32 to vector<16xi32>
          %swap3A_526 = arith.constant 0 : index
          %swap3A_527 = tpu.vector_load %arg20[%swap3A_526] {strides = array<i32>} : memref<16xi32, #tpu.memory_space<vmem>>, vector<16xi32>,
          tpu.vector_store %arg20[%swap3A_526], %broadcast_in_dim3A_525 {strides = array<i32>} : memref<16xi32, #tpu.memory_space<vmem>>, vector<16xi32>,
        }
      } else {
      }
      %add3A_280 = arith.constant 8 : i32
      %add3A_281 = arith.addi %add3A_264, %add3A_280 : i32
      %lt3A_282 = arith.cmpi slt, %add3A_281, %add3A_60 : i32
      %add3A_283 = arith.constant 8 : i32
      %add3A_284 = arith.addi %add3A_264, %add3A_283 : i32
      %get3A_285 = arith.index_cast %add3A_284 : i32 to index
      %get3A_286 = tpu.vector_load %arg8[%get3A_285] {strides = array<i32>} : memref<272xi32, #tpu.memory_space<vmem>>, vector<16xi32>,
      %slice3A_287 = vector.extract_strided_slice %get3A_286 {offsets = [0], sizes = [1], strides = [1]} : vector<16xi32> to vector<1xi32>
      %squeeze3A_288 = vector.extract %slice3A_287[0] : i32 from vector<1xi32>
      %gt3A_289 = arith.constant 0 : i32
      %gt3A_290 = arith.cmpi sgt, %squeeze3A_288, %gt3A_289 : i32
      %and3A_291 = arith.andi %lt3A_282, %gt3A_290 : i1
      %convert_element_type3A_292 = arith.extui %and3A_291 : i1 to i32
      %cond3A_293 = arith.constant 0 : i32
      %cond3A_294 = arith.cmpi ne, %convert_element_type3A_292, %cond3A_293 : i32
      scf.if %cond3A_294 {
        %add3A_431 = arith.constant 8 : i32
        %add3A_432 = arith.addi %add3A_264, %add3A_431 : i32
        %mul3A_433 = arith.constant 32 : i32
        %mul3A_434 = arith.muli %add3A_432, %mul3A_433 : i32
        %add3A_435 = arith.addi %mul3A_434, %add3A : i32
        %mul3A_436 = arith.constant 128 : i32
        %mul3A_437 = arith.muli %add3A_435, %mul3A_436 : i32
        %dma_start3A = arith.constant 0 : i32
        %dma_start3A_438 = tpu.memref_slice %arg3[%dma_start3A, %mul3A_437] : memref<64x1000000xf32, #tpu.memory_space<hbm>> -> memref<64x128xf32, #tpu.memory_space<hbm>>
        %dma_start3A_439 = arith.constant 0 : i32
        %dma_start3A_440 = tpu.memref_slice %arg3[%dma_start3A_439, %mul3A_437] : memref<64x1000000xf32, #tpu.memory_space<hbm>> -> memref<64x128xf32, #tpu.memory_space<hbm>>
        tpu.enqueue_dma source(%dma_start3A_440 : memref<64x128xf32, #tpu.memory_space<hbm>>) target(%arg14 : memref<64x128xf32, #tpu.memory_space<vmem>>) target_semaphore(%arg24 : memref<!tpu.dma_semaphore, #tpu.memory_space<semaphore_mem>>)
      } else {
      }
      %mul3A_295 = arith.constant 8 : i32
      %mul3A_296 = arith.muli %add3A_159, %mul3A_295 : i32
      %add3A_297 = arith.constant 4 : i32
      %add3A_298 = arith.addi %mul3A_296, %add3A_297 : i32
      %lt3A_299 = arith.constant 8 : i32
      %lt3A_300 = arith.cmpi slt, %add3A_298, %lt3A_299 : i32
      %lt3A_301 = arith.cmpi slt, %add3A_298, %add3A_60 : i32
      %lt3A_302 = arith.cmpi slt, %add3A_298, %add3A_60 : i32
      %get3A_303 = arith.index_cast %add3A_298 : i32 to index
      %get3A_304 = tpu.vector_load %arg8[%get3A_303] {strides = array<i32>} : memref<272xi32, #tpu.memory_space<vmem>>, vector<16xi32>,
      %slice3A_305 = vector.extract_strided_slice %get3A_304 {offsets = [0], sizes = [1], strides = [1]} : vector<16xi32> to vector<1xi32>
      %squeeze3A_306 = vector.extract %slice3A_305[0] : i32 from vector<1xi32>
      %gt3A_307 = arith.constant 0 : i32
      %gt3A_308 = arith.cmpi sgt, %squeeze3A_306, %gt3A_307 : i32
      %and3A_309 = arith.andi %lt3A_302, %gt3A_308 : i1
      %select_n3A_310 = arith.select %lt3A_300, %lt3A_301, %and3A_309 : i1
      %convert_element_type3A_311 = arith.extui %select_n3A_310 : i1 to i32
      %cond3A_312 = arith.constant 0 : i32
      %cond3A_313 = arith.cmpi ne, %convert_element_type3A_311, %cond3A_312 : i32
      scf.if %cond3A_313 {
        %dma_wait3A = arith.constant 0 : i32
        %dma_wait3A_431 = arith.constant 0 : i32
        %dma_wait3A_432 = tpu.memref_slice %arg3[%dma_wait3A, %dma_wait3A_431] : memref<64x1000000xf32, #tpu.memory_space<hbm>> -> memref<64x128xf32, #tpu.memory_space<hbm>>
        %dma_wait3A_433 = arith.constant 0 : i32
        %dma_wait3A_434 = arith.constant 0 : i32
        %dma_wait3A_435 = tpu.memref_slice %arg3[%dma_wait3A_433, %dma_wait3A_434] : memref<64x1000000xf32, #tpu.memory_space<hbm>> -> memref<64x128xf32, #tpu.memory_space<hbm>>
        tpu.wait_dma2 semaphore(%arg25 : memref<!tpu.dma_semaphore, #tpu.memory_space<semaphore_mem>>) src(%dma_wait3A_435 : memref<64x128xf32, #tpu.memory_space<hbm>>) dst(%arg15 : memref<64x128xf32, #tpu.memory_space<vmem>>)
        %get3A_436 = arith.index_cast %add3A_298 : i32 to index
        %get3A_437 = tpu.vector_load %arg9[%get3A_436] {strides = array<i32>} : memref<272xi32, #tpu.memory_space<vmem>>, vector<16xi32>,
        %slice3A_438 = vector.extract_strided_slice %get3A_437 {offsets = [0], sizes = [1], strides = [1]} : vector<16xi32> to vector<1xi32>
        %squeeze3A_439 = vector.extract %slice3A_438[0] : i32 from vector<1xi32>
        %get3A_440 = arith.index_cast %add3A_298 : i32 to index
        %get3A_441 = tpu.vector_load %arg8[%get3A_440] {strides = array<i32>} : memref<272xi32, #tpu.memory_space<vmem>>, vector<16xi32>,
        %slice3A_442 = vector.extract_strided_slice %get3A_441 {offsets = [0], sizes = [1], strides = [1]} : vector<16xi32> to vector<1xi32>
        %squeeze3A_443 = vector.extract %slice3A_442[0] : i32 from vector<1xi32>
        %sub3A_444 = arith.constant 0 : i32
        %sub3A_445 = arith.subi %squeeze3A_443, %sub3A_444 : i32
        %sub3A_446 = arith.constant 1 : i32
        %sub3A_447 = arith.constant 1 : i32
        %sub3A_448 = arith.subi %sub3A_446, %sub3A_447 : i32
        %add3A_449 = arith.addi %sub3A_445, %sub3A_448 : i32
        %div3A_450 = arith.constant 1 : i32
        %div3A_451 = arith.divsi %add3A_449, %div3A_450 : i32
        %while3A_452 = arith.constant 1 : i32
        %while3A_453 = arith.constant 0 : i32
        %while3A_454 = arith.constant 0 : i32
        %while3A_455 = arith.subi %div3A_451, %while3A_454 : i32
        %while3A_456 = arith.addi %while3A_454, %while3A_455 : i32
        %while3A_457 = arith.constant 1 : i32
        %while3A_458 = arith.divsi %while3A_455, %while3A_457 : i32
        %while3A_459 = arith.muli %while3A_458, %while3A_457 : i32
        %while3A_460 = arith.addi %while3A_454, %while3A_459 : i32
        %while3A_461 = arith.constant 1 : i32
        scf.for %while3A_463 = %while3A_454 to %while3A_460 step %while3A_461  : i32 {
          %mul3A_464 = arith.muli %while3A_463, %while3A_452 : i32
          %add3A_465 = arith.addi %while3A_453, %mul3A_464 : i32
          %add3A_466 = arith.addi %squeeze3A_439, %add3A_465 : i32
          %get3A_467 = arith.index_cast %add3A_466 : i32 to index
          %get3A_468 = tpu.vector_load %arg7[%get3A_467] {strides = array<i32>} : memref<16400xi32, #tpu.memory_space<vmem>>, vector<16xi32>,
          %slice3A_469 = vector.extract_strided_slice %get3A_468 {offsets = [0], sizes = [1], strides = [1]} : vector<16xi32> to vector<1xi32>
          %squeeze3A_470 = vector.extract %slice3A_469[0] : i32 from vector<1xi32>
          %shift_right_arithmetic3A = arith.constant 7 : i32
          %shift_right_arithmetic3A_471 = arith.shrsi %squeeze3A_470, %shift_right_arithmetic3A : i32
          %and3A_472 = arith.constant 16383 : i32
          %and3A_473 = arith.andi %shift_right_arithmetic3A_471, %and3A_472 : i32
          %and3A_474 = arith.constant 127 : i32
          %and3A_475 = arith.andi %squeeze3A_470, %and3A_474 : i32
          %broadcast_in_dim3A_476 = vector.broadcast %and3A_475 : i32 to vector<16xi32>
          %get3A_477 = arith.constant 0 : index
          %get3A_478 = tpu.vector_load %arg20[%get3A_477] {strides = array<i32>} : memref<16xi32, #tpu.memory_space<vmem>>, vector<16xi32>,
          %slice3A_479 = vector.extract_strided_slice %get3A_478 {offsets = [0], sizes = [1], strides = [1]} : vector<16xi32> to vector<1xi32>
          %squeeze3A_480 = vector.extract %slice3A_479[0] : i32 from vector<1xi32>
          %and3A_481 = arith.constant 63 : i32
          %and3A_482 = arith.andi %squeeze3A_480, %and3A_481 : i32
          %ge3A = arith.constant 64 : i32
          %ge3A_483 = arith.cmpi sge, %squeeze3A_480, %ge3A : i32
          %convert_element_type3A_484 = arith.extui %ge3A_483 : i1 to i32
          %cond3A_485 = arith.constant 0 : i32
          %cond3A_486 = arith.cmpi ne, %convert_element_type3A_484, %cond3A_485 : i32
          scf.if %cond3A_486 {
            %dma_wait3A_528 = arith.constant 0 : i32
            %dma_wait3A_529 = arith.constant 0 : i32
            %dma_wait3A_530 = tpu.memref_slice %arg19[%dma_wait3A_528, %dma_wait3A_529] : memref<64x64xf32, #tpu.memory_space<vmem>> -> memref<1x64xf32, #tpu.memory_space<vmem>>
            %dma_wait3A_531 = tpu.memref_squeeze %dma_wait3A_530 : memref<1x64xf32, #tpu.memory_space<vmem>> -> memref<64xf32, #tpu.memory_space<vmem>>
            %dma_wait3A_532 = arith.constant 0 : i32
            %dma_wait3A_533 = tpu.memref_slice %arg4[%dma_wait3A_532] : memref<1048576xf32, #tpu.memory_space<hbm>> -> memref<64xf32, #tpu.memory_space<hbm>>
            %dma_wait3A_534 = arith.constant 0 : i32
            %dma_wait3A_535 = tpu.memref_slice %arg19[%dma_wait3A_528, %dma_wait3A_534] : memref<64x64xf32, #tpu.memory_space<vmem>> -> memref<1x64xf32, #tpu.memory_space<vmem>>
            %dma_wait3A_536 = tpu.memref_squeeze %dma_wait3A_535 : memref<1x64xf32, #tpu.memory_space<vmem>> -> memref<64xf32, #tpu.memory_space<vmem>>
            %dma_wait3A_537 = arith.constant 0 : i32
            %dma_wait3A_538 = tpu.memref_slice %arg4[%dma_wait3A_537] : memref<1048576xf32, #tpu.memory_space<hbm>> -> memref<64xf32, #tpu.memory_space<hbm>>
            tpu.wait_dma2 semaphore(%arg29 : memref<!tpu.dma_semaphore, #tpu.memory_space<semaphore_mem>>) src(%dma_wait3A_538 : memref<64xf32, #tpu.memory_space<hbm>>) dst(%dma_wait3A_536 : memref<64xf32, #tpu.memory_space<vmem>>)
          } else {
          }
          %add3A_487 = arith.constant 0 : i32
          %add3A_488 = vector.broadcast %add3A_487 : i32 to vector<16xi32>
          %add3A_489 = arith.addi %iota3A, %add3A_488 : vector<16xi32>
          %gather3A = tpu.vector_load_idx %arg15[%add3A_489, %broadcast_in_dim3A_476] : memref<64x128xf32, #tpu.memory_space<vmem>>[vector<16xi32>, vector<16xi32>], vector<16xf32>,
          %swap3A_490 = arith.index_cast %and3A_482 : i32 to index
          %swap3A_491 = arith.constant 0 : index
          %swap3A_492 = tpu.vector_load %arg19[%swap3A_490, %swap3A_491] {strides = array<i32>} : memref<64x64xf32, #tpu.memory_space<vmem>>, vector<16xf32>,
          tpu.vector_store %arg19[%swap3A_490, %swap3A_491], %gather3A {strides = array<i32>} : memref<64x64xf32, #tpu.memory_space<vmem>>, vector<16xf32>,
          %add3A_493 = arith.constant 16 : i32
          %add3A_494 = vector.broadcast %add3A_493 : i32 to vector<16xi32>
          %add3A_495 = arith.addi %iota3A, %add3A_494 : vector<16xi32>
          %gather3A_496 = tpu.vector_load_idx %arg15[%add3A_495, %broadcast_in_dim3A_476] : memref<64x128xf32, #tpu.memory_space<vmem>>[vector<16xi32>, vector<16xi32>], vector<16xf32>,
          %swap3A_497 = arith.index_cast %and3A_482 : i32 to index
          %swap3A_498 = arith.constant 16 : index
          %swap3A_499 = tpu.vector_load %arg19[%swap3A_497, %swap3A_498] {strides = array<i32>} : memref<64x64xf32, #tpu.memory_space<vmem>>, vector<16xf32>,
          tpu.vector_store %arg19[%swap3A_497, %swap3A_498], %gather3A_496 {strides = array<i32>} : memref<64x64xf32, #tpu.memory_space<vmem>>, vector<16xf32>,
          %add3A_500 = arith.constant 32 : i32
          %add3A_501 = vector.broadcast %add3A_500 : i32 to vector<16xi32>
          %add3A_502 = arith.addi %iota3A, %add3A_501 : vector<16xi32>
          %gather3A_503 = tpu.vector_load_idx %arg15[%add3A_502, %broadcast_in_dim3A_476] : memref<64x128xf32, #tpu.memory_space<vmem>>[vector<16xi32>, vector<16xi32>], vector<16xf32>,
          %swap3A_504 = arith.index_cast %and3A_482 : i32 to index
          %swap3A_505 = arith.constant 32 : index
          %swap3A_506 = tpu.vector_load %arg19[%swap3A_504, %swap3A_505] {strides = array<i32>} : memref<64x64xf32, #tpu.memory_space<vmem>>, vector<16xf32>,
          tpu.vector_store %arg19[%swap3A_504, %swap3A_505], %gather3A_503 {strides = array<i32>} : memref<64x64xf32, #tpu.memory_space<vmem>>, vector<16xf32>,
          %add3A_507 = arith.constant 48 : i32
          %add3A_508 = vector.broadcast %add3A_507 : i32 to vector<16xi32>
          %add3A_509 = arith.addi %iota3A, %add3A_508 : vector<16xi32>
          %gather3A_510 = tpu.vector_load_idx %arg15[%add3A_509, %broadcast_in_dim3A_476] : memref<64x128xf32, #tpu.memory_space<vmem>>[vector<16xi32>, vector<16xi32>], vector<16xf32>,
          %swap3A_511 = arith.index_cast %and3A_482 : i32 to index
          %swap3A_512 = arith.constant 48 : index
          %swap3A_513 = tpu.vector_load %arg19[%swap3A_511, %swap3A_512] {strides = array<i32>} : memref<64x64xf32, #tpu.memory_space<vmem>>, vector<16xf32>,
          tpu.vector_store %arg19[%swap3A_511, %swap3A_512], %gather3A_510 {strides = array<i32>} : memref<64x64xf32, #tpu.memory_space<vmem>>, vector<16xf32>,
          %mul3A_514 = arith.constant 64 : i32
          %mul3A_515 = arith.muli %and3A_473, %mul3A_514 : i32
          %dma_start3A = arith.constant 0 : i32
          %dma_start3A_516 = tpu.memref_slice %arg19[%and3A_482, %dma_start3A] : memref<64x64xf32, #tpu.memory_space<vmem>> -> memref<1x64xf32, #tpu.memory_space<vmem>>
          %dma_start3A_517 = tpu.memref_squeeze %dma_start3A_516 : memref<1x64xf32, #tpu.memory_space<vmem>> -> memref<64xf32, #tpu.memory_space<vmem>>
          %dma_start3A_518 = tpu.memref_slice %arg4[%mul3A_515] : memref<1048576xf32, #tpu.memory_space<hbm>> -> memref<64xf32, #tpu.memory_space<hbm>>
          %dma_start3A_519 = tpu.memref_slice %arg4[%mul3A_515] : memref<1048576xf32, #tpu.memory_space<hbm>> -> memref<64xf32, #tpu.memory_space<hbm>>
          %dma_start3A_520 = arith.constant 0 : i32
          %dma_start3A_521 = tpu.memref_slice %arg19[%and3A_482, %dma_start3A_520] : memref<64x64xf32, #tpu.memory_space<vmem>> -> memref<1x64xf32, #tpu.memory_space<vmem>>
          %dma_start3A_522 = tpu.memref_squeeze %dma_start3A_521 : memref<1x64xf32, #tpu.memory_space<vmem>> -> memref<64xf32, #tpu.memory_space<vmem>>
          tpu.enqueue_dma source(%dma_start3A_522 : memref<64xf32, #tpu.memory_space<vmem>>) target(%dma_start3A_519 : memref<64xf32, #tpu.memory_space<hbm>>) target_semaphore(%arg29 : memref<!tpu.dma_semaphore, #tpu.memory_space<semaphore_mem>>)
          %add3A_523 = arith.constant 1 : i32
          %add3A_524 = arith.addi %squeeze3A_480, %add3A_523 : i32
          %broadcast_in_dim3A_525 = vector.broadcast %add3A_524 : i32 to vector<16xi32>
          %swap3A_526 = arith.constant 0 : index
          %swap3A_527 = tpu.vector_load %arg20[%swap3A_526] {strides = array<i32>} : memref<16xi32, #tpu.memory_space<vmem>>, vector<16xi32>,
          tpu.vector_store %arg20[%swap3A_526], %broadcast_in_dim3A_525 {strides = array<i32>} : memref<16xi32, #tpu.memory_space<vmem>>, vector<16xi32>,
        }
        %while3A_462 = arith.constant 1 : i32
        scf.for %while3A_463 = %while3A_460 to %while3A_456 step %while3A_462  : i32 {
          %mul3A_464 = arith.muli %while3A_463, %while3A_452 : i32
          %add3A_465 = arith.addi %while3A_453, %mul3A_464 : i32
          %add3A_466 = arith.addi %squeeze3A_439, %add3A_465 : i32
          %get3A_467 = arith.index_cast %add3A_466 : i32 to index
          %get3A_468 = tpu.vector_load %arg7[%get3A_467] {strides = array<i32>} : memref<16400xi32, #tpu.memory_space<vmem>>, vector<16xi32>,
          %slice3A_469 = vector.extract_strided_slice %get3A_468 {offsets = [0], sizes = [1], strides = [1]} : vector<16xi32> to vector<1xi32>
          %squeeze3A_470 = vector.extract %slice3A_469[0] : i32 from vector<1xi32>
          %shift_right_arithmetic3A = arith.constant 7 : i32
          %shift_right_arithmetic3A_471 = arith.shrsi %squeeze3A_470, %shift_right_arithmetic3A : i32
          %and3A_472 = arith.constant 16383 : i32
          %and3A_473 = arith.andi %shift_right_arithmetic3A_471, %and3A_472 : i32
          %and3A_474 = arith.constant 127 : i32
          %and3A_475 = arith.andi %squeeze3A_470, %and3A_474 : i32
          %broadcast_in_dim3A_476 = vector.broadcast %and3A_475 : i32 to vector<16xi32>
          %get3A_477 = arith.constant 0 : index
          %get3A_478 = tpu.vector_load %arg20[%get3A_477] {strides = array<i32>} : memref<16xi32, #tpu.memory_space<vmem>>, vector<16xi32>,
          %slice3A_479 = vector.extract_strided_slice %get3A_478 {offsets = [0], sizes = [1], strides = [1]} : vector<16xi32> to vector<1xi32>
          %squeeze3A_480 = vector.extract %slice3A_479[0] : i32 from vector<1xi32>
          %and3A_481 = arith.constant 63 : i32
          %and3A_482 = arith.andi %squeeze3A_480, %and3A_481 : i32
          %ge3A = arith.constant 64 : i32
          %ge3A_483 = arith.cmpi sge, %squeeze3A_480, %ge3A : i32
          %convert_element_type3A_484 = arith.extui %ge3A_483 : i1 to i32
          %cond3A_485 = arith.constant 0 : i32
          %cond3A_486 = arith.cmpi ne, %convert_element_type3A_484, %cond3A_485 : i32
          scf.if %cond3A_486 {
            %dma_wait3A_528 = arith.constant 0 : i32
            %dma_wait3A_529 = arith.constant 0 : i32
            %dma_wait3A_530 = tpu.memref_slice %arg19[%dma_wait3A_528, %dma_wait3A_529] : memref<64x64xf32, #tpu.memory_space<vmem>> -> memref<1x64xf32, #tpu.memory_space<vmem>>
            %dma_wait3A_531 = tpu.memref_squeeze %dma_wait3A_530 : memref<1x64xf32, #tpu.memory_space<vmem>> -> memref<64xf32, #tpu.memory_space<vmem>>
            %dma_wait3A_532 = arith.constant 0 : i32
            %dma_wait3A_533 = tpu.memref_slice %arg4[%dma_wait3A_532] : memref<1048576xf32, #tpu.memory_space<hbm>> -> memref<64xf32, #tpu.memory_space<hbm>>
            %dma_wait3A_534 = arith.constant 0 : i32
            %dma_wait3A_535 = tpu.memref_slice %arg19[%dma_wait3A_528, %dma_wait3A_534] : memref<64x64xf32, #tpu.memory_space<vmem>> -> memref<1x64xf32, #tpu.memory_space<vmem>>
            %dma_wait3A_536 = tpu.memref_squeeze %dma_wait3A_535 : memref<1x64xf32, #tpu.memory_space<vmem>> -> memref<64xf32, #tpu.memory_space<vmem>>
            %dma_wait3A_537 = arith.constant 0 : i32
            %dma_wait3A_538 = tpu.memref_slice %arg4[%dma_wait3A_537] : memref<1048576xf32, #tpu.memory_space<hbm>> -> memref<64xf32, #tpu.memory_space<hbm>>
            tpu.wait_dma2 semaphore(%arg29 : memref<!tpu.dma_semaphore, #tpu.memory_space<semaphore_mem>>) src(%dma_wait3A_538 : memref<64xf32, #tpu.memory_space<hbm>>) dst(%dma_wait3A_536 : memref<64xf32, #tpu.memory_space<vmem>>)
          } else {
          }
          %add3A_487 = arith.constant 0 : i32
          %add3A_488 = vector.broadcast %add3A_487 : i32 to vector<16xi32>
          %add3A_489 = arith.addi %iota3A, %add3A_488 : vector<16xi32>
          %gather3A = tpu.vector_load_idx %arg15[%add3A_489, %broadcast_in_dim3A_476] : memref<64x128xf32, #tpu.memory_space<vmem>>[vector<16xi32>, vector<16xi32>], vector<16xf32>,
          %swap3A_490 = arith.index_cast %and3A_482 : i32 to index
          %swap3A_491 = arith.constant 0 : index
          %swap3A_492 = tpu.vector_load %arg19[%swap3A_490, %swap3A_491] {strides = array<i32>} : memref<64x64xf32, #tpu.memory_space<vmem>>, vector<16xf32>,
          tpu.vector_store %arg19[%swap3A_490, %swap3A_491], %gather3A {strides = array<i32>} : memref<64x64xf32, #tpu.memory_space<vmem>>, vector<16xf32>,
          %add3A_493 = arith.constant 16 : i32
          %add3A_494 = vector.broadcast %add3A_493 : i32 to vector<16xi32>
          %add3A_495 = arith.addi %iota3A, %add3A_494 : vector<16xi32>
          %gather3A_496 = tpu.vector_load_idx %arg15[%add3A_495, %broadcast_in_dim3A_476] : memref<64x128xf32, #tpu.memory_space<vmem>>[vector<16xi32>, vector<16xi32>], vector<16xf32>,
          %swap3A_497 = arith.index_cast %and3A_482 : i32 to index
          %swap3A_498 = arith.constant 16 : index
          %swap3A_499 = tpu.vector_load %arg19[%swap3A_497, %swap3A_498] {strides = array<i32>} : memref<64x64xf32, #tpu.memory_space<vmem>>, vector<16xf32>,
          tpu.vector_store %arg19[%swap3A_497, %swap3A_498], %gather3A_496 {strides = array<i32>} : memref<64x64xf32, #tpu.memory_space<vmem>>, vector<16xf32>,
          %add3A_500 = arith.constant 32 : i32
          %add3A_501 = vector.broadcast %add3A_500 : i32 to vector<16xi32>
          %add3A_502 = arith.addi %iota3A, %add3A_501 : vector<16xi32>
          %gather3A_503 = tpu.vector_load_idx %arg15[%add3A_502, %broadcast_in_dim3A_476] : memref<64x128xf32, #tpu.memory_space<vmem>>[vector<16xi32>, vector<16xi32>], vector<16xf32>,
          %swap3A_504 = arith.index_cast %and3A_482 : i32 to index
          %swap3A_505 = arith.constant 32 : index
          %swap3A_506 = tpu.vector_load %arg19[%swap3A_504, %swap3A_505] {strides = array<i32>} : memref<64x64xf32, #tpu.memory_space<vmem>>, vector<16xf32>,
          tpu.vector_store %arg19[%swap3A_504, %swap3A_505], %gather3A_503 {strides = array<i32>} : memref<64x64xf32, #tpu.memory_space<vmem>>, vector<16xf32>,
          %add3A_507 = arith.constant 48 : i32
          %add3A_508 = vector.broadcast %add3A_507 : i32 to vector<16xi32>
          %add3A_509 = arith.addi %iota3A, %add3A_508 : vector<16xi32>
          %gather3A_510 = tpu.vector_load_idx %arg15[%add3A_509, %broadcast_in_dim3A_476] : memref<64x128xf32, #tpu.memory_space<vmem>>[vector<16xi32>, vector<16xi32>], vector<16xf32>,
          %swap3A_511 = arith.index_cast %and3A_482 : i32 to index
          %swap3A_512 = arith.constant 48 : index
          %swap3A_513 = tpu.vector_load %arg19[%swap3A_511, %swap3A_512] {strides = array<i32>} : memref<64x64xf32, #tpu.memory_space<vmem>>, vector<16xf32>,
          tpu.vector_store %arg19[%swap3A_511, %swap3A_512], %gather3A_510 {strides = array<i32>} : memref<64x64xf32, #tpu.memory_space<vmem>>, vector<16xf32>,
          %mul3A_514 = arith.constant 64 : i32
          %mul3A_515 = arith.muli %and3A_473, %mul3A_514 : i32
          %dma_start3A = arith.constant 0 : i32
          %dma_start3A_516 = tpu.memref_slice %arg19[%and3A_482, %dma_start3A] : memref<64x64xf32, #tpu.memory_space<vmem>> -> memref<1x64xf32, #tpu.memory_space<vmem>>
          %dma_start3A_517 = tpu.memref_squeeze %dma_start3A_516 : memref<1x64xf32, #tpu.memory_space<vmem>> -> memref<64xf32, #tpu.memory_space<vmem>>
          %dma_start3A_518 = tpu.memref_slice %arg4[%mul3A_515] : memref<1048576xf32, #tpu.memory_space<hbm>> -> memref<64xf32, #tpu.memory_space<hbm>>
          %dma_start3A_519 = tpu.memref_slice %arg4[%mul3A_515] : memref<1048576xf32, #tpu.memory_space<hbm>> -> memref<64xf32, #tpu.memory_space<hbm>>
          %dma_start3A_520 = arith.constant 0 : i32
          %dma_start3A_521 = tpu.memref_slice %arg19[%and3A_482, %dma_start3A_520] : memref<64x64xf32, #tpu.memory_space<vmem>> -> memref<1x64xf32, #tpu.memory_space<vmem>>
          %dma_start3A_522 = tpu.memref_squeeze %dma_start3A_521 : memref<1x64xf32, #tpu.memory_space<vmem>> -> memref<64xf32, #tpu.memory_space<vmem>>
          tpu.enqueue_dma source(%dma_start3A_522 : memref<64xf32, #tpu.memory_space<vmem>>) target(%dma_start3A_519 : memref<64xf32, #tpu.memory_space<hbm>>) target_semaphore(%arg29 : memref<!tpu.dma_semaphore, #tpu.memory_space<semaphore_mem>>)
          %add3A_523 = arith.constant 1 : i32
          %add3A_524 = arith.addi %squeeze3A_480, %add3A_523 : i32
          %broadcast_in_dim3A_525 = vector.broadcast %add3A_524 : i32 to vector<16xi32>
          %swap3A_526 = arith.constant 0 : index
          %swap3A_527 = tpu.vector_load %arg20[%swap3A_526] {strides = array<i32>} : memref<16xi32, #tpu.memory_space<vmem>>, vector<16xi32>,
          tpu.vector_store %arg20[%swap3A_526], %broadcast_in_dim3A_525 {strides = array<i32>} : memref<16xi32, #tpu.memory_space<vmem>>, vector<16xi32>,
        }
      } else {
      }
      %add3A_314 = arith.constant 8 : i32
      %add3A_315 = arith.addi %add3A_298, %add3A_314 : i32
      %lt3A_316 = arith.cmpi slt, %add3A_315, %add3A_60 : i32
      %add3A_317 = arith.constant 8 : i32
      %add3A_318 = arith.addi %add3A_298, %add3A_317 : i32
      %get3A_319 = arith.index_cast %add3A_318 : i32 to index
      %get3A_320 = tpu.vector_load %arg8[%get3A_319] {strides = array<i32>} : memref<272xi32, #tpu.memory_space<vmem>>, vector<16xi32>,
      %slice3A_321 = vector.extract_strided_slice %get3A_320 {offsets = [0], sizes = [1], strides = [1]} : vector<16xi32> to vector<1xi32>
      %squeeze3A_322 = vector.extract %slice3A_321[0] : i32 from vector<1xi32>
      %gt3A_323 = arith.constant 0 : i32
      %gt3A_324 = arith.cmpi sgt, %squeeze3A_322, %gt3A_323 : i32
      %and3A_325 = arith.andi %lt3A_316, %gt3A_324 : i1
      %convert_element_type3A_326 = arith.extui %and3A_325 : i1 to i32
      %cond3A_327 = arith.constant 0 : i32
      %cond3A_328 = arith.cmpi ne, %convert_element_type3A_326, %cond3A_327 : i32
      scf.if %cond3A_328 {
        %add3A_431 = arith.constant 8 : i32
        %add3A_432 = arith.addi %add3A_298, %add3A_431 : i32
        %mul3A_433 = arith.constant 32 : i32
        %mul3A_434 = arith.muli %add3A_432, %mul3A_433 : i32
        %add3A_435 = arith.addi %mul3A_434, %add3A : i32
        %mul3A_436 = arith.constant 128 : i32
        %mul3A_437 = arith.muli %add3A_435, %mul3A_436 : i32
        %dma_start3A = arith.constant 0 : i32
        %dma_start3A_438 = tpu.memref_slice %arg3[%dma_start3A, %mul3A_437] : memref<64x1000000xf32, #tpu.memory_space<hbm>> -> memref<64x128xf32, #tpu.memory_space<hbm>>
        %dma_start3A_439 = arith.constant 0 : i32
        %dma_start3A_440 = tpu.memref_slice %arg3[%dma_start3A_439, %mul3A_437] : memref<64x1000000xf32, #tpu.memory_space<hbm>> -> memref<64x128xf32, #tpu.memory_space<hbm>>
        tpu.enqueue_dma source(%dma_start3A_440 : memref<64x128xf32, #tpu.memory_space<hbm>>) target(%arg15 : memref<64x128xf32, #tpu.memory_space<vmem>>) target_semaphore(%arg25 : memref<!tpu.dma_semaphore, #tpu.memory_space<semaphore_mem>>)
      } else {
      }
      %mul3A_329 = arith.constant 8 : i32
      %mul3A_330 = arith.muli %add3A_159, %mul3A_329 : i32
      %add3A_331 = arith.constant 5 : i32
      %add3A_332 = arith.addi %mul3A_330, %add3A_331 : i32
      %lt3A_333 = arith.constant 8 : i32
      %lt3A_334 = arith.cmpi slt, %add3A_332, %lt3A_333 : i32
      %lt3A_335 = arith.cmpi slt, %add3A_332, %add3A_60 : i32
      %lt3A_336 = arith.cmpi slt, %add3A_332, %add3A_60 : i32
      %get3A_337 = arith.index_cast %add3A_332 : i32 to index
      %get3A_338 = tpu.vector_load %arg8[%get3A_337] {strides = array<i32>} : memref<272xi32, #tpu.memory_space<vmem>>, vector<16xi32>,
      %slice3A_339 = vector.extract_strided_slice %get3A_338 {offsets = [0], sizes = [1], strides = [1]} : vector<16xi32> to vector<1xi32>
      %squeeze3A_340 = vector.extract %slice3A_339[0] : i32 from vector<1xi32>
      %gt3A_341 = arith.constant 0 : i32
      %gt3A_342 = arith.cmpi sgt, %squeeze3A_340, %gt3A_341 : i32
      %and3A_343 = arith.andi %lt3A_336, %gt3A_342 : i1
      %select_n3A_344 = arith.select %lt3A_334, %lt3A_335, %and3A_343 : i1
      %convert_element_type3A_345 = arith.extui %select_n3A_344 : i1 to i32
      %cond3A_346 = arith.constant 0 : i32
      %cond3A_347 = arith.cmpi ne, %convert_element_type3A_345, %cond3A_346 : i32
      scf.if %cond3A_347 {
        %dma_wait3A = arith.constant 0 : i32
        %dma_wait3A_431 = arith.constant 0 : i32
        %dma_wait3A_432 = tpu.memref_slice %arg3[%dma_wait3A, %dma_wait3A_431] : memref<64x1000000xf32, #tpu.memory_space<hbm>> -> memref<64x128xf32, #tpu.memory_space<hbm>>
        %dma_wait3A_433 = arith.constant 0 : i32
        %dma_wait3A_434 = arith.constant 0 : i32
        %dma_wait3A_435 = tpu.memref_slice %arg3[%dma_wait3A_433, %dma_wait3A_434] : memref<64x1000000xf32, #tpu.memory_space<hbm>> -> memref<64x128xf32, #tpu.memory_space<hbm>>
        tpu.wait_dma2 semaphore(%arg26 : memref<!tpu.dma_semaphore, #tpu.memory_space<semaphore_mem>>) src(%dma_wait3A_435 : memref<64x128xf32, #tpu.memory_space<hbm>>) dst(%arg16 : memref<64x128xf32, #tpu.memory_space<vmem>>)
        %get3A_436 = arith.index_cast %add3A_332 : i32 to index
        %get3A_437 = tpu.vector_load %arg9[%get3A_436] {strides = array<i32>} : memref<272xi32, #tpu.memory_space<vmem>>, vector<16xi32>,
        %slice3A_438 = vector.extract_strided_slice %get3A_437 {offsets = [0], sizes = [1], strides = [1]} : vector<16xi32> to vector<1xi32>
        %squeeze3A_439 = vector.extract %slice3A_438[0] : i32 from vector<1xi32>
        %get3A_440 = arith.index_cast %add3A_332 : i32 to index
        %get3A_441 = tpu.vector_load %arg8[%get3A_440] {strides = array<i32>} : memref<272xi32, #tpu.memory_space<vmem>>, vector<16xi32>,
        %slice3A_442 = vector.extract_strided_slice %get3A_441 {offsets = [0], sizes = [1], strides = [1]} : vector<16xi32> to vector<1xi32>
        %squeeze3A_443 = vector.extract %slice3A_442[0] : i32 from vector<1xi32>
        %sub3A_444 = arith.constant 0 : i32
        %sub3A_445 = arith.subi %squeeze3A_443, %sub3A_444 : i32
        %sub3A_446 = arith.constant 1 : i32
        %sub3A_447 = arith.constant 1 : i32
        %sub3A_448 = arith.subi %sub3A_446, %sub3A_447 : i32
        %add3A_449 = arith.addi %sub3A_445, %sub3A_448 : i32
        %div3A_450 = arith.constant 1 : i32
        %div3A_451 = arith.divsi %add3A_449, %div3A_450 : i32
        %while3A_452 = arith.constant 1 : i32
        %while3A_453 = arith.constant 0 : i32
        %while3A_454 = arith.constant 0 : i32
        %while3A_455 = arith.subi %div3A_451, %while3A_454 : i32
        %while3A_456 = arith.addi %while3A_454, %while3A_455 : i32
        %while3A_457 = arith.constant 1 : i32
        %while3A_458 = arith.divsi %while3A_455, %while3A_457 : i32
        %while3A_459 = arith.muli %while3A_458, %while3A_457 : i32
        %while3A_460 = arith.addi %while3A_454, %while3A_459 : i32
        %while3A_461 = arith.constant 1 : i32
        scf.for %while3A_463 = %while3A_454 to %while3A_460 step %while3A_461  : i32 {
          %mul3A_464 = arith.muli %while3A_463, %while3A_452 : i32
          %add3A_465 = arith.addi %while3A_453, %mul3A_464 : i32
          %add3A_466 = arith.addi %squeeze3A_439, %add3A_465 : i32
          %get3A_467 = arith.index_cast %add3A_466 : i32 to index
          %get3A_468 = tpu.vector_load %arg7[%get3A_467] {strides = array<i32>} : memref<16400xi32, #tpu.memory_space<vmem>>, vector<16xi32>,
          %slice3A_469 = vector.extract_strided_slice %get3A_468 {offsets = [0], sizes = [1], strides = [1]} : vector<16xi32> to vector<1xi32>
          %squeeze3A_470 = vector.extract %slice3A_469[0] : i32 from vector<1xi32>
          %shift_right_arithmetic3A = arith.constant 7 : i32
          %shift_right_arithmetic3A_471 = arith.shrsi %squeeze3A_470, %shift_right_arithmetic3A : i32
          %and3A_472 = arith.constant 16383 : i32
          %and3A_473 = arith.andi %shift_right_arithmetic3A_471, %and3A_472 : i32
          %and3A_474 = arith.constant 127 : i32
          %and3A_475 = arith.andi %squeeze3A_470, %and3A_474 : i32
          %broadcast_in_dim3A_476 = vector.broadcast %and3A_475 : i32 to vector<16xi32>
          %get3A_477 = arith.constant 0 : index
          %get3A_478 = tpu.vector_load %arg20[%get3A_477] {strides = array<i32>} : memref<16xi32, #tpu.memory_space<vmem>>, vector<16xi32>,
          %slice3A_479 = vector.extract_strided_slice %get3A_478 {offsets = [0], sizes = [1], strides = [1]} : vector<16xi32> to vector<1xi32>
          %squeeze3A_480 = vector.extract %slice3A_479[0] : i32 from vector<1xi32>
          %and3A_481 = arith.constant 63 : i32
          %and3A_482 = arith.andi %squeeze3A_480, %and3A_481 : i32
          %ge3A = arith.constant 64 : i32
          %ge3A_483 = arith.cmpi sge, %squeeze3A_480, %ge3A : i32
          %convert_element_type3A_484 = arith.extui %ge3A_483 : i1 to i32
          %cond3A_485 = arith.constant 0 : i32
          %cond3A_486 = arith.cmpi ne, %convert_element_type3A_484, %cond3A_485 : i32
          scf.if %cond3A_486 {
            %dma_wait3A_528 = arith.constant 0 : i32
            %dma_wait3A_529 = arith.constant 0 : i32
            %dma_wait3A_530 = tpu.memref_slice %arg19[%dma_wait3A_528, %dma_wait3A_529] : memref<64x64xf32, #tpu.memory_space<vmem>> -> memref<1x64xf32, #tpu.memory_space<vmem>>
            %dma_wait3A_531 = tpu.memref_squeeze %dma_wait3A_530 : memref<1x64xf32, #tpu.memory_space<vmem>> -> memref<64xf32, #tpu.memory_space<vmem>>
            %dma_wait3A_532 = arith.constant 0 : i32
            %dma_wait3A_533 = tpu.memref_slice %arg4[%dma_wait3A_532] : memref<1048576xf32, #tpu.memory_space<hbm>> -> memref<64xf32, #tpu.memory_space<hbm>>
            %dma_wait3A_534 = arith.constant 0 : i32
            %dma_wait3A_535 = tpu.memref_slice %arg19[%dma_wait3A_528, %dma_wait3A_534] : memref<64x64xf32, #tpu.memory_space<vmem>> -> memref<1x64xf32, #tpu.memory_space<vmem>>
            %dma_wait3A_536 = tpu.memref_squeeze %dma_wait3A_535 : memref<1x64xf32, #tpu.memory_space<vmem>> -> memref<64xf32, #tpu.memory_space<vmem>>
            %dma_wait3A_537 = arith.constant 0 : i32
            %dma_wait3A_538 = tpu.memref_slice %arg4[%dma_wait3A_537] : memref<1048576xf32, #tpu.memory_space<hbm>> -> memref<64xf32, #tpu.memory_space<hbm>>
            tpu.wait_dma2 semaphore(%arg29 : memref<!tpu.dma_semaphore, #tpu.memory_space<semaphore_mem>>) src(%dma_wait3A_538 : memref<64xf32, #tpu.memory_space<hbm>>) dst(%dma_wait3A_536 : memref<64xf32, #tpu.memory_space<vmem>>)
          } else {
          }
          %add3A_487 = arith.constant 0 : i32
          %add3A_488 = vector.broadcast %add3A_487 : i32 to vector<16xi32>
          %add3A_489 = arith.addi %iota3A, %add3A_488 : vector<16xi32>
          %gather3A = tpu.vector_load_idx %arg16[%add3A_489, %broadcast_in_dim3A_476] : memref<64x128xf32, #tpu.memory_space<vmem>>[vector<16xi32>, vector<16xi32>], vector<16xf32>,
          %swap3A_490 = arith.index_cast %and3A_482 : i32 to index
          %swap3A_491 = arith.constant 0 : index
          %swap3A_492 = tpu.vector_load %arg19[%swap3A_490, %swap3A_491] {strides = array<i32>} : memref<64x64xf32, #tpu.memory_space<vmem>>, vector<16xf32>,
          tpu.vector_store %arg19[%swap3A_490, %swap3A_491], %gather3A {strides = array<i32>} : memref<64x64xf32, #tpu.memory_space<vmem>>, vector<16xf32>,
          %add3A_493 = arith.constant 16 : i32
          %add3A_494 = vector.broadcast %add3A_493 : i32 to vector<16xi32>
          %add3A_495 = arith.addi %iota3A, %add3A_494 : vector<16xi32>
          %gather3A_496 = tpu.vector_load_idx %arg16[%add3A_495, %broadcast_in_dim3A_476] : memref<64x128xf32, #tpu.memory_space<vmem>>[vector<16xi32>, vector<16xi32>], vector<16xf32>,
          %swap3A_497 = arith.index_cast %and3A_482 : i32 to index
          %swap3A_498 = arith.constant 16 : index
          %swap3A_499 = tpu.vector_load %arg19[%swap3A_497, %swap3A_498] {strides = array<i32>} : memref<64x64xf32, #tpu.memory_space<vmem>>, vector<16xf32>,
          tpu.vector_store %arg19[%swap3A_497, %swap3A_498], %gather3A_496 {strides = array<i32>} : memref<64x64xf32, #tpu.memory_space<vmem>>, vector<16xf32>,
          %add3A_500 = arith.constant 32 : i32
          %add3A_501 = vector.broadcast %add3A_500 : i32 to vector<16xi32>
          %add3A_502 = arith.addi %iota3A, %add3A_501 : vector<16xi32>
          %gather3A_503 = tpu.vector_load_idx %arg16[%add3A_502, %broadcast_in_dim3A_476] : memref<64x128xf32, #tpu.memory_space<vmem>>[vector<16xi32>, vector<16xi32>], vector<16xf32>,
          %swap3A_504 = arith.index_cast %and3A_482 : i32 to index
          %swap3A_505 = arith.constant 32 : index
          %swap3A_506 = tpu.vector_load %arg19[%swap3A_504, %swap3A_505] {strides = array<i32>} : memref<64x64xf32, #tpu.memory_space<vmem>>, vector<16xf32>,
          tpu.vector_store %arg19[%swap3A_504, %swap3A_505], %gather3A_503 {strides = array<i32>} : memref<64x64xf32, #tpu.memory_space<vmem>>, vector<16xf32>,
          %add3A_507 = arith.constant 48 : i32
          %add3A_508 = vector.broadcast %add3A_507 : i32 to vector<16xi32>
          %add3A_509 = arith.addi %iota3A, %add3A_508 : vector<16xi32>
          %gather3A_510 = tpu.vector_load_idx %arg16[%add3A_509, %broadcast_in_dim3A_476] : memref<64x128xf32, #tpu.memory_space<vmem>>[vector<16xi32>, vector<16xi32>], vector<16xf32>,
          %swap3A_511 = arith.index_cast %and3A_482 : i32 to index
          %swap3A_512 = arith.constant 48 : index
          %swap3A_513 = tpu.vector_load %arg19[%swap3A_511, %swap3A_512] {strides = array<i32>} : memref<64x64xf32, #tpu.memory_space<vmem>>, vector<16xf32>,
          tpu.vector_store %arg19[%swap3A_511, %swap3A_512], %gather3A_510 {strides = array<i32>} : memref<64x64xf32, #tpu.memory_space<vmem>>, vector<16xf32>,
          %mul3A_514 = arith.constant 64 : i32
          %mul3A_515 = arith.muli %and3A_473, %mul3A_514 : i32
          %dma_start3A = arith.constant 0 : i32
          %dma_start3A_516 = tpu.memref_slice %arg19[%and3A_482, %dma_start3A] : memref<64x64xf32, #tpu.memory_space<vmem>> -> memref<1x64xf32, #tpu.memory_space<vmem>>
          %dma_start3A_517 = tpu.memref_squeeze %dma_start3A_516 : memref<1x64xf32, #tpu.memory_space<vmem>> -> memref<64xf32, #tpu.memory_space<vmem>>
          %dma_start3A_518 = tpu.memref_slice %arg4[%mul3A_515] : memref<1048576xf32, #tpu.memory_space<hbm>> -> memref<64xf32, #tpu.memory_space<hbm>>
          %dma_start3A_519 = tpu.memref_slice %arg4[%mul3A_515] : memref<1048576xf32, #tpu.memory_space<hbm>> -> memref<64xf32, #tpu.memory_space<hbm>>
          %dma_start3A_520 = arith.constant 0 : i32
          %dma_start3A_521 = tpu.memref_slice %arg19[%and3A_482, %dma_start3A_520] : memref<64x64xf32, #tpu.memory_space<vmem>> -> memref<1x64xf32, #tpu.memory_space<vmem>>
          %dma_start3A_522 = tpu.memref_squeeze %dma_start3A_521 : memref<1x64xf32, #tpu.memory_space<vmem>> -> memref<64xf32, #tpu.memory_space<vmem>>
          tpu.enqueue_dma source(%dma_start3A_522 : memref<64xf32, #tpu.memory_space<vmem>>) target(%dma_start3A_519 : memref<64xf32, #tpu.memory_space<hbm>>) target_semaphore(%arg29 : memref<!tpu.dma_semaphore, #tpu.memory_space<semaphore_mem>>)
          %add3A_523 = arith.constant 1 : i32
          %add3A_524 = arith.addi %squeeze3A_480, %add3A_523 : i32
          %broadcast_in_dim3A_525 = vector.broadcast %add3A_524 : i32 to vector<16xi32>
          %swap3A_526 = arith.constant 0 : index
          %swap3A_527 = tpu.vector_load %arg20[%swap3A_526] {strides = array<i32>} : memref<16xi32, #tpu.memory_space<vmem>>, vector<16xi32>,
          tpu.vector_store %arg20[%swap3A_526], %broadcast_in_dim3A_525 {strides = array<i32>} : memref<16xi32, #tpu.memory_space<vmem>>, vector<16xi32>,
        }
        %while3A_462 = arith.constant 1 : i32
        scf.for %while3A_463 = %while3A_460 to %while3A_456 step %while3A_462  : i32 {
          %mul3A_464 = arith.muli %while3A_463, %while3A_452 : i32
          %add3A_465 = arith.addi %while3A_453, %mul3A_464 : i32
          %add3A_466 = arith.addi %squeeze3A_439, %add3A_465 : i32
          %get3A_467 = arith.index_cast %add3A_466 : i32 to index
          %get3A_468 = tpu.vector_load %arg7[%get3A_467] {strides = array<i32>} : memref<16400xi32, #tpu.memory_space<vmem>>, vector<16xi32>,
          %slice3A_469 = vector.extract_strided_slice %get3A_468 {offsets = [0], sizes = [1], strides = [1]} : vector<16xi32> to vector<1xi32>
          %squeeze3A_470 = vector.extract %slice3A_469[0] : i32 from vector<1xi32>
          %shift_right_arithmetic3A = arith.constant 7 : i32
          %shift_right_arithmetic3A_471 = arith.shrsi %squeeze3A_470, %shift_right_arithmetic3A : i32
          %and3A_472 = arith.constant 16383 : i32
          %and3A_473 = arith.andi %shift_right_arithmetic3A_471, %and3A_472 : i32
          %and3A_474 = arith.constant 127 : i32
          %and3A_475 = arith.andi %squeeze3A_470, %and3A_474 : i32
          %broadcast_in_dim3A_476 = vector.broadcast %and3A_475 : i32 to vector<16xi32>
          %get3A_477 = arith.constant 0 : index
          %get3A_478 = tpu.vector_load %arg20[%get3A_477] {strides = array<i32>} : memref<16xi32, #tpu.memory_space<vmem>>, vector<16xi32>,
          %slice3A_479 = vector.extract_strided_slice %get3A_478 {offsets = [0], sizes = [1], strides = [1]} : vector<16xi32> to vector<1xi32>
          %squeeze3A_480 = vector.extract %slice3A_479[0] : i32 from vector<1xi32>
          %and3A_481 = arith.constant 63 : i32
          %and3A_482 = arith.andi %squeeze3A_480, %and3A_481 : i32
          %ge3A = arith.constant 64 : i32
          %ge3A_483 = arith.cmpi sge, %squeeze3A_480, %ge3A : i32
          %convert_element_type3A_484 = arith.extui %ge3A_483 : i1 to i32
          %cond3A_485 = arith.constant 0 : i32
          %cond3A_486 = arith.cmpi ne, %convert_element_type3A_484, %cond3A_485 : i32
          scf.if %cond3A_486 {
            %dma_wait3A_528 = arith.constant 0 : i32
            %dma_wait3A_529 = arith.constant 0 : i32
            %dma_wait3A_530 = tpu.memref_slice %arg19[%dma_wait3A_528, %dma_wait3A_529] : memref<64x64xf32, #tpu.memory_space<vmem>> -> memref<1x64xf32, #tpu.memory_space<vmem>>
            %dma_wait3A_531 = tpu.memref_squeeze %dma_wait3A_530 : memref<1x64xf32, #tpu.memory_space<vmem>> -> memref<64xf32, #tpu.memory_space<vmem>>
            %dma_wait3A_532 = arith.constant 0 : i32
            %dma_wait3A_533 = tpu.memref_slice %arg4[%dma_wait3A_532] : memref<1048576xf32, #tpu.memory_space<hbm>> -> memref<64xf32, #tpu.memory_space<hbm>>
            %dma_wait3A_534 = arith.constant 0 : i32
            %dma_wait3A_535 = tpu.memref_slice %arg19[%dma_wait3A_528, %dma_wait3A_534] : memref<64x64xf32, #tpu.memory_space<vmem>> -> memref<1x64xf32, #tpu.memory_space<vmem>>
            %dma_wait3A_536 = tpu.memref_squeeze %dma_wait3A_535 : memref<1x64xf32, #tpu.memory_space<vmem>> -> memref<64xf32, #tpu.memory_space<vmem>>
            %dma_wait3A_537 = arith.constant 0 : i32
            %dma_wait3A_538 = tpu.memref_slice %arg4[%dma_wait3A_537] : memref<1048576xf32, #tpu.memory_space<hbm>> -> memref<64xf32, #tpu.memory_space<hbm>>
            tpu.wait_dma2 semaphore(%arg29 : memref<!tpu.dma_semaphore, #tpu.memory_space<semaphore_mem>>) src(%dma_wait3A_538 : memref<64xf32, #tpu.memory_space<hbm>>) dst(%dma_wait3A_536 : memref<64xf32, #tpu.memory_space<vmem>>)
          } else {
          }
          %add3A_487 = arith.constant 0 : i32
          %add3A_488 = vector.broadcast %add3A_487 : i32 to vector<16xi32>
          %add3A_489 = arith.addi %iota3A, %add3A_488 : vector<16xi32>
          %gather3A = tpu.vector_load_idx %arg16[%add3A_489, %broadcast_in_dim3A_476] : memref<64x128xf32, #tpu.memory_space<vmem>>[vector<16xi32>, vector<16xi32>], vector<16xf32>,
          %swap3A_490 = arith.index_cast %and3A_482 : i32 to index
          %swap3A_491 = arith.constant 0 : index
          %swap3A_492 = tpu.vector_load %arg19[%swap3A_490, %swap3A_491] {strides = array<i32>} : memref<64x64xf32, #tpu.memory_space<vmem>>, vector<16xf32>,
          tpu.vector_store %arg19[%swap3A_490, %swap3A_491], %gather3A {strides = array<i32>} : memref<64x64xf32, #tpu.memory_space<vmem>>, vector<16xf32>,
          %add3A_493 = arith.constant 16 : i32
          %add3A_494 = vector.broadcast %add3A_493 : i32 to vector<16xi32>
          %add3A_495 = arith.addi %iota3A, %add3A_494 : vector<16xi32>
          %gather3A_496 = tpu.vector_load_idx %arg16[%add3A_495, %broadcast_in_dim3A_476] : memref<64x128xf32, #tpu.memory_space<vmem>>[vector<16xi32>, vector<16xi32>], vector<16xf32>,
          %swap3A_497 = arith.index_cast %and3A_482 : i32 to index
          %swap3A_498 = arith.constant 16 : index
          %swap3A_499 = tpu.vector_load %arg19[%swap3A_497, %swap3A_498] {strides = array<i32>} : memref<64x64xf32, #tpu.memory_space<vmem>>, vector<16xf32>,
          tpu.vector_store %arg19[%swap3A_497, %swap3A_498], %gather3A_496 {strides = array<i32>} : memref<64x64xf32, #tpu.memory_space<vmem>>, vector<16xf32>,
          %add3A_500 = arith.constant 32 : i32
          %add3A_501 = vector.broadcast %add3A_500 : i32 to vector<16xi32>
          %add3A_502 = arith.addi %iota3A, %add3A_501 : vector<16xi32>
          %gather3A_503 = tpu.vector_load_idx %arg16[%add3A_502, %broadcast_in_dim3A_476] : memref<64x128xf32, #tpu.memory_space<vmem>>[vector<16xi32>, vector<16xi32>], vector<16xf32>,
          %swap3A_504 = arith.index_cast %and3A_482 : i32 to index
          %swap3A_505 = arith.constant 32 : index
          %swap3A_506 = tpu.vector_load %arg19[%swap3A_504, %swap3A_505] {strides = array<i32>} : memref<64x64xf32, #tpu.memory_space<vmem>>, vector<16xf32>,
          tpu.vector_store %arg19[%swap3A_504, %swap3A_505], %gather3A_503 {strides = array<i32>} : memref<64x64xf32, #tpu.memory_space<vmem>>, vector<16xf32>,
          %add3A_507 = arith.constant 48 : i32
          %add3A_508 = vector.broadcast %add3A_507 : i32 to vector<16xi32>
          %add3A_509 = arith.addi %iota3A, %add3A_508 : vector<16xi32>
          %gather3A_510 = tpu.vector_load_idx %arg16[%add3A_509, %broadcast_in_dim3A_476] : memref<64x128xf32, #tpu.memory_space<vmem>>[vector<16xi32>, vector<16xi32>], vector<16xf32>,
          %swap3A_511 = arith.index_cast %and3A_482 : i32 to index
          %swap3A_512 = arith.constant 48 : index
          %swap3A_513 = tpu.vector_load %arg19[%swap3A_511, %swap3A_512] {strides = array<i32>} : memref<64x64xf32, #tpu.memory_space<vmem>>, vector<16xf32>,
          tpu.vector_store %arg19[%swap3A_511, %swap3A_512], %gather3A_510 {strides = array<i32>} : memref<64x64xf32, #tpu.memory_space<vmem>>, vector<16xf32>,
          %mul3A_514 = arith.constant 64 : i32
          %mul3A_515 = arith.muli %and3A_473, %mul3A_514 : i32
          %dma_start3A = arith.constant 0 : i32
          %dma_start3A_516 = tpu.memref_slice %arg19[%and3A_482, %dma_start3A] : memref<64x64xf32, #tpu.memory_space<vmem>> -> memref<1x64xf32, #tpu.memory_space<vmem>>
          %dma_start3A_517 = tpu.memref_squeeze %dma_start3A_516 : memref<1x64xf32, #tpu.memory_space<vmem>> -> memref<64xf32, #tpu.memory_space<vmem>>
          %dma_start3A_518 = tpu.memref_slice %arg4[%mul3A_515] : memref<1048576xf32, #tpu.memory_space<hbm>> -> memref<64xf32, #tpu.memory_space<hbm>>
          %dma_start3A_519 = tpu.memref_slice %arg4[%mul3A_515] : memref<1048576xf32, #tpu.memory_space<hbm>> -> memref<64xf32, #tpu.memory_space<hbm>>
          %dma_start3A_520 = arith.constant 0 : i32
          %dma_start3A_521 = tpu.memref_slice %arg19[%and3A_482, %dma_start3A_520] : memref<64x64xf32, #tpu.memory_space<vmem>> -> memref<1x64xf32, #tpu.memory_space<vmem>>
          %dma_start3A_522 = tpu.memref_squeeze %dma_start3A_521 : memref<1x64xf32, #tpu.memory_space<vmem>> -> memref<64xf32, #tpu.memory_space<vmem>>
          tpu.enqueue_dma source(%dma_start3A_522 : memref<64xf32, #tpu.memory_space<vmem>>) target(%dma_start3A_519 : memref<64xf32, #tpu.memory_space<hbm>>) target_semaphore(%arg29 : memref<!tpu.dma_semaphore, #tpu.memory_space<semaphore_mem>>)
          %add3A_523 = arith.constant 1 : i32
          %add3A_524 = arith.addi %squeeze3A_480, %add3A_523 : i32
          %broadcast_in_dim3A_525 = vector.broadcast %add3A_524 : i32 to vector<16xi32>
          %swap3A_526 = arith.constant 0 : index
          %swap3A_527 = tpu.vector_load %arg20[%swap3A_526] {strides = array<i32>} : memref<16xi32, #tpu.memory_space<vmem>>, vector<16xi32>,
          tpu.vector_store %arg20[%swap3A_526], %broadcast_in_dim3A_525 {strides = array<i32>} : memref<16xi32, #tpu.memory_space<vmem>>, vector<16xi32>,
        }
      } else {
      }
      %add3A_348 = arith.constant 8 : i32
      %add3A_349 = arith.addi %add3A_332, %add3A_348 : i32
      %lt3A_350 = arith.cmpi slt, %add3A_349, %add3A_60 : i32
      %add3A_351 = arith.constant 8 : i32
      %add3A_352 = arith.addi %add3A_332, %add3A_351 : i32
      %get3A_353 = arith.index_cast %add3A_352 : i32 to index
      %get3A_354 = tpu.vector_load %arg8[%get3A_353] {strides = array<i32>} : memref<272xi32, #tpu.memory_space<vmem>>, vector<16xi32>,
      %slice3A_355 = vector.extract_strided_slice %get3A_354 {offsets = [0], sizes = [1], strides = [1]} : vector<16xi32> to vector<1xi32>
      %squeeze3A_356 = vector.extract %slice3A_355[0] : i32 from vector<1xi32>
      %gt3A_357 = arith.constant 0 : i32
      %gt3A_358 = arith.cmpi sgt, %squeeze3A_356, %gt3A_357 : i32
      %and3A_359 = arith.andi %lt3A_350, %gt3A_358 : i1
      %convert_element_type3A_360 = arith.extui %and3A_359 : i1 to i32
      %cond3A_361 = arith.constant 0 : i32
      %cond3A_362 = arith.cmpi ne, %convert_element_type3A_360, %cond3A_361 : i32
      scf.if %cond3A_362 {
        %add3A_431 = arith.constant 8 : i32
        %add3A_432 = arith.addi %add3A_332, %add3A_431 : i32
        %mul3A_433 = arith.constant 32 : i32
        %mul3A_434 = arith.muli %add3A_432, %mul3A_433 : i32
        %add3A_435 = arith.addi %mul3A_434, %add3A : i32
        %mul3A_436 = arith.constant 128 : i32
        %mul3A_437 = arith.muli %add3A_435, %mul3A_436 : i32
        %dma_start3A = arith.constant 0 : i32
        %dma_start3A_438 = tpu.memref_slice %arg3[%dma_start3A, %mul3A_437] : memref<64x1000000xf32, #tpu.memory_space<hbm>> -> memref<64x128xf32, #tpu.memory_space<hbm>>
        %dma_start3A_439 = arith.constant 0 : i32
        %dma_start3A_440 = tpu.memref_slice %arg3[%dma_start3A_439, %mul3A_437] : memref<64x1000000xf32, #tpu.memory_space<hbm>> -> memref<64x128xf32, #tpu.memory_space<hbm>>
        tpu.enqueue_dma source(%dma_start3A_440 : memref<64x128xf32, #tpu.memory_space<hbm>>) target(%arg16 : memref<64x128xf32, #tpu.memory_space<vmem>>) target_semaphore(%arg26 : memref<!tpu.dma_semaphore, #tpu.memory_space<semaphore_mem>>)
      } else {
      }
      %mul3A_363 = arith.constant 8 : i32
      %mul3A_364 = arith.muli %add3A_159, %mul3A_363 : i32
      %add3A_365 = arith.constant 6 : i32
      %add3A_366 = arith.addi %mul3A_364, %add3A_365 : i32
      %lt3A_367 = arith.constant 8 : i32
      %lt3A_368 = arith.cmpi slt, %add3A_366, %lt3A_367 : i32
      %lt3A_369 = arith.cmpi slt, %add3A_366, %add3A_60 : i32
      %lt3A_370 = arith.cmpi slt, %add3A_366, %add3A_60 : i32
      %get3A_371 = arith.index_cast %add3A_366 : i32 to index
      %get3A_372 = tpu.vector_load %arg8[%get3A_371] {strides = array<i32>} : memref<272xi32, #tpu.memory_space<vmem>>, vector<16xi32>,
      %slice3A_373 = vector.extract_strided_slice %get3A_372 {offsets = [0], sizes = [1], strides = [1]} : vector<16xi32> to vector<1xi32>
      %squeeze3A_374 = vector.extract %slice3A_373[0] : i32 from vector<1xi32>
      %gt3A_375 = arith.constant 0 : i32
      %gt3A_376 = arith.cmpi sgt, %squeeze3A_374, %gt3A_375 : i32
      %and3A_377 = arith.andi %lt3A_370, %gt3A_376 : i1
      %select_n3A_378 = arith.select %lt3A_368, %lt3A_369, %and3A_377 : i1
      %convert_element_type3A_379 = arith.extui %select_n3A_378 : i1 to i32
      %cond3A_380 = arith.constant 0 : i32
      %cond3A_381 = arith.cmpi ne, %convert_element_type3A_379, %cond3A_380 : i32
      scf.if %cond3A_381 {
        %dma_wait3A = arith.constant 0 : i32
        %dma_wait3A_431 = arith.constant 0 : i32
        %dma_wait3A_432 = tpu.memref_slice %arg3[%dma_wait3A, %dma_wait3A_431] : memref<64x1000000xf32, #tpu.memory_space<hbm>> -> memref<64x128xf32, #tpu.memory_space<hbm>>
        %dma_wait3A_433 = arith.constant 0 : i32
        %dma_wait3A_434 = arith.constant 0 : i32
        %dma_wait3A_435 = tpu.memref_slice %arg3[%dma_wait3A_433, %dma_wait3A_434] : memref<64x1000000xf32, #tpu.memory_space<hbm>> -> memref<64x128xf32, #tpu.memory_space<hbm>>
        tpu.wait_dma2 semaphore(%arg27 : memref<!tpu.dma_semaphore, #tpu.memory_space<semaphore_mem>>) src(%dma_wait3A_435 : memref<64x128xf32, #tpu.memory_space<hbm>>) dst(%arg17 : memref<64x128xf32, #tpu.memory_space<vmem>>)
        %get3A_436 = arith.index_cast %add3A_366 : i32 to index
        %get3A_437 = tpu.vector_load %arg9[%get3A_436] {strides = array<i32>} : memref<272xi32, #tpu.memory_space<vmem>>, vector<16xi32>,
        %slice3A_438 = vector.extract_strided_slice %get3A_437 {offsets = [0], sizes = [1], strides = [1]} : vector<16xi32> to vector<1xi32>
        %squeeze3A_439 = vector.extract %slice3A_438[0] : i32 from vector<1xi32>
        %get3A_440 = arith.index_cast %add3A_366 : i32 to index
        %get3A_441 = tpu.vector_load %arg8[%get3A_440] {strides = array<i32>} : memref<272xi32, #tpu.memory_space<vmem>>, vector<16xi32>,
        %slice3A_442 = vector.extract_strided_slice %get3A_441 {offsets = [0], sizes = [1], strides = [1]} : vector<16xi32> to vector<1xi32>
        %squeeze3A_443 = vector.extract %slice3A_442[0] : i32 from vector<1xi32>
        %sub3A_444 = arith.constant 0 : i32
        %sub3A_445 = arith.subi %squeeze3A_443, %sub3A_444 : i32
        %sub3A_446 = arith.constant 1 : i32
        %sub3A_447 = arith.constant 1 : i32
        %sub3A_448 = arith.subi %sub3A_446, %sub3A_447 : i32
        %add3A_449 = arith.addi %sub3A_445, %sub3A_448 : i32
        %div3A_450 = arith.constant 1 : i32
        %div3A_451 = arith.divsi %add3A_449, %div3A_450 : i32
        %while3A_452 = arith.constant 1 : i32
        %while3A_453 = arith.constant 0 : i32
        %while3A_454 = arith.constant 0 : i32
        %while3A_455 = arith.subi %div3A_451, %while3A_454 : i32
        %while3A_456 = arith.addi %while3A_454, %while3A_455 : i32
        %while3A_457 = arith.constant 1 : i32
        %while3A_458 = arith.divsi %while3A_455, %while3A_457 : i32
        %while3A_459 = arith.muli %while3A_458, %while3A_457 : i32
        %while3A_460 = arith.addi %while3A_454, %while3A_459 : i32
        %while3A_461 = arith.constant 1 : i32
        scf.for %while3A_463 = %while3A_454 to %while3A_460 step %while3A_461  : i32 {
          %mul3A_464 = arith.muli %while3A_463, %while3A_452 : i32
          %add3A_465 = arith.addi %while3A_453, %mul3A_464 : i32
          %add3A_466 = arith.addi %squeeze3A_439, %add3A_465 : i32
          %get3A_467 = arith.index_cast %add3A_466 : i32 to index
          %get3A_468 = tpu.vector_load %arg7[%get3A_467] {strides = array<i32>} : memref<16400xi32, #tpu.memory_space<vmem>>, vector<16xi32>,
          %slice3A_469 = vector.extract_strided_slice %get3A_468 {offsets = [0], sizes = [1], strides = [1]} : vector<16xi32> to vector<1xi32>
          %squeeze3A_470 = vector.extract %slice3A_469[0] : i32 from vector<1xi32>
          %shift_right_arithmetic3A = arith.constant 7 : i32
          %shift_right_arithmetic3A_471 = arith.shrsi %squeeze3A_470, %shift_right_arithmetic3A : i32
          %and3A_472 = arith.constant 16383 : i32
          %and3A_473 = arith.andi %shift_right_arithmetic3A_471, %and3A_472 : i32
          %and3A_474 = arith.constant 127 : i32
          %and3A_475 = arith.andi %squeeze3A_470, %and3A_474 : i32
          %broadcast_in_dim3A_476 = vector.broadcast %and3A_475 : i32 to vector<16xi32>
          %get3A_477 = arith.constant 0 : index
          %get3A_478 = tpu.vector_load %arg20[%get3A_477] {strides = array<i32>} : memref<16xi32, #tpu.memory_space<vmem>>, vector<16xi32>,
          %slice3A_479 = vector.extract_strided_slice %get3A_478 {offsets = [0], sizes = [1], strides = [1]} : vector<16xi32> to vector<1xi32>
          %squeeze3A_480 = vector.extract %slice3A_479[0] : i32 from vector<1xi32>
          %and3A_481 = arith.constant 63 : i32
          %and3A_482 = arith.andi %squeeze3A_480, %and3A_481 : i32
          %ge3A = arith.constant 64 : i32
          %ge3A_483 = arith.cmpi sge, %squeeze3A_480, %ge3A : i32
          %convert_element_type3A_484 = arith.extui %ge3A_483 : i1 to i32
          %cond3A_485 = arith.constant 0 : i32
          %cond3A_486 = arith.cmpi ne, %convert_element_type3A_484, %cond3A_485 : i32
          scf.if %cond3A_486 {
            %dma_wait3A_528 = arith.constant 0 : i32
            %dma_wait3A_529 = arith.constant 0 : i32
            %dma_wait3A_530 = tpu.memref_slice %arg19[%dma_wait3A_528, %dma_wait3A_529] : memref<64x64xf32, #tpu.memory_space<vmem>> -> memref<1x64xf32, #tpu.memory_space<vmem>>
            %dma_wait3A_531 = tpu.memref_squeeze %dma_wait3A_530 : memref<1x64xf32, #tpu.memory_space<vmem>> -> memref<64xf32, #tpu.memory_space<vmem>>
            %dma_wait3A_532 = arith.constant 0 : i32
            %dma_wait3A_533 = tpu.memref_slice %arg4[%dma_wait3A_532] : memref<1048576xf32, #tpu.memory_space<hbm>> -> memref<64xf32, #tpu.memory_space<hbm>>
            %dma_wait3A_534 = arith.constant 0 : i32
            %dma_wait3A_535 = tpu.memref_slice %arg19[%dma_wait3A_528, %dma_wait3A_534] : memref<64x64xf32, #tpu.memory_space<vmem>> -> memref<1x64xf32, #tpu.memory_space<vmem>>
            %dma_wait3A_536 = tpu.memref_squeeze %dma_wait3A_535 : memref<1x64xf32, #tpu.memory_space<vmem>> -> memref<64xf32, #tpu.memory_space<vmem>>
            %dma_wait3A_537 = arith.constant 0 : i32
            %dma_wait3A_538 = tpu.memref_slice %arg4[%dma_wait3A_537] : memref<1048576xf32, #tpu.memory_space<hbm>> -> memref<64xf32, #tpu.memory_space<hbm>>
            tpu.wait_dma2 semaphore(%arg29 : memref<!tpu.dma_semaphore, #tpu.memory_space<semaphore_mem>>) src(%dma_wait3A_538 : memref<64xf32, #tpu.memory_space<hbm>>) dst(%dma_wait3A_536 : memref<64xf32, #tpu.memory_space<vmem>>)
          } else {
          }
          %add3A_487 = arith.constant 0 : i32
          %add3A_488 = vector.broadcast %add3A_487 : i32 to vector<16xi32>
          %add3A_489 = arith.addi %iota3A, %add3A_488 : vector<16xi32>
          %gather3A = tpu.vector_load_idx %arg17[%add3A_489, %broadcast_in_dim3A_476] : memref<64x128xf32, #tpu.memory_space<vmem>>[vector<16xi32>, vector<16xi32>], vector<16xf32>,
          %swap3A_490 = arith.index_cast %and3A_482 : i32 to index
          %swap3A_491 = arith.constant 0 : index
          %swap3A_492 = tpu.vector_load %arg19[%swap3A_490, %swap3A_491] {strides = array<i32>} : memref<64x64xf32, #tpu.memory_space<vmem>>, vector<16xf32>,
          tpu.vector_store %arg19[%swap3A_490, %swap3A_491], %gather3A {strides = array<i32>} : memref<64x64xf32, #tpu.memory_space<vmem>>, vector<16xf32>,
          %add3A_493 = arith.constant 16 : i32
          %add3A_494 = vector.broadcast %add3A_493 : i32 to vector<16xi32>
          %add3A_495 = arith.addi %iota3A, %add3A_494 : vector<16xi32>
          %gather3A_496 = tpu.vector_load_idx %arg17[%add3A_495, %broadcast_in_dim3A_476] : memref<64x128xf32, #tpu.memory_space<vmem>>[vector<16xi32>, vector<16xi32>], vector<16xf32>,
          %swap3A_497 = arith.index_cast %and3A_482 : i32 to index
          %swap3A_498 = arith.constant 16 : index
          %swap3A_499 = tpu.vector_load %arg19[%swap3A_497, %swap3A_498] {strides = array<i32>} : memref<64x64xf32, #tpu.memory_space<vmem>>, vector<16xf32>,
          tpu.vector_store %arg19[%swap3A_497, %swap3A_498], %gather3A_496 {strides = array<i32>} : memref<64x64xf32, #tpu.memory_space<vmem>>, vector<16xf32>,
          %add3A_500 = arith.constant 32 : i32
          %add3A_501 = vector.broadcast %add3A_500 : i32 to vector<16xi32>
          %add3A_502 = arith.addi %iota3A, %add3A_501 : vector<16xi32>
          %gather3A_503 = tpu.vector_load_idx %arg17[%add3A_502, %broadcast_in_dim3A_476] : memref<64x128xf32, #tpu.memory_space<vmem>>[vector<16xi32>, vector<16xi32>], vector<16xf32>,
          %swap3A_504 = arith.index_cast %and3A_482 : i32 to index
          %swap3A_505 = arith.constant 32 : index
          %swap3A_506 = tpu.vector_load %arg19[%swap3A_504, %swap3A_505] {strides = array<i32>} : memref<64x64xf32, #tpu.memory_space<vmem>>, vector<16xf32>,
          tpu.vector_store %arg19[%swap3A_504, %swap3A_505], %gather3A_503 {strides = array<i32>} : memref<64x64xf32, #tpu.memory_space<vmem>>, vector<16xf32>,
          %add3A_507 = arith.constant 48 : i32
          %add3A_508 = vector.broadcast %add3A_507 : i32 to vector<16xi32>
          %add3A_509 = arith.addi %iota3A, %add3A_508 : vector<16xi32>
          %gather3A_510 = tpu.vector_load_idx %arg17[%add3A_509, %broadcast_in_dim3A_476] : memref<64x128xf32, #tpu.memory_space<vmem>>[vector<16xi32>, vector<16xi32>], vector<16xf32>,
          %swap3A_511 = arith.index_cast %and3A_482 : i32 to index
          %swap3A_512 = arith.constant 48 : index
          %swap3A_513 = tpu.vector_load %arg19[%swap3A_511, %swap3A_512] {strides = array<i32>} : memref<64x64xf32, #tpu.memory_space<vmem>>, vector<16xf32>,
          tpu.vector_store %arg19[%swap3A_511, %swap3A_512], %gather3A_510 {strides = array<i32>} : memref<64x64xf32, #tpu.memory_space<vmem>>, vector<16xf32>,
          %mul3A_514 = arith.constant 64 : i32
          %mul3A_515 = arith.muli %and3A_473, %mul3A_514 : i32
          %dma_start3A = arith.constant 0 : i32
          %dma_start3A_516 = tpu.memref_slice %arg19[%and3A_482, %dma_start3A] : memref<64x64xf32, #tpu.memory_space<vmem>> -> memref<1x64xf32, #tpu.memory_space<vmem>>
          %dma_start3A_517 = tpu.memref_squeeze %dma_start3A_516 : memref<1x64xf32, #tpu.memory_space<vmem>> -> memref<64xf32, #tpu.memory_space<vmem>>
          %dma_start3A_518 = tpu.memref_slice %arg4[%mul3A_515] : memref<1048576xf32, #tpu.memory_space<hbm>> -> memref<64xf32, #tpu.memory_space<hbm>>
          %dma_start3A_519 = tpu.memref_slice %arg4[%mul3A_515] : memref<1048576xf32, #tpu.memory_space<hbm>> -> memref<64xf32, #tpu.memory_space<hbm>>
          %dma_start3A_520 = arith.constant 0 : i32
          %dma_start3A_521 = tpu.memref_slice %arg19[%and3A_482, %dma_start3A_520] : memref<64x64xf32, #tpu.memory_space<vmem>> -> memref<1x64xf32, #tpu.memory_space<vmem>>
          %dma_start3A_522 = tpu.memref_squeeze %dma_start3A_521 : memref<1x64xf32, #tpu.memory_space<vmem>> -> memref<64xf32, #tpu.memory_space<vmem>>
          tpu.enqueue_dma source(%dma_start3A_522 : memref<64xf32, #tpu.memory_space<vmem>>) target(%dma_start3A_519 : memref<64xf32, #tpu.memory_space<hbm>>) target_semaphore(%arg29 : memref<!tpu.dma_semaphore, #tpu.memory_space<semaphore_mem>>)
          %add3A_523 = arith.constant 1 : i32
          %add3A_524 = arith.addi %squeeze3A_480, %add3A_523 : i32
          %broadcast_in_dim3A_525 = vector.broadcast %add3A_524 : i32 to vector<16xi32>
          %swap3A_526 = arith.constant 0 : index
          %swap3A_527 = tpu.vector_load %arg20[%swap3A_526] {strides = array<i32>} : memref<16xi32, #tpu.memory_space<vmem>>, vector<16xi32>,
          tpu.vector_store %arg20[%swap3A_526], %broadcast_in_dim3A_525 {strides = array<i32>} : memref<16xi32, #tpu.memory_space<vmem>>, vector<16xi32>,
        }
        %while3A_462 = arith.constant 1 : i32
        scf.for %while3A_463 = %while3A_460 to %while3A_456 step %while3A_462  : i32 {
          %mul3A_464 = arith.muli %while3A_463, %while3A_452 : i32
          %add3A_465 = arith.addi %while3A_453, %mul3A_464 : i32
          %add3A_466 = arith.addi %squeeze3A_439, %add3A_465 : i32
          %get3A_467 = arith.index_cast %add3A_466 : i32 to index
          %get3A_468 = tpu.vector_load %arg7[%get3A_467] {strides = array<i32>} : memref<16400xi32, #tpu.memory_space<vmem>>, vector<16xi32>,
          %slice3A_469 = vector.extract_strided_slice %get3A_468 {offsets = [0], sizes = [1], strides = [1]} : vector<16xi32> to vector<1xi32>
          %squeeze3A_470 = vector.extract %slice3A_469[0] : i32 from vector<1xi32>
          %shift_right_arithmetic3A = arith.constant 7 : i32
          %shift_right_arithmetic3A_471 = arith.shrsi %squeeze3A_470, %shift_right_arithmetic3A : i32
          %and3A_472 = arith.constant 16383 : i32
          %and3A_473 = arith.andi %shift_right_arithmetic3A_471, %and3A_472 : i32
          %and3A_474 = arith.constant 127 : i32
          %and3A_475 = arith.andi %squeeze3A_470, %and3A_474 : i32
          %broadcast_in_dim3A_476 = vector.broadcast %and3A_475 : i32 to vector<16xi32>
          %get3A_477 = arith.constant 0 : index
          %get3A_478 = tpu.vector_load %arg20[%get3A_477] {strides = array<i32>} : memref<16xi32, #tpu.memory_space<vmem>>, vector<16xi32>,
          %slice3A_479 = vector.extract_strided_slice %get3A_478 {offsets = [0], sizes = [1], strides = [1]} : vector<16xi32> to vector<1xi32>
          %squeeze3A_480 = vector.extract %slice3A_479[0] : i32 from vector<1xi32>
          %and3A_481 = arith.constant 63 : i32
          %and3A_482 = arith.andi %squeeze3A_480, %and3A_481 : i32
          %ge3A = arith.constant 64 : i32
          %ge3A_483 = arith.cmpi sge, %squeeze3A_480, %ge3A : i32
          %convert_element_type3A_484 = arith.extui %ge3A_483 : i1 to i32
          %cond3A_485 = arith.constant 0 : i32
          %cond3A_486 = arith.cmpi ne, %convert_element_type3A_484, %cond3A_485 : i32
          scf.if %cond3A_486 {
            %dma_wait3A_528 = arith.constant 0 : i32
            %dma_wait3A_529 = arith.constant 0 : i32
            %dma_wait3A_530 = tpu.memref_slice %arg19[%dma_wait3A_528, %dma_wait3A_529] : memref<64x64xf32, #tpu.memory_space<vmem>> -> memref<1x64xf32, #tpu.memory_space<vmem>>
            %dma_wait3A_531 = tpu.memref_squeeze %dma_wait3A_530 : memref<1x64xf32, #tpu.memory_space<vmem>> -> memref<64xf32, #tpu.memory_space<vmem>>
            %dma_wait3A_532 = arith.constant 0 : i32
            %dma_wait3A_533 = tpu.memref_slice %arg4[%dma_wait3A_532] : memref<1048576xf32, #tpu.memory_space<hbm>> -> memref<64xf32, #tpu.memory_space<hbm>>
            %dma_wait3A_534 = arith.constant 0 : i32
            %dma_wait3A_535 = tpu.memref_slice %arg19[%dma_wait3A_528, %dma_wait3A_534] : memref<64x64xf32, #tpu.memory_space<vmem>> -> memref<1x64xf32, #tpu.memory_space<vmem>>
            %dma_wait3A_536 = tpu.memref_squeeze %dma_wait3A_535 : memref<1x64xf32, #tpu.memory_space<vmem>> -> memref<64xf32, #tpu.memory_space<vmem>>
            %dma_wait3A_537 = arith.constant 0 : i32
            %dma_wait3A_538 = tpu.memref_slice %arg4[%dma_wait3A_537] : memref<1048576xf32, #tpu.memory_space<hbm>> -> memref<64xf32, #tpu.memory_space<hbm>>
            tpu.wait_dma2 semaphore(%arg29 : memref<!tpu.dma_semaphore, #tpu.memory_space<semaphore_mem>>) src(%dma_wait3A_538 : memref<64xf32, #tpu.memory_space<hbm>>) dst(%dma_wait3A_536 : memref<64xf32, #tpu.memory_space<vmem>>)
          } else {
          }
          %add3A_487 = arith.constant 0 : i32
          %add3A_488 = vector.broadcast %add3A_487 : i32 to vector<16xi32>
          %add3A_489 = arith.addi %iota3A, %add3A_488 : vector<16xi32>
          %gather3A = tpu.vector_load_idx %arg17[%add3A_489, %broadcast_in_dim3A_476] : memref<64x128xf32, #tpu.memory_space<vmem>>[vector<16xi32>, vector<16xi32>], vector<16xf32>,
          %swap3A_490 = arith.index_cast %and3A_482 : i32 to index
          %swap3A_491 = arith.constant 0 : index
          %swap3A_492 = tpu.vector_load %arg19[%swap3A_490, %swap3A_491] {strides = array<i32>} : memref<64x64xf32, #tpu.memory_space<vmem>>, vector<16xf32>,
          tpu.vector_store %arg19[%swap3A_490, %swap3A_491], %gather3A {strides = array<i32>} : memref<64x64xf32, #tpu.memory_space<vmem>>, vector<16xf32>,
          %add3A_493 = arith.constant 16 : i32
          %add3A_494 = vector.broadcast %add3A_493 : i32 to vector<16xi32>
          %add3A_495 = arith.addi %iota3A, %add3A_494 : vector<16xi32>
          %gather3A_496 = tpu.vector_load_idx %arg17[%add3A_495, %broadcast_in_dim3A_476] : memref<64x128xf32, #tpu.memory_space<vmem>>[vector<16xi32>, vector<16xi32>], vector<16xf32>,
          %swap3A_497 = arith.index_cast %and3A_482 : i32 to index
          %swap3A_498 = arith.constant 16 : index
          %swap3A_499 = tpu.vector_load %arg19[%swap3A_497, %swap3A_498] {strides = array<i32>} : memref<64x64xf32, #tpu.memory_space<vmem>>, vector<16xf32>,
          tpu.vector_store %arg19[%swap3A_497, %swap3A_498], %gather3A_496 {strides = array<i32>} : memref<64x64xf32, #tpu.memory_space<vmem>>, vector<16xf32>,
          %add3A_500 = arith.constant 32 : i32
          %add3A_501 = vector.broadcast %add3A_500 : i32 to vector<16xi32>
          %add3A_502 = arith.addi %iota3A, %add3A_501 : vector<16xi32>
          %gather3A_503 = tpu.vector_load_idx %arg17[%add3A_502, %broadcast_in_dim3A_476] : memref<64x128xf32, #tpu.memory_space<vmem>>[vector<16xi32>, vector<16xi32>], vector<16xf32>,
          %swap3A_504 = arith.index_cast %and3A_482 : i32 to index
          %swap3A_505 = arith.constant 32 : index
          %swap3A_506 = tpu.vector_load %arg19[%swap3A_504, %swap3A_505] {strides = array<i32>} : memref<64x64xf32, #tpu.memory_space<vmem>>, vector<16xf32>,
          tpu.vector_store %arg19[%swap3A_504, %swap3A_505], %gather3A_503 {strides = array<i32>} : memref<64x64xf32, #tpu.memory_space<vmem>>, vector<16xf32>,
          %add3A_507 = arith.constant 48 : i32
          %add3A_508 = vector.broadcast %add3A_507 : i32 to vector<16xi32>
          %add3A_509 = arith.addi %iota3A, %add3A_508 : vector<16xi32>
          %gather3A_510 = tpu.vector_load_idx %arg17[%add3A_509, %broadcast_in_dim3A_476] : memref<64x128xf32, #tpu.memory_space<vmem>>[vector<16xi32>, vector<16xi32>], vector<16xf32>,
          %swap3A_511 = arith.index_cast %and3A_482 : i32 to index
          %swap3A_512 = arith.constant 48 : index
          %swap3A_513 = tpu.vector_load %arg19[%swap3A_511, %swap3A_512] {strides = array<i32>} : memref<64x64xf32, #tpu.memory_space<vmem>>, vector<16xf32>,
          tpu.vector_store %arg19[%swap3A_511, %swap3A_512], %gather3A_510 {strides = array<i32>} : memref<64x64xf32, #tpu.memory_space<vmem>>, vector<16xf32>,
          %mul3A_514 = arith.constant 64 : i32
          %mul3A_515 = arith.muli %and3A_473, %mul3A_514 : i32
          %dma_start3A = arith.constant 0 : i32
          %dma_start3A_516 = tpu.memref_slice %arg19[%and3A_482, %dma_start3A] : memref<64x64xf32, #tpu.memory_space<vmem>> -> memref<1x64xf32, #tpu.memory_space<vmem>>
          %dma_start3A_517 = tpu.memref_squeeze %dma_start3A_516 : memref<1x64xf32, #tpu.memory_space<vmem>> -> memref<64xf32, #tpu.memory_space<vmem>>
          %dma_start3A_518 = tpu.memref_slice %arg4[%mul3A_515] : memref<1048576xf32, #tpu.memory_space<hbm>> -> memref<64xf32, #tpu.memory_space<hbm>>
          %dma_start3A_519 = tpu.memref_slice %arg4[%mul3A_515] : memref<1048576xf32, #tpu.memory_space<hbm>> -> memref<64xf32, #tpu.memory_space<hbm>>
          %dma_start3A_520 = arith.constant 0 : i32
          %dma_start3A_521 = tpu.memref_slice %arg19[%and3A_482, %dma_start3A_520] : memref<64x64xf32, #tpu.memory_space<vmem>> -> memref<1x64xf32, #tpu.memory_space<vmem>>
          %dma_start3A_522 = tpu.memref_squeeze %dma_start3A_521 : memref<1x64xf32, #tpu.memory_space<vmem>> -> memref<64xf32, #tpu.memory_space<vmem>>
          tpu.enqueue_dma source(%dma_start3A_522 : memref<64xf32, #tpu.memory_space<vmem>>) target(%dma_start3A_519 : memref<64xf32, #tpu.memory_space<hbm>>) target_semaphore(%arg29 : memref<!tpu.dma_semaphore, #tpu.memory_space<semaphore_mem>>)
          %add3A_523 = arith.constant 1 : i32
          %add3A_524 = arith.addi %squeeze3A_480, %add3A_523 : i32
          %broadcast_in_dim3A_525 = vector.broadcast %add3A_524 : i32 to vector<16xi32>
          %swap3A_526 = arith.constant 0 : index
          %swap3A_527 = tpu.vector_load %arg20[%swap3A_526] {strides = array<i32>} : memref<16xi32, #tpu.memory_space<vmem>>, vector<16xi32>,
          tpu.vector_store %arg20[%swap3A_526], %broadcast_in_dim3A_525 {strides = array<i32>} : memref<16xi32, #tpu.memory_space<vmem>>, vector<16xi32>,
        }
      } else {
      }
      %add3A_382 = arith.constant 8 : i32
      %add3A_383 = arith.addi %add3A_366, %add3A_382 : i32
      %lt3A_384 = arith.cmpi slt, %add3A_383, %add3A_60 : i32
      %add3A_385 = arith.constant 8 : i32
      %add3A_386 = arith.addi %add3A_366, %add3A_385 : i32
      %get3A_387 = arith.index_cast %add3A_386 : i32 to index
      %get3A_388 = tpu.vector_load %arg8[%get3A_387] {strides = array<i32>} : memref<272xi32, #tpu.memory_space<vmem>>, vector<16xi32>,
      %slice3A_389 = vector.extract_strided_slice %get3A_388 {offsets = [0], sizes = [1], strides = [1]} : vector<16xi32> to vector<1xi32>
      %squeeze3A_390 = vector.extract %slice3A_389[0] : i32 from vector<1xi32>
      %gt3A_391 = arith.constant 0 : i32
      %gt3A_392 = arith.cmpi sgt, %squeeze3A_390, %gt3A_391 : i32
      %and3A_393 = arith.andi %lt3A_384, %gt3A_392 : i1
      %convert_element_type3A_394 = arith.extui %and3A_393 : i1 to i32
      %cond3A_395 = arith.constant 0 : i32
      %cond3A_396 = arith.cmpi ne, %convert_element_type3A_394, %cond3A_395 : i32
      scf.if %cond3A_396 {
        %add3A_431 = arith.constant 8 : i32
        %add3A_432 = arith.addi %add3A_366, %add3A_431 : i32
        %mul3A_433 = arith.constant 32 : i32
        %mul3A_434 = arith.muli %add3A_432, %mul3A_433 : i32
        %add3A_435 = arith.addi %mul3A_434, %add3A : i32
        %mul3A_436 = arith.constant 128 : i32
        %mul3A_437 = arith.muli %add3A_435, %mul3A_436 : i32
        %dma_start3A = arith.constant 0 : i32
        %dma_start3A_438 = tpu.memref_slice %arg3[%dma_start3A, %mul3A_437] : memref<64x1000000xf32, #tpu.memory_space<hbm>> -> memref<64x128xf32, #tpu.memory_space<hbm>>
        %dma_start3A_439 = arith.constant 0 : i32
        %dma_start3A_440 = tpu.memref_slice %arg3[%dma_start3A_439, %mul3A_437] : memref<64x1000000xf32, #tpu.memory_space<hbm>> -> memref<64x128xf32, #tpu.memory_space<hbm>>
        tpu.enqueue_dma source(%dma_start3A_440 : memref<64x128xf32, #tpu.memory_space<hbm>>) target(%arg17 : memref<64x128xf32, #tpu.memory_space<vmem>>) target_semaphore(%arg27 : memref<!tpu.dma_semaphore, #tpu.memory_space<semaphore_mem>>)
      } else {
      }
      %mul3A_397 = arith.constant 8 : i32
      %mul3A_398 = arith.muli %add3A_159, %mul3A_397 : i32
      %add3A_399 = arith.constant 7 : i32
      %add3A_400 = arith.addi %mul3A_398, %add3A_399 : i32
      %lt3A_401 = arith.constant 8 : i32
      %lt3A_402 = arith.cmpi slt, %add3A_400, %lt3A_401 : i32
      %lt3A_403 = arith.cmpi slt, %add3A_400, %add3A_60 : i32
      %lt3A_404 = arith.cmpi slt, %add3A_400, %add3A_60 : i32
      %get3A_405 = arith.index_cast %add3A_400 : i32 to index
      %get3A_406 = tpu.vector_load %arg8[%get3A_405] {strides = array<i32>} : memref<272xi32, #tpu.memory_space<vmem>>, vector<16xi32>,
      %slice3A_407 = vector.extract_strided_slice %get3A_406 {offsets = [0], sizes = [1], strides = [1]} : vector<16xi32> to vector<1xi32>
      %squeeze3A_408 = vector.extract %slice3A_407[0] : i32 from vector<1xi32>
      %gt3A_409 = arith.constant 0 : i32
      %gt3A_410 = arith.cmpi sgt, %squeeze3A_408, %gt3A_409 : i32
      %and3A_411 = arith.andi %lt3A_404, %gt3A_410 : i1
      %select_n3A_412 = arith.select %lt3A_402, %lt3A_403, %and3A_411 : i1
      %convert_element_type3A_413 = arith.extui %select_n3A_412 : i1 to i32
      %cond3A_414 = arith.constant 0 : i32
      %cond3A_415 = arith.cmpi ne, %convert_element_type3A_413, %cond3A_414 : i32
      scf.if %cond3A_415 {
        %dma_wait3A = arith.constant 0 : i32
        %dma_wait3A_431 = arith.constant 0 : i32
        %dma_wait3A_432 = tpu.memref_slice %arg3[%dma_wait3A, %dma_wait3A_431] : memref<64x1000000xf32, #tpu.memory_space<hbm>> -> memref<64x128xf32, #tpu.memory_space<hbm>>
        %dma_wait3A_433 = arith.constant 0 : i32
        %dma_wait3A_434 = arith.constant 0 : i32
        %dma_wait3A_435 = tpu.memref_slice %arg3[%dma_wait3A_433, %dma_wait3A_434] : memref<64x1000000xf32, #tpu.memory_space<hbm>> -> memref<64x128xf32, #tpu.memory_space<hbm>>
        tpu.wait_dma2 semaphore(%arg28 : memref<!tpu.dma_semaphore, #tpu.memory_space<semaphore_mem>>) src(%dma_wait3A_435 : memref<64x128xf32, #tpu.memory_space<hbm>>) dst(%arg18 : memref<64x128xf32, #tpu.memory_space<vmem>>)
        %get3A_436 = arith.index_cast %add3A_400 : i32 to index
        %get3A_437 = tpu.vector_load %arg9[%get3A_436] {strides = array<i32>} : memref<272xi32, #tpu.memory_space<vmem>>, vector<16xi32>,
        %slice3A_438 = vector.extract_strided_slice %get3A_437 {offsets = [0], sizes = [1], strides = [1]} : vector<16xi32> to vector<1xi32>
        %squeeze3A_439 = vector.extract %slice3A_438[0] : i32 from vector<1xi32>
        %get3A_440 = arith.index_cast %add3A_400 : i32 to index
        %get3A_441 = tpu.vector_load %arg8[%get3A_440] {strides = array<i32>} : memref<272xi32, #tpu.memory_space<vmem>>, vector<16xi32>,
        %slice3A_442 = vector.extract_strided_slice %get3A_441 {offsets = [0], sizes = [1], strides = [1]} : vector<16xi32> to vector<1xi32>
        %squeeze3A_443 = vector.extract %slice3A_442[0] : i32 from vector<1xi32>
        %sub3A_444 = arith.constant 0 : i32
        %sub3A_445 = arith.subi %squeeze3A_443, %sub3A_444 : i32
        %sub3A_446 = arith.constant 1 : i32
        %sub3A_447 = arith.constant 1 : i32
        %sub3A_448 = arith.subi %sub3A_446, %sub3A_447 : i32
        %add3A_449 = arith.addi %sub3A_445, %sub3A_448 : i32
        %div3A_450 = arith.constant 1 : i32
        %div3A_451 = arith.divsi %add3A_449, %div3A_450 : i32
        %while3A_452 = arith.constant 1 : i32
        %while3A_453 = arith.constant 0 : i32
        %while3A_454 = arith.constant 0 : i32
        %while3A_455 = arith.subi %div3A_451, %while3A_454 : i32
        %while3A_456 = arith.addi %while3A_454, %while3A_455 : i32
        %while3A_457 = arith.constant 1 : i32
        %while3A_458 = arith.divsi %while3A_455, %while3A_457 : i32
        %while3A_459 = arith.muli %while3A_458, %while3A_457 : i32
        %while3A_460 = arith.addi %while3A_454, %while3A_459 : i32
        %while3A_461 = arith.constant 1 : i32
        scf.for %while3A_463 = %while3A_454 to %while3A_460 step %while3A_461  : i32 {
          %mul3A_464 = arith.muli %while3A_463, %while3A_452 : i32
          %add3A_465 = arith.addi %while3A_453, %mul3A_464 : i32
          %add3A_466 = arith.addi %squeeze3A_439, %add3A_465 : i32
          %get3A_467 = arith.index_cast %add3A_466 : i32 to index
          %get3A_468 = tpu.vector_load %arg7[%get3A_467] {strides = array<i32>} : memref<16400xi32, #tpu.memory_space<vmem>>, vector<16xi32>,
          %slice3A_469 = vector.extract_strided_slice %get3A_468 {offsets = [0], sizes = [1], strides = [1]} : vector<16xi32> to vector<1xi32>
          %squeeze3A_470 = vector.extract %slice3A_469[0] : i32 from vector<1xi32>
          %shift_right_arithmetic3A = arith.constant 7 : i32
          %shift_right_arithmetic3A_471 = arith.shrsi %squeeze3A_470, %shift_right_arithmetic3A : i32
          %and3A_472 = arith.constant 16383 : i32
          %and3A_473 = arith.andi %shift_right_arithmetic3A_471, %and3A_472 : i32
          %and3A_474 = arith.constant 127 : i32
          %and3A_475 = arith.andi %squeeze3A_470, %and3A_474 : i32
          %broadcast_in_dim3A_476 = vector.broadcast %and3A_475 : i32 to vector<16xi32>
          %get3A_477 = arith.constant 0 : index
          %get3A_478 = tpu.vector_load %arg20[%get3A_477] {strides = array<i32>} : memref<16xi32, #tpu.memory_space<vmem>>, vector<16xi32>,
          %slice3A_479 = vector.extract_strided_slice %get3A_478 {offsets = [0], sizes = [1], strides = [1]} : vector<16xi32> to vector<1xi32>
          %squeeze3A_480 = vector.extract %slice3A_479[0] : i32 from vector<1xi32>
          %and3A_481 = arith.constant 63 : i32
          %and3A_482 = arith.andi %squeeze3A_480, %and3A_481 : i32
          %ge3A = arith.constant 64 : i32
          %ge3A_483 = arith.cmpi sge, %squeeze3A_480, %ge3A : i32
          %convert_element_type3A_484 = arith.extui %ge3A_483 : i1 to i32
          %cond3A_485 = arith.constant 0 : i32
          %cond3A_486 = arith.cmpi ne, %convert_element_type3A_484, %cond3A_485 : i32
          scf.if %cond3A_486 {
            %dma_wait3A_528 = arith.constant 0 : i32
            %dma_wait3A_529 = arith.constant 0 : i32
            %dma_wait3A_530 = tpu.memref_slice %arg19[%dma_wait3A_528, %dma_wait3A_529] : memref<64x64xf32, #tpu.memory_space<vmem>> -> memref<1x64xf32, #tpu.memory_space<vmem>>
            %dma_wait3A_531 = tpu.memref_squeeze %dma_wait3A_530 : memref<1x64xf32, #tpu.memory_space<vmem>> -> memref<64xf32, #tpu.memory_space<vmem>>
            %dma_wait3A_532 = arith.constant 0 : i32
            %dma_wait3A_533 = tpu.memref_slice %arg4[%dma_wait3A_532] : memref<1048576xf32, #tpu.memory_space<hbm>> -> memref<64xf32, #tpu.memory_space<hbm>>
            %dma_wait3A_534 = arith.constant 0 : i32
            %dma_wait3A_535 = tpu.memref_slice %arg19[%dma_wait3A_528, %dma_wait3A_534] : memref<64x64xf32, #tpu.memory_space<vmem>> -> memref<1x64xf32, #tpu.memory_space<vmem>>
            %dma_wait3A_536 = tpu.memref_squeeze %dma_wait3A_535 : memref<1x64xf32, #tpu.memory_space<vmem>> -> memref<64xf32, #tpu.memory_space<vmem>>
            %dma_wait3A_537 = arith.constant 0 : i32
            %dma_wait3A_538 = tpu.memref_slice %arg4[%dma_wait3A_537] : memref<1048576xf32, #tpu.memory_space<hbm>> -> memref<64xf32, #tpu.memory_space<hbm>>
            tpu.wait_dma2 semaphore(%arg29 : memref<!tpu.dma_semaphore, #tpu.memory_space<semaphore_mem>>) src(%dma_wait3A_538 : memref<64xf32, #tpu.memory_space<hbm>>) dst(%dma_wait3A_536 : memref<64xf32, #tpu.memory_space<vmem>>)
          } else {
          }
          %add3A_487 = arith.constant 0 : i32
          %add3A_488 = vector.broadcast %add3A_487 : i32 to vector<16xi32>
          %add3A_489 = arith.addi %iota3A, %add3A_488 : vector<16xi32>
          %gather3A = tpu.vector_load_idx %arg18[%add3A_489, %broadcast_in_dim3A_476] : memref<64x128xf32, #tpu.memory_space<vmem>>[vector<16xi32>, vector<16xi32>], vector<16xf32>,
          %swap3A_490 = arith.index_cast %and3A_482 : i32 to index
          %swap3A_491 = arith.constant 0 : index
          %swap3A_492 = tpu.vector_load %arg19[%swap3A_490, %swap3A_491] {strides = array<i32>} : memref<64x64xf32, #tpu.memory_space<vmem>>, vector<16xf32>,
          tpu.vector_store %arg19[%swap3A_490, %swap3A_491], %gather3A {strides = array<i32>} : memref<64x64xf32, #tpu.memory_space<vmem>>, vector<16xf32>,
          %add3A_493 = arith.constant 16 : i32
          %add3A_494 = vector.broadcast %add3A_493 : i32 to vector<16xi32>
          %add3A_495 = arith.addi %iota3A, %add3A_494 : vector<16xi32>
          %gather3A_496 = tpu.vector_load_idx %arg18[%add3A_495, %broadcast_in_dim3A_476] : memref<64x128xf32, #tpu.memory_space<vmem>>[vector<16xi32>, vector<16xi32>], vector<16xf32>,
          %swap3A_497 = arith.index_cast %and3A_482 : i32 to index
          %swap3A_498 = arith.constant 16 : index
          %swap3A_499 = tpu.vector_load %arg19[%swap3A_497, %swap3A_498] {strides = array<i32>} : memref<64x64xf32, #tpu.memory_space<vmem>>, vector<16xf32>,
          tpu.vector_store %arg19[%swap3A_497, %swap3A_498], %gather3A_496 {strides = array<i32>} : memref<64x64xf32, #tpu.memory_space<vmem>>, vector<16xf32>,
          %add3A_500 = arith.constant 32 : i32
          %add3A_501 = vector.broadcast %add3A_500 : i32 to vector<16xi32>
          %add3A_502 = arith.addi %iota3A, %add3A_501 : vector<16xi32>
          %gather3A_503 = tpu.vector_load_idx %arg18[%add3A_502, %broadcast_in_dim3A_476] : memref<64x128xf32, #tpu.memory_space<vmem>>[vector<16xi32>, vector<16xi32>], vector<16xf32>,
          %swap3A_504 = arith.index_cast %and3A_482 : i32 to index
          %swap3A_505 = arith.constant 32 : index
          %swap3A_506 = tpu.vector_load %arg19[%swap3A_504, %swap3A_505] {strides = array<i32>} : memref<64x64xf32, #tpu.memory_space<vmem>>, vector<16xf32>,
          tpu.vector_store %arg19[%swap3A_504, %swap3A_505], %gather3A_503 {strides = array<i32>} : memref<64x64xf32, #tpu.memory_space<vmem>>, vector<16xf32>,
          %add3A_507 = arith.constant 48 : i32
          %add3A_508 = vector.broadcast %add3A_507 : i32 to vector<16xi32>
          %add3A_509 = arith.addi %iota3A, %add3A_508 : vector<16xi32>
          %gather3A_510 = tpu.vector_load_idx %arg18[%add3A_509, %broadcast_in_dim3A_476] : memref<64x128xf32, #tpu.memory_space<vmem>>[vector<16xi32>, vector<16xi32>], vector<16xf32>,
          %swap3A_511 = arith.index_cast %and3A_482 : i32 to index
          %swap3A_512 = arith.constant 48 : index
          %swap3A_513 = tpu.vector_load %arg19[%swap3A_511, %swap3A_512] {strides = array<i32>} : memref<64x64xf32, #tpu.memory_space<vmem>>, vector<16xf32>,
          tpu.vector_store %arg19[%swap3A_511, %swap3A_512], %gather3A_510 {strides = array<i32>} : memref<64x64xf32, #tpu.memory_space<vmem>>, vector<16xf32>,
          %mul3A_514 = arith.constant 64 : i32
          %mul3A_515 = arith.muli %and3A_473, %mul3A_514 : i32
          %dma_start3A = arith.constant 0 : i32
          %dma_start3A_516 = tpu.memref_slice %arg19[%and3A_482, %dma_start3A] : memref<64x64xf32, #tpu.memory_space<vmem>> -> memref<1x64xf32, #tpu.memory_space<vmem>>
          %dma_start3A_517 = tpu.memref_squeeze %dma_start3A_516 : memref<1x64xf32, #tpu.memory_space<vmem>> -> memref<64xf32, #tpu.memory_space<vmem>>
          %dma_start3A_518 = tpu.memref_slice %arg4[%mul3A_515] : memref<1048576xf32, #tpu.memory_space<hbm>> -> memref<64xf32, #tpu.memory_space<hbm>>
          %dma_start3A_519 = tpu.memref_slice %arg4[%mul3A_515] : memref<1048576xf32, #tpu.memory_space<hbm>> -> memref<64xf32, #tpu.memory_space<hbm>>
          %dma_start3A_520 = arith.constant 0 : i32
          %dma_start3A_521 = tpu.memref_slice %arg19[%and3A_482, %dma_start3A_520] : memref<64x64xf32, #tpu.memory_space<vmem>> -> memref<1x64xf32, #tpu.memory_space<vmem>>
          %dma_start3A_522 = tpu.memref_squeeze %dma_start3A_521 : memref<1x64xf32, #tpu.memory_space<vmem>> -> memref<64xf32, #tpu.memory_space<vmem>>
          tpu.enqueue_dma source(%dma_start3A_522 : memref<64xf32, #tpu.memory_space<vmem>>) target(%dma_start3A_519 : memref<64xf32, #tpu.memory_space<hbm>>) target_semaphore(%arg29 : memref<!tpu.dma_semaphore, #tpu.memory_space<semaphore_mem>>)
          %add3A_523 = arith.constant 1 : i32
          %add3A_524 = arith.addi %squeeze3A_480, %add3A_523 : i32
          %broadcast_in_dim3A_525 = vector.broadcast %add3A_524 : i32 to vector<16xi32>
          %swap3A_526 = arith.constant 0 : index
          %swap3A_527 = tpu.vector_load %arg20[%swap3A_526] {strides = array<i32>} : memref<16xi32, #tpu.memory_space<vmem>>, vector<16xi32>,
          tpu.vector_store %arg20[%swap3A_526], %broadcast_in_dim3A_525 {strides = array<i32>} : memref<16xi32, #tpu.memory_space<vmem>>, vector<16xi32>,
        }
        %while3A_462 = arith.constant 1 : i32
        scf.for %while3A_463 = %while3A_460 to %while3A_456 step %while3A_462  : i32 {
          %mul3A_464 = arith.muli %while3A_463, %while3A_452 : i32
          %add3A_465 = arith.addi %while3A_453, %mul3A_464 : i32
          %add3A_466 = arith.addi %squeeze3A_439, %add3A_465 : i32
          %get3A_467 = arith.index_cast %add3A_466 : i32 to index
          %get3A_468 = tpu.vector_load %arg7[%get3A_467] {strides = array<i32>} : memref<16400xi32, #tpu.memory_space<vmem>>, vector<16xi32>,
          %slice3A_469 = vector.extract_strided_slice %get3A_468 {offsets = [0], sizes = [1], strides = [1]} : vector<16xi32> to vector<1xi32>
          %squeeze3A_470 = vector.extract %slice3A_469[0] : i32 from vector<1xi32>
          %shift_right_arithmetic3A = arith.constant 7 : i32
          %shift_right_arithmetic3A_471 = arith.shrsi %squeeze3A_470, %shift_right_arithmetic3A : i32
          %and3A_472 = arith.constant 16383 : i32
          %and3A_473 = arith.andi %shift_right_arithmetic3A_471, %and3A_472 : i32
          %and3A_474 = arith.constant 127 : i32
          %and3A_475 = arith.andi %squeeze3A_470, %and3A_474 : i32
          %broadcast_in_dim3A_476 = vector.broadcast %and3A_475 : i32 to vector<16xi32>
          %get3A_477 = arith.constant 0 : index
          %get3A_478 = tpu.vector_load %arg20[%get3A_477] {strides = array<i32>} : memref<16xi32, #tpu.memory_space<vmem>>, vector<16xi32>,
          %slice3A_479 = vector.extract_strided_slice %get3A_478 {offsets = [0], sizes = [1], strides = [1]} : vector<16xi32> to vector<1xi32>
          %squeeze3A_480 = vector.extract %slice3A_479[0] : i32 from vector<1xi32>
          %and3A_481 = arith.constant 63 : i32
          %and3A_482 = arith.andi %squeeze3A_480, %and3A_481 : i32
          %ge3A = arith.constant 64 : i32
          %ge3A_483 = arith.cmpi sge, %squeeze3A_480, %ge3A : i32
          %convert_element_type3A_484 = arith.extui %ge3A_483 : i1 to i32
          %cond3A_485 = arith.constant 0 : i32
          %cond3A_486 = arith.cmpi ne, %convert_element_type3A_484, %cond3A_485 : i32
          scf.if %cond3A_486 {
            %dma_wait3A_528 = arith.constant 0 : i32
            %dma_wait3A_529 = arith.constant 0 : i32
            %dma_wait3A_530 = tpu.memref_slice %arg19[%dma_wait3A_528, %dma_wait3A_529] : memref<64x64xf32, #tpu.memory_space<vmem>> -> memref<1x64xf32, #tpu.memory_space<vmem>>
            %dma_wait3A_531 = tpu.memref_squeeze %dma_wait3A_530 : memref<1x64xf32, #tpu.memory_space<vmem>> -> memref<64xf32, #tpu.memory_space<vmem>>
            %dma_wait3A_532 = arith.constant 0 : i32
            %dma_wait3A_533 = tpu.memref_slice %arg4[%dma_wait3A_532] : memref<1048576xf32, #tpu.memory_space<hbm>> -> memref<64xf32, #tpu.memory_space<hbm>>
            %dma_wait3A_534 = arith.constant 0 : i32
            %dma_wait3A_535 = tpu.memref_slice %arg19[%dma_wait3A_528, %dma_wait3A_534] : memref<64x64xf32, #tpu.memory_space<vmem>> -> memref<1x64xf32, #tpu.memory_space<vmem>>
            %dma_wait3A_536 = tpu.memref_squeeze %dma_wait3A_535 : memref<1x64xf32, #tpu.memory_space<vmem>> -> memref<64xf32, #tpu.memory_space<vmem>>
            %dma_wait3A_537 = arith.constant 0 : i32
            %dma_wait3A_538 = tpu.memref_slice %arg4[%dma_wait3A_537] : memref<1048576xf32, #tpu.memory_space<hbm>> -> memref<64xf32, #tpu.memory_space<hbm>>
            tpu.wait_dma2 semaphore(%arg29 : memref<!tpu.dma_semaphore, #tpu.memory_space<semaphore_mem>>) src(%dma_wait3A_538 : memref<64xf32, #tpu.memory_space<hbm>>) dst(%dma_wait3A_536 : memref<64xf32, #tpu.memory_space<vmem>>)
          } else {
          }
          %add3A_487 = arith.constant 0 : i32
          %add3A_488 = vector.broadcast %add3A_487 : i32 to vector<16xi32>
          %add3A_489 = arith.addi %iota3A, %add3A_488 : vector<16xi32>
          %gather3A = tpu.vector_load_idx %arg18[%add3A_489, %broadcast_in_dim3A_476] : memref<64x128xf32, #tpu.memory_space<vmem>>[vector<16xi32>, vector<16xi32>], vector<16xf32>,
          %swap3A_490 = arith.index_cast %and3A_482 : i32 to index
          %swap3A_491 = arith.constant 0 : index
          %swap3A_492 = tpu.vector_load %arg19[%swap3A_490, %swap3A_491] {strides = array<i32>} : memref<64x64xf32, #tpu.memory_space<vmem>>, vector<16xf32>,
          tpu.vector_store %arg19[%swap3A_490, %swap3A_491], %gather3A {strides = array<i32>} : memref<64x64xf32, #tpu.memory_space<vmem>>, vector<16xf32>,
          %add3A_493 = arith.constant 16 : i32
          %add3A_494 = vector.broadcast %add3A_493 : i32 to vector<16xi32>
          %add3A_495 = arith.addi %iota3A, %add3A_494 : vector<16xi32>
          %gather3A_496 = tpu.vector_load_idx %arg18[%add3A_495, %broadcast_in_dim3A_476] : memref<64x128xf32, #tpu.memory_space<vmem>>[vector<16xi32>, vector<16xi32>], vector<16xf32>,
          %swap3A_497 = arith.index_cast %and3A_482 : i32 to index
          %swap3A_498 = arith.constant 16 : index
          %swap3A_499 = tpu.vector_load %arg19[%swap3A_497, %swap3A_498] {strides = array<i32>} : memref<64x64xf32, #tpu.memory_space<vmem>>, vector<16xf32>,
          tpu.vector_store %arg19[%swap3A_497, %swap3A_498], %gather3A_496 {strides = array<i32>} : memref<64x64xf32, #tpu.memory_space<vmem>>, vector<16xf32>,
          %add3A_500 = arith.constant 32 : i32
          %add3A_501 = vector.broadcast %add3A_500 : i32 to vector<16xi32>
          %add3A_502 = arith.addi %iota3A, %add3A_501 : vector<16xi32>
          %gather3A_503 = tpu.vector_load_idx %arg18[%add3A_502, %broadcast_in_dim3A_476] : memref<64x128xf32, #tpu.memory_space<vmem>>[vector<16xi32>, vector<16xi32>], vector<16xf32>,
          %swap3A_504 = arith.index_cast %and3A_482 : i32 to index
          %swap3A_505 = arith.constant 32 : index
          %swap3A_506 = tpu.vector_load %arg19[%swap3A_504, %swap3A_505] {strides = array<i32>} : memref<64x64xf32, #tpu.memory_space<vmem>>, vector<16xf32>,
          tpu.vector_store %arg19[%swap3A_504, %swap3A_505], %gather3A_503 {strides = array<i32>} : memref<64x64xf32, #tpu.memory_space<vmem>>, vector<16xf32>,
          %add3A_507 = arith.constant 48 : i32
          %add3A_508 = vector.broadcast %add3A_507 : i32 to vector<16xi32>
          %add3A_509 = arith.addi %iota3A, %add3A_508 : vector<16xi32>
          %gather3A_510 = tpu.vector_load_idx %arg18[%add3A_509, %broadcast_in_dim3A_476] : memref<64x128xf32, #tpu.memory_space<vmem>>[vector<16xi32>, vector<16xi32>], vector<16xf32>,
          %swap3A_511 = arith.index_cast %and3A_482 : i32 to index
          %swap3A_512 = arith.constant 48 : index
          %swap3A_513 = tpu.vector_load %arg19[%swap3A_511, %swap3A_512] {strides = array<i32>} : memref<64x64xf32, #tpu.memory_space<vmem>>, vector<16xf32>,
          tpu.vector_store %arg19[%swap3A_511, %swap3A_512], %gather3A_510 {strides = array<i32>} : memref<64x64xf32, #tpu.memory_space<vmem>>, vector<16xf32>,
          %mul3A_514 = arith.constant 64 : i32
          %mul3A_515 = arith.muli %and3A_473, %mul3A_514 : i32
          %dma_start3A = arith.constant 0 : i32
          %dma_start3A_516 = tpu.memref_slice %arg19[%and3A_482, %dma_start3A] : memref<64x64xf32, #tpu.memory_space<vmem>> -> memref<1x64xf32, #tpu.memory_space<vmem>>
          %dma_start3A_517 = tpu.memref_squeeze %dma_start3A_516 : memref<1x64xf32, #tpu.memory_space<vmem>> -> memref<64xf32, #tpu.memory_space<vmem>>
          %dma_start3A_518 = tpu.memref_slice %arg4[%mul3A_515] : memref<1048576xf32, #tpu.memory_space<hbm>> -> memref<64xf32, #tpu.memory_space<hbm>>
          %dma_start3A_519 = tpu.memref_slice %arg4[%mul3A_515] : memref<1048576xf32, #tpu.memory_space<hbm>> -> memref<64xf32, #tpu.memory_space<hbm>>
          %dma_start3A_520 = arith.constant 0 : i32
          %dma_start3A_521 = tpu.memref_slice %arg19[%and3A_482, %dma_start3A_520] : memref<64x64xf32, #tpu.memory_space<vmem>> -> memref<1x64xf32, #tpu.memory_space<vmem>>
          %dma_start3A_522 = tpu.memref_squeeze %dma_start3A_521 : memref<1x64xf32, #tpu.memory_space<vmem>> -> memref<64xf32, #tpu.memory_space<vmem>>
          tpu.enqueue_dma source(%dma_start3A_522 : memref<64xf32, #tpu.memory_space<vmem>>) target(%dma_start3A_519 : memref<64xf32, #tpu.memory_space<hbm>>) target_semaphore(%arg29 : memref<!tpu.dma_semaphore, #tpu.memory_space<semaphore_mem>>)
          %add3A_523 = arith.constant 1 : i32
          %add3A_524 = arith.addi %squeeze3A_480, %add3A_523 : i32
          %broadcast_in_dim3A_525 = vector.broadcast %add3A_524 : i32 to vector<16xi32>
          %swap3A_526 = arith.constant 0 : index
          %swap3A_527 = tpu.vector_load %arg20[%swap3A_526] {strides = array<i32>} : memref<16xi32, #tpu.memory_space<vmem>>, vector<16xi32>,
          tpu.vector_store %arg20[%swap3A_526], %broadcast_in_dim3A_525 {strides = array<i32>} : memref<16xi32, #tpu.memory_space<vmem>>, vector<16xi32>,
        }
      } else {
      }
      %add3A_416 = arith.constant 8 : i32
      %add3A_417 = arith.addi %add3A_400, %add3A_416 : i32
      %lt3A_418 = arith.cmpi slt, %add3A_417, %add3A_60 : i32
      %add3A_419 = arith.constant 8 : i32
      %add3A_420 = arith.addi %add3A_400, %add3A_419 : i32
      %get3A_421 = arith.index_cast %add3A_420 : i32 to index
      %get3A_422 = tpu.vector_load %arg8[%get3A_421] {strides = array<i32>} : memref<272xi32, #tpu.memory_space<vmem>>, vector<16xi32>,
      %slice3A_423 = vector.extract_strided_slice %get3A_422 {offsets = [0], sizes = [1], strides = [1]} : vector<16xi32> to vector<1xi32>
      %squeeze3A_424 = vector.extract %slice3A_423[0] : i32 from vector<1xi32>
      %gt3A_425 = arith.constant 0 : i32
      %gt3A_426 = arith.cmpi sgt, %squeeze3A_424, %gt3A_425 : i32
      %and3A_427 = arith.andi %lt3A_418, %gt3A_426 : i1
      %convert_element_type3A_428 = arith.extui %and3A_427 : i1 to i32
      %cond3A_429 = arith.constant 0 : i32
      %cond3A_430 = arith.cmpi ne, %convert_element_type3A_428, %cond3A_429 : i32
      scf.if %cond3A_430 {
        %add3A_431 = arith.constant 8 : i32
        %add3A_432 = arith.addi %add3A_400, %add3A_431 : i32
        %mul3A_433 = arith.constant 32 : i32
        %mul3A_434 = arith.muli %add3A_432, %mul3A_433 : i32
        %add3A_435 = arith.addi %mul3A_434, %add3A : i32
        %mul3A_436 = arith.constant 128 : i32
        %mul3A_437 = arith.muli %add3A_435, %mul3A_436 : i32
        %dma_start3A = arith.constant 0 : i32
        %dma_start3A_438 = tpu.memref_slice %arg3[%dma_start3A, %mul3A_437] : memref<64x1000000xf32, #tpu.memory_space<hbm>> -> memref<64x128xf32, #tpu.memory_space<hbm>>
        %dma_start3A_439 = arith.constant 0 : i32
        %dma_start3A_440 = tpu.memref_slice %arg3[%dma_start3A_439, %mul3A_437] : memref<64x1000000xf32, #tpu.memory_space<hbm>> -> memref<64x128xf32, #tpu.memory_space<hbm>>
        tpu.enqueue_dma source(%dma_start3A_440 : memref<64x128xf32, #tpu.memory_space<hbm>>) target(%arg18 : memref<64x128xf32, #tpu.memory_space<vmem>>) target_semaphore(%arg28 : memref<!tpu.dma_semaphore, #tpu.memory_space<semaphore_mem>>)
      } else {
      }
    }
    %scan3A_133 = arith.constant 31 : i32
    %get3A = arith.constant 0 : index
    %get3A_134 = tpu.vector_load %arg20[%get3A] {strides = array<i32>} : memref<16xi32, #tpu.memory_space<vmem>>, vector<16xi32>,
    %slice3A = vector.extract_strided_slice %get3A_134 {offsets = [0], sizes = [1], strides = [1]} : vector<16xi32> to vector<1xi32>
    %squeeze3A = vector.extract %slice3A[0] : i32 from vector<1xi32>
    %min3A = arith.constant 64 : i32
    %min3A_135 = arith.minsi %squeeze3A, %min3A : i32
    %sub3A_136 = arith.constant 0 : i32
    %sub3A_137 = arith.subi %min3A_135, %sub3A_136 : i32
    %sub3A_138 = arith.constant 1 : i32
    %sub3A_139 = arith.constant 1 : i32
    %sub3A_140 = arith.subi %sub3A_138, %sub3A_139 : i32
    %add3A_141 = arith.addi %sub3A_137, %sub3A_140 : i32
    %div3A_142 = arith.constant 1 : i32
    %div3A_143 = arith.divsi %add3A_141, %div3A_142 : i32
    %while3A_144 = arith.constant 1 : i32
    %while3A_145 = arith.constant 0 : i32
    %while3A_146 = arith.constant 0 : i32
    %while3A_147 = arith.subi %div3A_143, %while3A_146 : i32
    %while3A_148 = arith.addi %while3A_146, %while3A_147 : i32
    %while3A_149 = arith.constant 1 : i32
    %while3A_150 = arith.divsi %while3A_147, %while3A_149 : i32
    %while3A_151 = arith.muli %while3A_150, %while3A_149 : i32
    %while3A_152 = arith.addi %while3A_146, %while3A_151 : i32
    %while3A_153 = arith.constant 1 : i32
    scf.for %while3A_155 = %while3A_146 to %while3A_152 step %while3A_153  : i32 {
      %mul3A_156 = arith.muli %while3A_155, %while3A_144 : i32
      %add3A_157 = arith.addi %while3A_145, %mul3A_156 : i32
      %dma_wait3A = arith.constant 0 : i32
      %dma_wait3A_158 = arith.constant 0 : i32
      %dma_wait3A_159 = tpu.memref_slice %arg19[%dma_wait3A, %dma_wait3A_158] : memref<64x64xf32, #tpu.memory_space<vmem>> -> memref<1x64xf32, #tpu.memory_space<vmem>>
      %dma_wait3A_160 = tpu.memref_squeeze %dma_wait3A_159 : memref<1x64xf32, #tpu.memory_space<vmem>> -> memref<64xf32, #tpu.memory_space<vmem>>
      %dma_wait3A_161 = arith.constant 0 : i32
      %dma_wait3A_162 = tpu.memref_slice %arg4[%dma_wait3A_161] : memref<1048576xf32, #tpu.memory_space<hbm>> -> memref<64xf32, #tpu.memory_space<hbm>>
      %dma_wait3A_163 = arith.constant 0 : i32
      %dma_wait3A_164 = tpu.memref_slice %arg19[%dma_wait3A, %dma_wait3A_163] : memref<64x64xf32, #tpu.memory_space<vmem>> -> memref<1x64xf32, #tpu.memory_space<vmem>>
      %dma_wait3A_165 = tpu.memref_squeeze %dma_wait3A_164 : memref<1x64xf32, #tpu.memory_space<vmem>> -> memref<64xf32, #tpu.memory_space<vmem>>
      %dma_wait3A_166 = arith.constant 0 : i32
      %dma_wait3A_167 = tpu.memref_slice %arg4[%dma_wait3A_166] : memref<1048576xf32, #tpu.memory_space<hbm>> -> memref<64xf32, #tpu.memory_space<hbm>>
      tpu.wait_dma2 semaphore(%arg29 : memref<!tpu.dma_semaphore, #tpu.memory_space<semaphore_mem>>) src(%dma_wait3A_167 : memref<64xf32, #tpu.memory_space<hbm>>) dst(%dma_wait3A_165 : memref<64xf32, #tpu.memory_space<vmem>>)
    }
    %while3A_154 = arith.constant 1 : i32
    scf.for %while3A_155 = %while3A_152 to %while3A_148 step %while3A_154  : i32 {
      %mul3A_156 = arith.muli %while3A_155, %while3A_144 : i32
      %add3A_157 = arith.addi %while3A_145, %mul3A_156 : i32
      %dma_wait3A = arith.constant 0 : i32
      %dma_wait3A_158 = arith.constant 0 : i32
      %dma_wait3A_159 = tpu.memref_slice %arg19[%dma_wait3A, %dma_wait3A_158] : memref<64x64xf32, #tpu.memory_space<vmem>> -> memref<1x64xf32, #tpu.memory_space<vmem>>
      %dma_wait3A_160 = tpu.memref_squeeze %dma_wait3A_159 : memref<1x64xf32, #tpu.memory_space<vmem>> -> memref<64xf32, #tpu.memory_space<vmem>>
      %dma_wait3A_161 = arith.constant 0 : i32
      %dma_wait3A_162 = tpu.memref_slice %arg4[%dma_wait3A_161] : memref<1048576xf32, #tpu.memory_space<hbm>> -> memref<64xf32, #tpu.memory_space<hbm>>
      %dma_wait3A_163 = arith.constant 0 : i32
      %dma_wait3A_164 = tpu.memref_slice %arg19[%dma_wait3A, %dma_wait3A_163] : memref<64x64xf32, #tpu.memory_space<vmem>> -> memref<1x64xf32, #tpu.memory_space<vmem>>
      %dma_wait3A_165 = tpu.memref_squeeze %dma_wait3A_164 : memref<1x64xf32, #tpu.memory_space<vmem>> -> memref<64xf32, #tpu.memory_space<vmem>>
      %dma_wait3A_166 = arith.constant 0 : i32
      %dma_wait3A_167 = tpu.memref_slice %arg4[%dma_wait3A_166] : memref<1048576xf32, #tpu.memory_space<hbm>> -> memref<64xf32, #tpu.memory_space<hbm>>
      tpu.wait_dma2 semaphore(%arg29 : memref<!tpu.dma_semaphore, #tpu.memory_space<semaphore_mem>>) src(%dma_wait3A_167 : memref<64xf32, #tpu.memory_space<hbm>>) dst(%dma_wait3A_165 : memref<64xf32, #tpu.memory_space<vmem>>)
    }
    return
  }
}

</mosaic_0001>

<sc_bundles>
// kernel: kernel.3.cloned.1.call-start
scs
__scs_entry_jumppad:
0x0: {  	(pc) =	sbr.rel $0x88, $3  }
0x1: {  	(tag) =	ssettag $0x0;
	lr =	simm.s32 $0x1  }
0x2: {  	[smem:$0x3F9F] =	sst lr;
	_ =	strace $0xD0000000  }
0x3: {  	_ = 	snop  }
0x4: {  	_ = 	snop  }
0x5: {  	_ = 	snop  }
0x6: {  	_ = 	snop  }
0x7: {  	_ = 	snop  }
__scs_overlays_trampoline_lowered:
0x8: {  	[smem:$0x3FAE] =	sst s0  }
0x9: {  	[smem:$0x3FAF] =	sst s1  }
0xa: {  	[smem:$0x3FB0] =	sst s2  }
0xb: {  	[smem:$0x3FB1] =	sst s3  }
0xc: {  	[smem:$0x3FB2] =	sst s4  }
0xd: {  	[smem:$0x3FB3] =	sst s5  }
0xe: {  	[smem:$0x3FB4] =	sst s6  }
0xf: {  	[smem:$0x3FB5] =	sst s7  }
0x10: {  	[smem:$0x3FB6] =	sst s8  }
0x11: {  	[smem:$0x3FB7] =	sst s9;
	s0 =	simm.s32 @!p0 $0x0  }
0x12: {  	s1 =	sld [smem:$0x3F9D];
	s0 =	simm.s32 @p0 $0x1  }
0x13: {  	[smem:$0x3FB8] =	sst s0;
	s0 =	simm.s32 @!p1 $0x0  }
0x14: {  	s2 =	sld [smem:$0x3F9C];
	s0 =	simm.s32 @p1 $0x1  }
0x15: {  	[smem:$0x3FB9] =	sst s0;
	s0 =	simm.s32 @!p2 $0x0  }
0x16: {  	s3 =	sld [smem:$0x3FDB];
	s0 =	simm.s32 @p2 $0x1  }
0x17: {  	s4 =	simm.s32 $0x1BF5;
	[smem:$0x3FBB] =	sst s0  }
0x18: {  	s0 =	sld [smem:$0x3F9E];
	_ =	swait.ge [sflag:s4], $0x0  }
0x19: {  	s7 =	sld [smem:$0x3F9F]  }
0x1a: {  	s8 =	sadd.s32 $0xFFFFE003, lr  }
0x1b: {  	s9 =	sadd.s32 $0xFFFFFEF7, lr;
	s5 =	simm.s32 $0xFFFFFFFF;
	p2 =	slt.u32 s8, $0xFFFFF086  }
0x1c: {  	p1 =	slt.u32 s9, $0xF7A;
	s5 =	simm.s32 @!p2 $0x0  }
0x1d: {  	s5 =	simm.s32 @p1 $0x1;
	p0 =	seq.s32 s7, s2  }
0x1e: {  	s7 =	smul.u32 @!p0 $0xF7A, s2;
	p2 =	seq.s32 @!p0 s5, $0x0  }
0x1f: {  	s9 =	smul.u32 $0xF7A, s1;
	s8 =	simm.s32 @!p0 $0x1BF5;
	p2 =	por !p2, p0  }
0x20: {  	[sflag:s8] =	ssyncset.s32 @!p0 $0xFFFFF086;
	s6 =	sadd.s32 @!p0 s3, s7;
	s7 =	simm.s32 @!p0 $0x108  }
0x21: {  	s3 =	sadd.s32 s3, s9;
	s6 =	sadd.s32 @!p0 $0x88, s6;
	s7 =	simm.s32 @p2 $0x1082  }
0x22: {  	[simem:s7], [sflag:s8] =	dma.local @!p0 [hbm:s6], $0xF7A  }
0x23: {  	s9 =	sor.u32 $0xD0000000, s2;
	s6 =	simm.s32 $0x108;
	_ =	swait.ge @!p0 [sflag:s8], $0x0  }
0x24: {  	s3 =	sadd.s32 $0x88, s3;
	s6 =	simm.s32 @!p1 $0x1082;
	[sflag:s4] =	ssyncset.s32 $0xFFFFF086  }
0x25: {  	[simem:s6], [sflag:s4] =	dma.local [hbm:s3], $0xF7A  }
0x26: {  	[smem:$0x3F9F] =	sst s1;
	(tag) =	ssettag s2;
	_ =	strace s9  }
0x27: {  	s1 =	sld [smem:$0x3FAF]  }
0x28: {  	s2 =	sld [smem:$0x3FB0]  }
0x29: {  	s4 =	sld [smem:$0x3FB2]  }
0x2a: {  	p0 =	seq.s32 s5, $0x0;
	s5 =	sld [smem:$0x3FB3]  }
0x2b: {  	s6 =	sld [smem:$0x3FB4]  }
0x2c: {  	s7 =	sld [smem:$0x3FB5]  }
0x2d: {  	s3 =	simm.s32 $0x108;
	s8 =	sld [smem:$0x3FB6]  }
0x2e: {  	s3 =	simm.s32 @!p0 $0x1082;
	s9 =	sld [smem:$0x3FB7]  }
0x2f: {  	lr =	sadd.s32 s0, s3;
	s0 =	sld [smem:$0x3FAE]  }
0x30: {  	s3 =	sld [smem:$0x3FB1]  }
0x31: {  	[smem:$0x3FBA] =	sst s10  }
0x32: {  	s10 =	sld [smem:$0x3FB8];
	_ =	sdelay $0x3  }
0x33: {  	p0 =	seq.s32 s10, $0x1;
	s10 =	sld [smem:$0x3FBA];
	_ =	sdelay $0x3  }
0x34: {  	[smem:$0x3FBA] =	sst s10  }
0x35: {  	s10 =	sld [smem:$0x3FB9];
	_ =	sdelay $0x3  }
0x36: {  	p1 =	seq.s32 s10, $0x1;
	s10 =	sld [smem:$0x3FBA];
	_ =	sdelay $0x3  }
0x37: {  	[smem:$0x3FBA] =	sst s10  }
0x38: {  	s10 =	sld [smem:$0x3FBB]  }
0x39: {  	_ = 	snop;
	(pc) =	sbr.ind lr, $3  }
0x3a: {  	_ = 	snop  }
0x3b: {  	_ = 	snop  }
0x3c: {  	p2 =	seq.s32 s10, $0x1;
	s10 =	sld [smem:$0x3FBA]  }
0x3d: {  	_ =	shalt  }
0x3e: {  	_ =	shalt  }
0x3f: {  	_ =	shalt  }
0x40: {  	_ =	shalt  }
0x41: {  	_ =	shalt  }
0x42: {  	_ =	shalt  }
0x43: {  	_ =	shalt  }
0x44: {  	_ =	shalt  }
0x45: {  	_ =	shalt  }
0x46: {  	_ =	shalt  }
0x47: {  	_ =	shalt  }
0x48: {  	_ =	shalt  }
0x49: {  	_ =	shalt  }
0x4a: {  	_ =	shalt  }
0x4b: {  	_ =	shalt  }
0x4c: {  	_ =	shalt  }
0x4d: {  	_ =	shalt  }
0x4e: {  	_ =	shalt  }
0x4f: {  	_ =	shalt  }
0x50: {  	_ =	shalt  }
0x51: {  	_ =	shalt  }
0x52: {  	_ =	shalt  }
0x53: {  	_ =	shalt  }
0x54: {  	_ =	shalt  }
0x55: {  	_ =	shalt  }
0x56: {  	_ =	shalt  }
0x57: {  	_ =	shalt  }
0x58: {  	_ =	shalt  }
0x59: {  	_ =	shalt  }
0x5a: {  	_ =	shalt  }
0x5b: {  	_ =	shalt  }
0x5c: {  	_ =	shalt  }
0x5d: {  	_ =	shalt  }
0x5e: {  	_ =	shalt  }
0x5f: {  	_ =	shalt  }
0x60: {  	_ =	shalt  }
0x61: {  	_ =	shalt  }
0x62: {  	_ =	shalt  }
0x63: {  	_ =	shalt  }
0x64: {  	_ =	shalt  }
0x65: {  	_ =	shalt  }
0x66: {  	_ =	shalt  }
0x67: {  	_ =	shalt  }
0x68: {  	_ =	shalt  }
0x69: {  	_ =	shalt  }
0x6a: {  	_ =	shalt  }
0x6b: {  	_ =	shalt  }
0x6c: {  	_ =	shalt  }
0x6d: {  	_ =	shalt  }
0x6e: {  	_ =	shalt  }
0x6f: {  	_ =	shalt  }
0x70: {  	_ =	shalt  }
0x71: {  	_ =	shalt  }
0x72: {  	_ =	shalt  }
0x73: {  	_ =	shalt  }
0x74: {  	_ =	shalt  }
0x75: {  	_ =	shalt  }
0x76: {  	_ =	shalt  }
0x77: {  	_ =	shalt  }
0x78: {  	_ =	shalt  }
0x79: {  	_ =	shalt  }
0x7a: {  	_ =	shalt  }
0x7b: {  	_ =	shalt  }
0x7c: {  	_ =	shalt  }
0x7d: {  	_ =	shalt  }
0x7e: {  	_ =	shalt  }
0x7f: {  	_ =	shalt  }
0x80: {  	_ =	shalt  }
0x81: {  	_ =	shalt  }
0x82: {  	_ =	shalt  }
0x83: {  	_ =	shalt  }
0x84: {  	_ =	shalt  }
0x85: {  	_ =	shalt  }
0x86: {  	_ =	shalt  }
0x87: {  	_ =	shalt  }
.Lfunc_end0:
.L_simem_size_0:
called_computation_lowered:
.L_overlay_start_0:
0x88: {  	s2 =	sld [smem:$0x3FD9]  }
0x89: {  	s3 =	sld [smem:$0x3FFE];
	_ =	sdelay $0x1  }
0x8a: {  	s1 =	srdreg.scid  }
0x8b: {  	s0 =	sand.u32 $0x1, s1  }
0x8c: {  	s18 =	sshll.u32 s0, $0xA;
	s2 =	sadd.s32 s3, s2  }
0x8d: {  	s2 =	sadd.s32 s2, s18  }
0x8e: {  	[smem:$0x3FC6] =	sst s2  }
0x8f: {  	_ = 	snop  }
0x90: {  	s2 =	sld [smem:$0x3FC9]  }
0x91: {  	s19 =	sld [smem:$0x3FC8]  }
0x92: {  	s4 =	sld [smem:$0x3FD0];
	(tm) =	ssettm $0x1  }
0x93: {  	s5 =	sld [smem:$0x3FFB];
	_ =	sdelay $0x3  }
0x94: {  	_ =	strace s5  }
0x95: {  	s5 =	sld [smem:$0x3FFC];
	_ =	sdelay $0x3  }
0x96: {  	_ =	strace s5  }
0x97: {  	s5 =	sld [smem:$0x3FFD];
	_ =	sdelay $0x3  }
0x98: {  	_ =	strace s5  }
0x99: {  	_ =	strace $0x8FFFFFFF  }
0x9a: {  	s20 =	sld [smem:$0x3FDB];
	_ =	sdelay $0x1  }
0x9b: {  	s6 =	simm.s32 $_scs_section_size  }
0x9c: {  	s7 =	simm.s32 $_size__tile_overlayer_lowered;
	s8 =	simm.s32 $_tile_overlayer_lowered  }
0x9d: {  	s23 =	simm.s32 $0x1BFF;
	s22 =	sshll.u32 s8, $0x1;
	s5 =	sadd.s32 s6, s20  }
0x9e: {  	s9 =	simm.s32 $0x0;
	s21 =	sshll.u32 s7, $0x1;
	s7 =	sadd.s32 s22, s5  }
0x9f: {  	[timem:s9], [sflag:s23] =	dma.local [hbm:s7], s21  }
0xa0: {  	_ =	swait.ge [sflag:s23], s21  }
0xa1: {  	s6 =	ssub.s32 $0x0, s21;
	[sflag:s23] =	ssyncset.done $0x0  }
0xa2: {  	[sflag:s23] =	ssyncadd.s32 s6;
	_ =	sdelay $0x1  }
0xa3: {  	s24 =	simm.s32 $0x1B8B  }
0xa4: {  	_ =	swait.ge [sflag:s24], $0x1  }
0xa5: {  	[sflag:s24] =	ssyncset.done $0x0  }
0xa6: {  	s25 =	simm.s32 $0x1B8E;
	[sflag:s24] =	ssyncadd.s32 $0xFFFFFFFF  }
0xa7: {  	s26 =	simm.s32 $execute0_lowered;
	[smem:$0x3FD2] =	sst s25  }
0xa8: {  	s6 =	sshll.u32 s26, $0x1;
	_ =	strace $0x80000046;
	[dreg:$0x1] =	wrdreg $0xFFFFFFFF  }
0xa9: {  	s28 =	simm.s32 $_size_execute0_lowered;
	s5 =	sadd.s32 s5, s6;
	[dreg:$0x0] =	wrdreg $0x0  }
0xaa: {  	s6 =	sshll.u32 s28, $0x1;
	[dreg:$0x2] =	wrdreg s5  }
0xab: {  	[dreg:$0x3] =	wrdreg s6  }
0xac: {  	[dreg:$0x4] =	wrdreg $0xC0  }
0xad: {  	_ =	task [dreg:s9], $0x5FFFF  }
0xae: {  	[dreg:$0x1] =	wrdreg $0xFFFFFFFF  }
0xaf: {  	[dreg:$0x0] =	wrdreg $0x60  }
0xb0: {  	[dreg:$0x2] =	wrdreg s2  }
0xb1: {  	[dreg:$0x3] =	wrdreg s19  }
0xb2: {  	[dreg:$0x4] =	wrdreg s4  }
0xb3: {  	[dreg:$0x5] =	wrdreg $0x9  }
0xb4: {  	_ =	task.clear_ibuf [dreg:s9], $0x6FFFF;
	_ =	strace $0x90000046  }
0xb5: {  	s29 =	simm.s32 $0x9;
	_ =	strace $0x80000048  }
0xb6: {  	_ =	swait.ge [sflag:s29], $0x1  }
0xb7: {  	[sflag:s29] =	ssyncadd.s32 $0xFFFFFFFF  }
0xb8: {  	_ =	strace $0x90000048  }
0xb9: {  	_ =	sfence  }
0xba: {  	s30 =	sld [smem:$0x0];
	_ =	sdelay $0x2  }
0xbb: {  	s31 =	sshll.u32 s1, $0xD;
	s1 =	sshrl.u32 s1, $0x2  }
0xbc: {  	s3 =	sand.u32 $0x4000, s31;
	s1 =	sadd.s32 s1, s30  }
0xbd: {  	s0 =	sor.u32 s3, s0;
	s1 =	sshll.u32 s1, $0x11  }
0xbe: {  	s0 =	sor.u32 s1, s0  }
0xbf: {  	s0 =	sadd.s32 $0x8F2B, s0  }
0xc0: {  	[sflag:s0] =	ssyncadd.remote.s32 $0x1  }
0xc1: {  	_ =	sfence.sel $0xFFFF  }
0xc2: {  	[dreg:$0x0] =	wrdreg $0xFFFFFFFF;
	(pc) =	sbr.abs _section_cstart, $3  }
0xc3: {  	[dreg:$0x1] =	wrdreg $0xFFFFFFFF  }
0xc4: {  	_ =	task.clear_ibuf [dreg:s9], $0x2FFFF;
	_ =	strace $0x9FFFFFFF  }
0xc5: {  	(tm) =	ssettm $0x7FFFFFFF  }
tec
execute0_lowered:
.L_overlay_start_1:
0x0: {  	(tag) =	ssettag $0x1  }
0x1: {  	s0 =	rddreg [dreg:$0x1]  }
0x2: {  	s3 =	rddreg [dreg:$0x2]  }
0x3: {  	s4 =	simm.s32 $0x0;
	s1 =	srdreg.scid;
	s2 =	stileid.u32  }
0x4: {  	s15 =	simm.s32 $0xA;
	s16 =	simm.s32 $0x400;
	s17 =	simm.s32 $0x7A1400  }
0x5: {  	s18 =	simm.s32 $0xC580;
	s19 =	simm.s32 $0xE580;
	s20 =	simm.s32 $0x10580  }
0x6: {  	s21 =	simm.s32 $0x12580;
	s28 =	simm.s32 $0x8080;
	s29 =	simm.s32 $0xC400  }
0x7: {  	s30 =	simm.s32 $0x9;
	s1 =	sand.u32 $0x1, s1;
	s2 =	sshll.u32 s2, $0x1  }
0x8: {  	[smem:$0x7FF] =	sst s4;
	s5 =	ssub.s32 $0x2, s1;
	s1 =	sor.u32 s1, s2  }
0x9: {  	s22 =	sshrl.u32 s5, $0x1;
	s6 =	ssub.s32 $0x1E84, s1;
	s7 =	sshll.u32 s1, $0x7  }
0xa: {  	s2 =	ssub.s32 s5, s22;
	s5 =	sshrl.u32 s6, $0x5;
	s6 =	sadd.s32 s0, s7  }
0xb: {  	s31 =	simm.s32 $0x0;
	_ =	strace $0x80000047;
	s0 =	sadd.s32 $0x1000, s6  }
0xc: {  	s22 =	simm.s32 $0x14580;
	s23 =	sadd.s32 $0x2000, s6;
	[dreg:$0x4] =	wrdreg s0  }
.Ltmp0:
0xd: {  	s24 =	sadd.s32 $0x3000, s6;
	[dreg:$0x5] =	wrdreg s23;
	(pc) =	sbr.rel .LBB2_1-.Ltmp0, $4  }
0xe: {  	v0 =	vlaneseq.u32;
	s25 =	sadd.s32 $0x4000, s6;
	s26 =	sadd.s32 $0x5000, s6;
	[dreg:$0x6] =	wrdreg s24  }
0xf: {  	v0 =	vmul.u32 $0x80, v0;
	s12 =	sadd.s32 $0x6000, s6;
	s13 =	sadd.s32 $0x7000, s6;
	[dreg:$0x7] =	wrdreg s25  }
0x10: {  	v2 =	vimm.s32 $0x0;
	v3 =	vimm.s32 $0x1;
	v1 =	vmov s1;
	s14 =	smax.u32 s2, $0x1;
	[dreg:$0x8] =	wrdreg s26;
	s23 =	simm.s32 $0x16580  }
0x11: {  	v4 =	vor.u32 $0x800, v0;
	v5 =	vor.u32 $0x1000, v0;
	v6 =	vor.u32 $0x1800, v0;
	s24 =	simm.s32 $0x18580;
	s25 =	simm.s32 $0x1A580;
	s26 =	simm.s32 $0xC100  }
.LBB2_48:
0x12: {  	[sflag:s30] =	ssyncadd.s32 $0xFFFFFFC0  }
.LBB2_49:
0x13: {  	s31 =	sadd.s32 $0x1, s31  }
0x14: {  	p0 =	sne.s32 s31, s14  }
.Ltmp1:
0x15: {  	_ = 	snop;
	(pc) =	sbr.rel @!p0 .LBB2_50-.Ltmp1, $1  }
0x16: {  	_ =	sdelay $0x3  }
.LBB2_1:
0x17: {  	s0 =	rddreg [dreg:$0x0]  }
0x18: {  	[tilespmem:s4], [sflag:$0xA] =	stream.linear.gather [hbm4b:s0+s4], $0x4000, $0x38;
	[tilespmem:$0x1E600] =	vst v63  }
0x19: {  	_ =	swait.ge [sflag:s15], $0x4000  }
0x1a: {  	[sflag:s15] =	ssyncset.done $0x0  }
0x1b: {  	[sflag:s15] =	ssyncadd.s32 $0xFFFFC000  }
0x1c: {  	[tilespmem:$0x1E580] =	vst v2  }
0x1d: {  	[tilespmem:$0xC100] =	vst v2  }
0x1e: {  	[tilespmem:$0xC110] =	vst v2  }
0x1f: {  	[tilespmem:$0xC120] =	vst v2  }
0x20: {  	[tilespmem:$0xC130] =	vst v2  }
0x21: {  	[tilespmem:$0xC140] =	vst v2  }
0x22: {  	[tilespmem:$0xC150] =	vst v2  }
0x23: {  	[tilespmem:$0xC160] =	vst v2  }
0x24: {  	[tilespmem:$0xC170] =	vst v2  }
0x25: {  	[tilespmem:$0xC180] =	vst v2  }
0x26: {  	[tilespmem:$0xC190] =	vst v2  }
0x27: {  	[tilespmem:$0xC1A0] =	vst v2  }
0x28: {  	[tilespmem:$0xC1B0] =	vst v2  }
0x29: {  	[tilespmem:$0xC1C0] =	vst v2  }
0x2a: {  	[tilespmem:$0xC1D0] =	vst v2  }
0x2b: {  	[tilespmem:$0xC1E0] =	vst v2  }
0x2c: {  	[tilespmem:$0xC1F0] =	vst v2  }
0x2d: {  	[tilespmem:$0xC200] =	vst v2  }
0x2e: {  	[tilespmem:s18], [sflag:$0x1] =	stream.strided.gather [hbm4b:s6+s16], $0x2000, s17, s16, $0x38;
	[tilespmem:$0x1E600] =	vst v63  }
0x2f: {  	s7 =	rddreg [dreg:$0x4]  }
0x30: {  	[tilespmem:s19], [sflag:$0x2] =	stream.strided.gather [hbm4b:s7+s16], $0x2000, s17, s16, $0x38;
	[tilespmem:$0x1E600] =	vst v63  }
0x31: {  	s8 =	rddreg [dreg:$0x5]  }
0x32: {  	[tilespmem:s20], [sflag:$0x3] =	stream.strided.gather [hbm4b:s8+s16], $0x2000, s17, s16, $0x38;
	[tilespmem:$0x1E600] =	vst v63  }
0x33: {  	s9 =	rddreg [dreg:$0x6]  }
0x34: {  	[tilespmem:s21], [sflag:$0x4] =	stream.strided.gather [hbm4b:s9+s16], $0x2000, s17, s16, $0x38;
	[tilespmem:$0x1E600] =	vst v63  }
0x35: {  	s10 =	rddreg [dreg:$0x7]  }
0x36: {  	[tilespmem:s22], [sflag:$0x5] =	stream.strided.gather [hbm4b:s10+s16], $0x2000, s17, s16, $0x38;
	[tilespmem:$0x1E600] =	vst v63  }
0x37: {  	s11 =	rddreg [dreg:$0x8]  }
0x38: {  	[tilespmem:s23], [sflag:$0x6] =	stream.strided.gather [hbm4b:s11+s16], $0x2000, s17, s16, $0x38;
	[tilespmem:$0x1E600] =	vst v63  }
0x39: {  	_ = 	snop  }
0x3a: {  	[tilespmem:s24], [sflag:$0x7] =	stream.strided.gather [hbm4b:s12+s16], $0x2000, s17, s16, $0x38;
	[tilespmem:$0x1E600] =	vst v63  }
0x3b: {  	s2 =	simm.s32 $0x20  }
0x3c: {  	[tilespmem:s25], [sflag:$0x8] =	stream.strided.gather [hbm4b:s13+s16], $0x2000, s17, s16, $0x38;
	[tilespmem:$0x1E600] =	vst v63  }
0x3d: {  	v9 =	vld [tilespmem:s2+$0xFFFFFFE0];
	_ =	sdelay $0x4  }
0x3e: {  	p1 =	por $0x0, $0x0;
	v7 =	vshrl.u32 v9, $0x7  }
.Ltmp2:
0x3f: {  	v7 =	vand.u32 $0x1F, v7;
	(pc) =	sbr.rel @p1 .LBB2_2-.Ltmp2, $4  }
0x40: {  	v8 =	vmov s4;
	vm0 =	veq.s32 v7, v1  }
0x41: {  	v8 =	vshll.u32 v8, $0x7;
	v7 =	vshra.s32 v9, $0xC;
	v10 =	vmpcnt.ones.xlane vm0  }
0x42: {  	v8 =	vor.u32 v0, v8;
	v11 =	vshll.u32 v7, $0x15  }
0x43: {  	p0 =	por $0x0, $0x0;
	s0 =	simm.s32 $0x40;
	v9 =	vand.u32 $0x7F, v9;
	v8 =	vadd.s32 v8, v11;
	(v2sf) =	vpush v10, $0x0  }
0x44: {  	_ =	sdelay $0x2  }
0x45: {  	v8 =	vor.u32 v9, v8  }
0x46: {  	[tilespmem:s4+$0x4000] =	vst.msk vm0, v8  }
0x47: {  	[tilespmem:v7+s26+$0x0] =	vst.idx.add.s32.msk vm0, v3  }
0x48: {  	v7 =	vld [tilespmem:s2+$0xFFFFFFF0];
	_ =	sdelay $0x4  }
0x49: {  	v8 =	vshrl.u32 v7, $0x7  }
0x4a: {  	v8 =	vand.u32 $0x1F, v8  }
0x4b: {  	s1 =	simm.s32 $0x10;
	vm0 =	veq.s32 v8, v1  }
0x4c: {  	v8 =	vmov s1;
	v9 =	vmpcnt.ones.xlane vm0  }
0x4d: {  	v10 =	vshra.s32 v7, $0xC;
	v8 =	vshll.u32 v8, $0x7  }
0x4e: {  	v7 =	vand.u32 $0x7F, v7;
	v8 =	vor.u32 v0, v8;
	(v2sf) =	vpush v9, $0x0  }
0x4f: {  	v9 =	vshll.u32 v10, $0x15;
	v7 =	vor.u32 v8, v7;
	s8 =	spop (v2sf)  }
0x50: {  	v7 =	vor.u32 v9, v7;
	s1 =	sadd.s32 $0x0, s8  }
0x51: {  	[tilespmem:s1+$0x4000] =	vst.msk vm0, v7  }
0x52: {  	[tilespmem:v10+s26+$0x0] =	vst.idx.add.s32.msk vm0, v3  }
0x53: {  	v7 =	vld [tilespmem:s2+$0x0];
	_ =	sdelay $0x4  }
0x54: {  	v8 =	vshrl.u32 v7, $0x7  }
0x55: {  	s7 =	simm.s32 $0x20;
	v8 =	vand.u32 $0x1F, v8  }
0x56: {  	v9 =	vmov s7;
	vm0 =	veq.s32 v8, v1  }
0x57: {  	v8 =	vshll.u32 v9, $0x7;
	v9 =	vshra.s32 v7, $0xC;
	v10 =	vmpcnt.ones.xlane vm0  }
0x58: {  	v7 =	vand.u32 $0x7F, v7;
	v8 =	vor.u32 v0, v8  }
0x59: {  	v7 =	vor.u32 v8, v7;
	v8 =	vshll.u32 v9, $0x15;
	s9 =	spop (v2sf);
	(v2sf) =	vpush v10, $0x0  }
0x5a: {  	v7 =	vor.u32 v8, v7;
	s1 =	sadd.s32 s1, s9  }
0x5b: {  	[tilespmem:s1+$0x4000] =	vst.msk vm0, v7  }
0x5c: {  	[tilespmem:v9+s26+$0x0] =	vst.idx.add.s32.msk vm0, v3  }
0x5d: {  	v7 =	vld [tilespmem:s2+$0x10];
	_ =	sdelay $0x4  }
0x5e: {  	v8 =	vshrl.u32 v7, $0x7  }
0x5f: {  	v8 =	vand.u32 $0x1F, v8  }
0x60: {  	s10 =	simm.s32 $0x30;
	vm0 =	veq.s32 v8, v1  }
0x61: {  	v8 =	vmov s10;
	v9 =	vmpcnt.ones.xlane vm0  }
0x62: {  	v10 =	vshra.s32 v7, $0xC;
	v8 =	vshll.u32 v8, $0x7  }
0x63: {  	v7 =	vand.u32 $0x7F, v7;
	v8 =	vor.u32 v0, v8;
	(v2sf) =	vpush v9, $0x0  }
0x64: {  	v9 =	vshll.u32 v10, $0x15;
	v7 =	vor.u32 v8, v7;
	s11 =	spop (v2sf)  }
0x65: {  	v7 =	vor.u32 v9, v7;
	s7 =	sadd.s32 s1, s11  }
0x66: {  	[tilespmem:s7+$0x4000] =	vst.msk vm0, v7  }
0x67: {  	s2 =	simm.s32 $0x60;
	[tilespmem:v10+s26+$0x0] =	vst.idx.add.s32.msk vm0, v3  }
0x68: {  	v9 =	vld [tilespmem:s2+$0xFFFFFFE0];
	_ =	sdelay $0x4  }
0x69: {  	p1 =	por $0x0, $0x0;
	v7 =	vshrl.u32 v9, $0x7  }
.Ltmp3:
0x6a: {  	v7 =	vand.u32 $0x1F, v7;
	(pc) =	sbr.rel @p1 .LBB2_5-.Ltmp3, $4  }
0x6b: {  	v8 =	vmov s0;
	vm0 =	veq.s32 v7, v1  }
0x6c: {  	v8 =	vshll.u32 v8, $0x7;
	v7 =	vshra.s32 v9, $0xC;
	v10 =	vmpcnt.ones.xlane vm0  }
0x6d: {  	v8 =	vor.u32 v0, v8;
	v11 =	vshll.u32 v7, $0x15  }
0x6e: {  	p0 =	por $0x1, $0x1;
	s1 =	simm.s32 $0x80;
	v9 =	vand.u32 $0x7F, v9;
	v8 =	vadd.s32 v8, v11;
	(v2sf) =	vpush v10, $0x0;
	s8 =	spop (v2sf)  }
.LBB2_4:
0x6f: {  	p1 =	seq.s32 s1, $0x3FC0  }
0x70: {  	v8 =	vor.u32 v9, v8;
	s8 =	sadd.s32 s7, s8;
	s7 =	smov.u32 s1;
	s1 =	sadd.s32 $0x40, s1  }
0x71: {  	[tilespmem:s8+$0x4000] =	vst.msk vm0, v8  }
0x72: {  	[tilespmem:v7+s26+$0x0] =	vst.idx.add.s32.msk vm0, v3  }
0x73: {  	v7 =	vld [tilespmem:s2+$0xFFFFFFF0];
	_ =	sdelay $0x4  }
0x74: {  	v8 =	vshrl.u32 v7, $0x7;
	v9 =	vand.u32 $0x7F, v7  }
0x75: {  	v8 =	vand.u32 $0x1F, v8  }
0x76: {  	s9 =	sadd.s32 $0x10, s0;
	vm0 =	veq.s32 v8, v1  }
0x77: {  	v8 =	vmov s9;
	v10 =	vmpcnt.ones.xlane vm0  }
0x78: {  	v7 =	vshra.s32 v7, $0xC;
	v8 =	vshll.u32 v8, $0x7  }
0x79: {  	v11 =	vshll.u32 v7, $0x15;
	v8 =	vor.u32 v0, v8;
	(v2sf) =	vpush v10, $0x0  }
0x7a: {  	v8 =	vor.u32 v8, v9;
	s9 =	spop (v2sf)  }
0x7b: {  	v8 =	vor.u32 v11, v8;
	s8 =	sadd.s32 s8, s9  }
0x7c: {  	[tilespmem:s8+$0x4000] =	vst.msk vm0, v8  }
0x7d: {  	[tilespmem:v7+s26+$0x0] =	vst.idx.add.s32.msk vm0, v3  }
0x7e: {  	v7 =	vld [tilespmem:s2+$0x0];
	_ =	sdelay $0x1  }
0x7f: {  	s9 =	sadd.s32 $0x20, s0  }
0x80: {  	v8 =	vmov s9  }
0x81: {  	v8 =	vshll.u32 v8, $0x7  }
0x82: {  	v8 =	vor.u32 v0, v8;
	v9 =	vshrl.u32 v7, $0x7;
	v10 =	vand.u32 $0x7F, v7  }
0x83: {  	v9 =	vand.u32 $0x1F, v9;
	v8 =	vor.u32 v8, v10  }
0x84: {  	vm0 =	veq.s32 v9, v1  }
0x85: {  	v7 =	vshra.s32 v7, $0xC;
	v9 =	vmpcnt.ones.xlane vm0  }
0x86: {  	v10 =	vshll.u32 v7, $0x15  }
0x87: {  	v8 =	vor.u32 v10, v8;
	s9 =	spop (v2sf);
	(v2sf) =	vpush v9, $0x0  }
0x88: {  	s8 =	sadd.s32 s8, s9  }
0x89: {  	[tilespmem:s8+$0x4000] =	vst.msk vm0, v8  }
0x8a: {  	[tilespmem:v7+s26+$0x0] =	vst.idx.add.s32.msk vm0, v3  }
0x8b: {  	v7 =	vld [tilespmem:s2+$0x10];
	_ =	sdelay $0x4  }
0x8c: {  	v8 =	vshrl.u32 v7, $0x7;
	v9 =	vand.u32 $0x7F, v7  }
0x8d: {  	v8 =	vand.u32 $0x1F, v8  }
0x8e: {  	s9 =	sadd.s32 $0x30, s0;
	s0 =	smov.u32 s7;
	vm0 =	veq.s32 v8, v1  }
0x8f: {  	v8 =	vmov s9;
	v10 =	vmpcnt.ones.xlane vm0  }
0x90: {  	v7 =	vshra.s32 v7, $0xC;
	v8 =	vshll.u32 v8, $0x7  }
0x91: {  	v11 =	vshll.u32 v7, $0x15;
	v8 =	vor.u32 v0, v8;
	(v2sf) =	vpush v10, $0x0  }
0x92: {  	v8 =	vor.u32 v8, v9;
	s7 =	spop (v2sf)  }
0x93: {  	v8 =	vor.u32 v11, v8;
	s7 =	sadd.s32 s8, s7  }
0x94: {  	[tilespmem:s7+$0x4000] =	vst.msk vm0, v8  }
0x95: {  	s2 =	sadd.s32 $0x40, s2;
	[tilespmem:v7+s26+$0x0] =	vst.idx.add.s32.msk vm0, v3  }
0x96: {  	v9 =	vld [tilespmem:s2+$0xFFFFFFE0];
	_ =	sdelay $0x4  }
0x97: {  	v7 =	vshrl.u32 v9, $0x7  }
.Ltmp4:
0x98: {  	v7 =	vand.u32 $0x1F, v7;
	(pc) =	sbr.rel @!p1 .LBB2_4-.Ltmp4, $4  }
0x99: {  	v8 =	vmov s0;
	vm0 =	veq.s32 v7, v1  }
0x9a: {  	v8 =	vshll.u32 v8, $0x7;
	v7 =	vshra.s32 v9, $0xC;
	v10 =	vmpcnt.ones.xlane vm0  }
0x9b: {  	v8 =	vor.u32 v0, v8;
	v11 =	vshll.u32 v7, $0x15  }
0x9c: {  	v9 =	vand.u32 $0x7F, v9;
	v8 =	vadd.s32 v8, v11;
	(v2sf) =	vpush v10, $0x0;
	s8 =	spop (v2sf)  }
.LBB2_5:
0x9d: {  	_ =	sdelay $0x1  }
0x9e: {  	s1 =	sadd.s32 @p0 s7, s8;
	s7 =	simm.s32 $0x0  }
0x9f: {  	v8 =	vor.u32 v9, v8;
	s7 =	smov.u32 @p0 s1  }
0xa0: {  	[tilespmem:s7+$0x4000] =	vst.msk vm0, v8  }
0xa1: {  	[tilespmem:v7+s26+$0x0] =	vst.idx.add.s32.msk vm0, v3  }
0xa2: {  	v7 =	vld [tilespmem:s2+$0xFFFFFFF0];
	_ =	sdelay $0x4  }
0xa3: {  	v8 =	vshrl.u32 v7, $0x7  }
0xa4: {  	v8 =	vand.u32 $0x1F, v8  }
0xa5: {  	s9 =	sadd.s32 $0x10, s0;
	vm13 =	veq.s32 v8, v1  }
0xa6: {  	v8 =	vmov s9;
	v9 =	vmpcnt.ones.xlane vm13  }
0xa7: {  	v10 =	vshra.s32 v7, $0xC;
	v8 =	vshll.u32 v8, $0x7  }
0xa8: {  	v7 =	vand.u32 $0x7F, v7;
	v8 =	vor.u32 v0, v8;
	(v2sf) =	vpush v9, $0x0  }
0xa9: {  	v9 =	vshll.u32 v10, $0x15;
	v7 =	vor.u32 v8, v7;
	s10 =	spop (v2sf)  }
0xaa: {  	s1 =	sadd.s32 s7, s10;
	v7 =	vor.u32 v9, v7  }
0xab: {  	[tilespmem:s1+$0x4000] =	vst.msk vm13, v7  }
0xac: {  	[tilespmem:v10+s26+$0x0] =	vst.idx.add.s32.msk vm13, v3  }
0xad: {  	v7 =	vld [tilespmem:s2+$0x0];
	_ =	sdelay $0x4  }
0xae: {  	v8 =	vshrl.u32 v7, $0x7  }
0xaf: {  	s11 =	sadd.s32 $0x20, s0;
	v8 =	vand.u32 $0x1F, v8  }
0xb0: {  	v9 =	vmov s11;
	vm14 =	veq.s32 v8, v1  }
0xb1: {  	v8 =	vshll.u32 v9, $0x7;
	v9 =	vshra.s32 v7, $0xC  }
0xb2: {  	v7 =	vand.u32 $0x7F, v7;
	v8 =	vor.u32 v0, v8  }
0xb3: {  	v7 =	vor.u32 v8, v7;
	v8 =	vshll.u32 v9, $0x15;
	s8 =	spop (v2sf)  }
0xb4: {  	v7 =	vor.u32 v8, v7;
	s1 =	sadd.s32 s1, s8  }
0xb5: {  	[tilespmem:s1+$0x4000] =	vst.msk vm14, v7  }
0xb6: {  	[tilespmem:v9+s26+$0x0] =	vst.idx.add.s32.msk vm14, v3;
	v9 =	vmpcnt.ones.xlane vm14;
	_ =	sdelay $0x1  }
0xb7: {  	(v2sf) =	vpush v9, $0x0;
	_ =	sdelay $0x1  }
0xb8: {  	v7 =	vld [tilespmem:s2+$0x10];
	_ =	sdelay $0x4  }
0xb9: {  	v8 =	vshrl.u32 v7, $0x7  }
0xba: {  	v8 =	vand.u32 $0x1F, v8  }
0xbb: {  	vm15 =	veq.s32 v8, v1  }
0xbc: {  	v8 =	vmpcnt.ones.xlane vm15  }
0xbd: {  	s9 =	sadd.s32 $0x30, s0  }
0xbe: {  	(v2sf) =	vpush v8, $0x0;
	v8 =	vmov s9  }
0xbf: {  	v9 =	vshra.s32 v7, $0xC;
	v8 =	vshll.u32 v8, $0x7  }
0xc0: {  	v7 =	vand.u32 $0x7F, v7;
	v8 =	vor.u32 v0, v8  }
0xc1: {  	v10 =	vshll.u32 v9, $0x15;
	v7 =	vor.u32 v8, v7;
	s10 =	spop (v2sf)  }
0xc2: {  	v7 =	vor.u32 v10, v7;
	s0 =	sadd.s32 s1, s10  }
0xc3: {  	[tilespmem:s0+$0x4000] =	vst.msk vm15, v7  }
0xc4: {  	s9 =	simm.s32 $0x0;
	[tilespmem:v9+s26+$0x0] =	vst.idx.add.s32.msk vm15, v3  }
0xc5: {  	s2 =	simm.s32 $0x10;
	v8 =	vld [tilespmem:s9+$0xC100]  }
0xc6: {  	v10 =	vld [tilespmem:s2+$0xC100];
	_ =	sdelay $0x3  }
0xc7: {  	(xrf0) =	vadd.scan.msk.s32 $0xffff, v8  }
0xc8: {  	(xrf0) =	vadd.scan.msk.s32 $0xffff, v10;
	_ =	sdelay $0x4  }
0xc9: {  	s1 =	simm.s32 $0x20;
	v9, _, _ =	vpop (xrf0)  }
0xca: {  	v7 =	vld [tilespmem:s1+$0xC100];
	(v2sf) =	vpush v9, $0xF;
	v11, _, _ =	vpop (xrf0)  }
0xcb: {  	s11 =	spop (v2sf);
	(v2sf) =	vpush v11, $0xF;
	_ =	sdelay $0x3  }
0xcc: {  	s7 =	simm.s32 $0x30;
	(xrf0) =	vadd.scan.msk.s32 $0xffff, v7  }
0xcd: {  	v9 =	vsub.s32 v9, v8;
	v8 =	vld [tilespmem:s7+$0xC100];
	_ =	sdelay $0x3  }
0xce: {  	s8 =	simm.s32 $0x0;
	s10 =	simm.s32 $0x100;
	s0 =	sadd.s32 s0, s11;
	v10 =	vsub.s32 v11, v10  }
.LBB2_6:
0xcf: {  	s11 =	sshra.s32 s10, $0x2;
	p0 =	seq.s32 s10, $0x400;
	s10 =	sadd.s32 $0x40, s10;
	(xrf0) =	vadd.scan.msk.s32 $0xffff, v8;
	v11, _, _ =	vpop (xrf0);
	v12 =	vadd.s32 s8, v9;
	v9 =	vmov v10  }
.Ltmp5:
0xd0: {  	v10 =	vsub.s32 v11, v7;
	(v2sf) =	vpush v11, $0xF;
	[tilespmem:s9+$0xC280] =	vst v12;
	v7 =	vmov v8;
	v8 =	vld [tilespmem:s11+$0xC100];
	(pc) =	sbr.rel @!p0 .LBB2_6-.Ltmp5, $4  }
0xd1: {  	[tilespmem:s9+$0xC400] =	vst v12;
	s9 =	smov.u32 s2;
	s2 =	smov.u32 s1;
	s1 =	smov.u32 s7  }
0xd2: {  	s7 =	smov.u32 s11  }
0xd3: {  	s11 =	spop (v2sf)  }
0xd4: {  	s8 =	sadd.s32 s8, s11  }
0xd5: {  	(xrf0) =	vadd.scan.msk.s32 $0xffff, v8;
	_ =	sdelay $0x1  }
0xd6: {  	v11, _, _ =	vpop (xrf0)  }
0xd7: {  	(v2sf) =	vpush v11, $0xF;
	_ =	sdelay $0x2  }
0xd8: {  	v12, _, _ =	vpop (xrf0)  }
0xd9: {  	(v2sf) =	vpush v12, $0xF;
	_ =	sdelay $0x6  }
0xda: {  	s10 =	spop (v2sf);
	v9 =	vadd.s32 s8, v9  }
0xdb: {  	s10 =	sadd.s32 s8, s10;
	[tilespmem:s9+$0xC280] =	vst v9  }
0xdc: {  	[tilespmem:s9+$0xC400] =	vst v9;
	v63 =	vadd.s32 s10, v10;
	s11 =	spop (v2sf)  }
0xdd: {  	p0 =	sgt.s32 s0, $0x0;
	v7 =	vsub.s32 v11, v7;
	[tilespmem:s2+$0xC280] =	vst v63;
	s8 =	sadd.s32 s10, s11  }
.Ltmp6:
0xde: {  	[tilespmem:s2+$0xC400] =	vst v63;
	v7 =	vadd.s32 s8, v7;
	s10 =	spop (v2sf);
	(pc) =	sbr.rel @!p0 .LBB2_11-.Ltmp6, $4  }
0xdf: {  	v8 =	vsub.s32 v12, v8;
	[tilespmem:s1+$0xC280] =	vst v7;
	s2 =	sadd.s32 s8, s10  }
0xe0: {  	[tilespmem:s1+$0xC400] =	vst v7;
	v7 =	vadd.s32 s2, v8  }
0xe1: {  	[tilespmem:s7+$0xC280] =	vst v7  }
0xe2: {  	[tilespmem:s7+$0xC400] =	vst v7;
	s11 =	spop (v2sf)  }
0xe3: {  	s1 =	simm.s32 $0x4000  }
0xe4: {  	v7 =	vld [tilespmem:s1+$0x0];
	_ =	sdelay $0x4  }
0xe5: {  	(v2sf) =	vpush v7, $0x0;
	_ =	sdelay $0xe  }
0xe6: {  	s2 =	spop (v2sf)  }
0xe7: {  	s7 =	sshra.s32 s2, $0x15  }
0xe8: {  	v8 =	vld [tilespmem:s7+$0xC400];
	_ =	sdelay $0x4  }
0xe9: {  	(v2sf) =	vpush v8, $0x0;
	_ =	sdelay $0x6  }
0xea: {  	v8 =	vbroadcast v8, $0x0;
	_ =	sdelay $0x3  }
0xeb: {  	v7 =	vbroadcast v7, $0x0  }
0xec: {  	p0 =	sgt.s32 s0, $0x1  }
.Ltmp7:
0xed: {  	[tilespmem:v8+s28+$0x0] =	vst.idx.msk $0x1, v7;
	v7 =	vmov s7;
	(pc) =	sbr.rel @!p0 .LBB2_10-.Ltmp7, $4  }
0xee: {  	_ = 	snop  }
0xef: {  	s11 =	spop (v2sf)  }
0xf0: {  	s8 =	sadd.s32 $0x1, s11  }
0xf1: {  	s2 =	simm.s32 $0x1;
	v8 =	vmov s8  }
.LBB2_9:
0xf2: {  	s2 =	sadd.s32 $0x1, s2;
	[tilespmem:v7+s29+$0x0] =	vst.idx.msk $0x1, v8;
	s1 =	sadd.s32 $0x1, s1  }
0xf3: {  	v7 =	vld [tilespmem:s1+$0x0];
	p0 =	slt.s32 s2, s0;
	_ =	sdelay $0x4  }
0xf4: {  	(v2sf) =	vpush v7, $0x0;
	_ =	sdelay $0xe  }
0xf5: {  	s7 =	spop (v2sf)  }
0xf6: {  	s7 =	sshra.s32 s7, $0x15  }
0xf7: {  	v8 =	vld [tilespmem:s7+$0xC400];
	_ =	sdelay $0x4  }
0xf8: {  	v9 =	vbroadcast v8, $0x0;
	(v2sf) =	vpush v8, $0x0;
	_ =	sdelay $0x3  }
0xf9: {  	v7 =	vbroadcast v7, $0x0;
	_ =	sdelay $0x1  }
0xfa: {  	[tilespmem:v9+s28+$0x0] =	vst.idx.msk $0x1, v7;
	_ =	sdelay $0x6  }
.Ltmp8:
0xfb: {  	v7 =	vmov s7;
	(pc) =	sbr.rel @p0 .LBB2_9-.Ltmp8, $4  }
0xfc: {  	_ = 	snop  }
0xfd: {  	s7 =	spop (v2sf)  }
0xfe: {  	s7 =	sadd.s32 $0x1, s7  }
0xff: {  	v8 =	vmov s7  }
.LBB2_10:
0x100: {  	_ =	sdelay $0x3  }
0x101: {  	[tilespmem:v7+s29+$0x0] =	vst.idx.msk $0x1, v8  }
.LBB2_11:
.Ltmp9:
0x102: {  	(pc) =	sbr.rel .LBB2_12-.Ltmp9, $2  }
0x103: {  	_ =	sdelay $0x2  }
0x104: {  	s0 =	simm.s32 $0x0  }
.LBB2_43:
0x105: {  	[tilespmem:$0x1E580] =	vst v7  }
.LBB2_44:
0x106: {  	v7 =	vld [tilespmem:s2+$0xC10F];
	_ =	sdelay $0x4  }
0x107: {  	(v2sf) =	vpush v7, $0x0;
	_ =	sdelay $0xd  }
0x108: {  	s1 =	sadd.s32 $0xF, s2  }
0x109: {  	p0 =	sgt.u32 s1, s5;
	s2 =	spop (v2sf)  }
0x10a: {  	p1 =	slt.s32 @!p0 s2, $0x1  }
0x10b: {  	p0 =	por p1, p0  }
0x10c: {  	s0 =	sadd.s32 $0x1, s0;
	s1 =	sshll.u32 @!p0 s1, $0xC;
	s2 =	simm.s32 @!p0 $0x400  }
0x10d: {  	s7 =	simm.s32 @!p0 $0x7A1400;
	s8 =	simm.s32 @!p0 $0x1A580;
	s1 =	sadd.s32 @!p0 s1, s6  }
0x10e: {  	[tilespmem:s8], [sflag:$0x8] =	stream.strided.gather @!p0 [hbm4b:s1+s2], $0x2000, s7, s2, $0x38;
	[tilespmem:$0x1E600] =	vst v63  }
0x10f: {  	p0 =	sne.s32 s0, $0x1F  }
.Ltmp10:
0x110: {  	_ = 	snop;
	(pc) =	sbr.rel @!p0 .LBB2_45-.Ltmp10, $1  }
0x111: {  	_ =	sdelay $0x3  }
.LBB2_12:
0x112: {  	s2 =	sshll.u32 s0, $0x3  }
0x113: {  	v7 =	vld [tilespmem:s2+$0xC100];
	_ =	sdelay $0x4  }
0x114: {  	(v2sf) =	vpush v7, $0x0;
	_ =	sdelay $0xe  }
0x115: {  	p0 =	seq.s32 s0, $0x0;
	s7 =	spop (v2sf)  }
0x116: {  	p1 =	slt.s32 @!p0 s7, $0x1  }
0x117: {  	p1 =	por p0, !p1  }
0x118: {  	p2 =	slt.s32 @p1 s7, $0x1  }
0x119: {  	p2 =	por !p1, p2  }
.Ltmp11:
0x11a: {  	_ = 	snop;
	(pc) =	sbr.rel @p2 .LBB2_16-.Ltmp11, $4  }
0x11b: {  	s1 =	simm.s32 @p1 $0x1  }
0x11c: {  	_ =	swait.ge @p1 [sflag:s1], $0x2000  }
0x11d: {  	[sflag:s1] =	ssyncset.done @p1 $0x0  }
0x11e: {  	[sflag:s1] =	ssyncadd.s32 @p1 $0xFFFFE000  }
0x11f: {  	v7 =	vld [tilespmem:s2+$0xC280];
	_ =	sdelay $0x4  }
0x120: {  	(v2sf) =	vpush v7, $0x0;
	_ =	sdelay $0xe  }
0x121: {  	s1 =	spop (v2sf)  }
0x122: {  	s1 =	sadd.s32 $0x8080, s1  }
0x123: {  	v7 =	vld [tilespmem:s1+$0x0];
	_ =	sdelay $0x1  }
0x124: {  	v8 =	vld [tilespmem:$0x1E580];
	_ =	sdelay $0x2  }
0x125: {  	(v2sf) =	vpush v7, $0x0;
	_ =	sdelay $0x1  }
0x126: {  	(v2sf) =	vpush v8, $0x0;
	_ =	sdelay $0xc  }
0x127: {  	s8 =	spop (v2sf)  }
0x128: {  	s9 =	sand.u32 $0x7F, s8  }
0x129: {  	s10 =	spop (v2sf);
	v7 =	vmov s9  }
0x12a: {  	p1 =	slt.s32 s10, $0x40;
	v8 =	vor.u32 v0, v7  }
0x12b: {  	s9 =	simm.s32 @!p1 $0x9  }
0x12c: {  	_ =	swait.ge @!p1 [sflag:s9], $0x40  }
0x12d: {  	[sflag:s9] =	ssyncset.done @!p1 $0x0  }
0x12e: {  	[sflag:s9] =	ssyncadd.s32 @!p1 $0xFFFFFFC0  }
0x12f: {  	v8 =	vld.idx.msk [tilespmem:v8+s18+$0x0], $0xffff  }
0x130: {  	v9 =	vor.u32 v4, v7;
	_ =	sdelay $0x1  }
0x131: {  	s11 =	sshll.u32 s10, $0x7  }
0x132: {  	s9 =	sand.u32 $0x1F80, s11  }
0x133: {  	[tilespmem:s9+$0x1C580] =	vst v8  }
0x134: {  	v8 =	vld.idx.msk [tilespmem:v9+s18+$0x0], $0xffff  }
0x135: {  	v63 =	vor.u32 v5, v7;
	_ =	sdelay $0x3  }
0x136: {  	[tilespmem:s9+$0x1C590] =	vst v8  }
0x137: {  	v8 =	vld.idx.msk [tilespmem:v63+s18+$0x0], $0xffff  }
0x138: {  	v7 =	vor.u32 v6, v7;
	_ =	sdelay $0x3  }
0x139: {  	[tilespmem:s9+$0x1C5A0] =	vst v8  }
0x13a: {  	v7 =	vld.idx.msk [tilespmem:v7+s18+$0x0], $0xffff;
	_ =	sdelay $0x1  }
0x13b: {  	s7 =	sadd.s32 $0xFFFFFFFF, s7  }
0x13c: {  	s8 =	sshrl.u32 s8, $0x4;
	p1 =	sne.s32 s7, $0x0  }
.Ltmp12:
0x13d: {  	s8 =	sand.u32 $0x1FFF8, s8;
	(pc) =	sbr.rel @!p1 .LBB2_15-.Ltmp12, $4  }
0x13e: {  	s8 =	sadd.s32 s3, s8;
	s11 =	sadd.s32 $0x1C580, s9;
	[tilespmem:s9+$0x1C5B0] =	vst v7  }
0x13f: {  	[hbm4b:s8+s4] =	stream.linear.scatter [tilespmem:s11], [sflag:$0x9], $0x40, $0x38;
	[tilespmem:$0x1E600] =	vst v63  }
0x140: {  	s11 =	sadd.s32 $0x1, s10  }
0x141: {  	v7 =	vmov s11  }
.LBB2_14:
0x142: {  	s7 =	sadd.s32 $0xFFFFFFFF, s7;
	[tilespmem:$0x1E580] =	vst v7;
	s1 =	sadd.s32 $0x1, s1  }
0x143: {  	v7 =	vld [tilespmem:s1+$0x0];
	p1 =	sne.s32 s7, $0x0  }
0x144: {  	v8 =	vld [tilespmem:$0x1E580];
	_ =	sdelay $0x3  }
0x145: {  	(v2sf) =	vpush v7, $0x0  }
0x146: {  	(v2sf) =	vpush v8, $0x0;
	_ =	sdelay $0xd  }
0x147: {  	s8 =	spop (v2sf)  }
0x148: {  	s9 =	sand.u32 $0x7F, s8;
	s8 =	sshrl.u32 s8, $0x4;
	s10 =	spop (v2sf)  }
0x149: {  	v7 =	vmov s9;
	p2 =	slt.s32 s10, $0x40;
	s9 =	sshll.u32 s10, $0x7;
	s8 =	sand.u32 $0x1FFF8, s8  }
0x14a: {  	s10 =	sadd.s32 $0x1, s10;
	s11 =	simm.s32 @!p2 $0x9;
	v8 =	vor.u32 v0, v7;
	_ =	sdelay $0x1  }
0x14b: {  	_ =	swait.ge @!p2 [sflag:s11], $0x40  }
0x14c: {  	[sflag:s11] =	ssyncset.done @!p2 $0x0  }
0x14d: {  	[sflag:s11] =	ssyncadd.s32 @!p2 $0xFFFFFFC0  }
0x14e: {  	v8 =	vld.idx.msk [tilespmem:v8+s18+$0x0], $0xffff;
	_ =	sdelay $0x1  }
0x14f: {  	v9 =	vor.u32 v4, v7;
	_ =	sdelay $0x2  }
0x150: {  	s9 =	sand.u32 $0x1F80, s9  }
0x151: {  	[tilespmem:s9+$0x1C580] =	vst v8  }
0x152: {  	v8 =	vld.idx.msk [tilespmem:v9+s18+$0x0], $0xffff;
	_ =	sdelay $0x1  }
0x153: {  	v9 =	vor.u32 v5, v7;
	_ =	sdelay $0x3  }
0x154: {  	[tilespmem:s9+$0x1C590] =	vst v8  }
0x155: {  	v8 =	vld.idx.msk [tilespmem:v9+s18+$0x0], $0xffff;
	_ =	sdelay $0x1  }
0x156: {  	v7 =	vor.u32 v6, v7;
	_ =	sdelay $0x3  }
0x157: {  	[tilespmem:s9+$0x1C5A0] =	vst v8  }
0x158: {  	v7 =	vld.idx.msk [tilespmem:v7+s18+$0x0], $0xffff;
	_ =	sdelay $0x2  }
.Ltmp13:
0x159: {  	(pc) =	sbr.rel @p1 .LBB2_14-.Ltmp13, $3  }
0x15a: {  	_ =	sdelay $0x1  }
0x15b: {  	s8 =	sadd.s32 s3, s8;
	s11 =	sadd.s32 $0x1C580, s9;
	[tilespmem:s9+$0x1C5B0] =	vst v7  }
0x15c: {  	v7 =	vmov s10;
	[hbm4b:s8+s4] =	stream.linear.scatter [tilespmem:s11], [sflag:$0x9], $0x40, $0x38;
	[tilespmem:$0x1E600] =	vst v63  }
.LBB2_15:
0x15d: {  	[tilespmem:$0x1E580] =	vst v7  }
.LBB2_16:
0x15e: {  	v7 =	vld [tilespmem:s2+$0xC108];
	_ =	sdelay $0x4  }
0x15f: {  	(v2sf) =	vpush v7, $0x0;
	_ =	sdelay $0xd  }
0x160: {  	s1 =	sadd.s32 $0x8, s2  }
0x161: {  	p1 =	sgt.u32 s1, s5;
	s7 =	spop (v2sf)  }
0x162: {  	p2 =	slt.s32 @!p1 s7, $0x1  }
0x163: {  	p1 =	por p2, p1  }
0x164: {  	s1 =	sshll.u32 @!p1 s1, $0xC;
	s7 =	simm.s32 @!p1 $0x400  }
0x165: {  	s8 =	simm.s32 @!p1 $0x7A1400;
	s9 =	simm.s32 @!p1 $0xC580;
	s1 =	sadd.s32 @!p1 s1, s6  }
0x166: {  	[tilespmem:s9], [sflag:$0x1] =	stream.strided.gather @!p1 [hbm4b:s1+s7], $0x2000, s8, s7, $0x38;
	[tilespmem:$0x1E600] =	vst v63  }
0x167: {  	v7 =	vld [tilespmem:s2+$0xC101];
	_ =	sdelay $0x4  }
0x168: {  	(v2sf) =	vpush v7, $0x0;
	_ =	sdelay $0xe  }
0x169: {  	s7 =	spop (v2sf)  }
0x16a: {  	p1 =	slt.s32 @!p0 s7, $0x1  }
0x16b: {  	p1 =	por p0, !p1  }
0x16c: {  	p2 =	slt.s32 @p1 s7, $0x1  }
0x16d: {  	p2 =	por !p1, p2  }
.Ltmp14:
0x16e: {  	_ = 	snop;
	(pc) =	sbr.rel @p2 .LBB2_20-.Ltmp14, $4  }
0x16f: {  	s1 =	simm.s32 @p1 $0x2  }
0x170: {  	_ =	swait.ge @p1 [sflag:s1], $0x2000  }
0x171: {  	[sflag:s1] =	ssyncset.done @p1 $0x0  }
0x172: {  	[sflag:s1] =	ssyncadd.s32 @p1 $0xFFFFE000  }
0x173: {  	s1 =	sor.u32 $0x1, s2  }
0x174: {  	v7 =	vld [tilespmem:s1+$0xC280];
	_ =	sdelay $0x4  }
0x175: {  	(v2sf) =	vpush v7, $0x0;
	_ =	sdelay $0xe  }
0x176: {  	s10 =	spop (v2sf)  }
0x177: {  	s1 =	sadd.s32 $0x8080, s10  }
0x178: {  	v7 =	vld [tilespmem:s1+$0x0];
	_ =	sdelay $0x1  }
0x179: {  	v8 =	vld [tilespmem:$0x1E580];
	_ =	sdelay $0x2  }
0x17a: {  	(v2sf) =	vpush v7, $0x0;
	_ =	sdelay $0x1  }
0x17b: {  	(v2sf) =	vpush v8, $0x0;
	_ =	sdelay $0xc  }
0x17c: {  	s8 =	spop (v2sf)  }
0x17d: {  	s9 =	sand.u32 $0x7F, s8  }
0x17e: {  	s10 =	spop (v2sf);
	v7 =	vmov s9  }
0x17f: {  	p1 =	slt.s32 s10, $0x40;
	v8 =	vor.u32 v0, v7  }
0x180: {  	s9 =	simm.s32 @!p1 $0x9  }
0x181: {  	_ =	swait.ge @!p1 [sflag:s9], $0x40  }
0x182: {  	[sflag:s9] =	ssyncset.done @!p1 $0x0  }
0x183: {  	[sflag:s9] =	ssyncadd.s32 @!p1 $0xFFFFFFC0  }
0x184: {  	v8 =	vld.idx.msk [tilespmem:v8+s19+$0x0], $0xffff  }
0x185: {  	v9 =	vor.u32 v4, v7;
	_ =	sdelay $0x1  }
0x186: {  	s11 =	sshll.u32 s10, $0x7  }
0x187: {  	s9 =	sand.u32 $0x1F80, s11  }
0x188: {  	[tilespmem:s9+$0x1C580] =	vst v8  }
0x189: {  	v8 =	vld.idx.msk [tilespmem:v9+s19+$0x0], $0xffff  }
0x18a: {  	v63 =	vor.u32 v5, v7;
	_ =	sdelay $0x3  }
0x18b: {  	[tilespmem:s9+$0x1C590] =	vst v8  }
0x18c: {  	v8 =	vld.idx.msk [tilespmem:v63+s19+$0x0], $0xffff  }
0x18d: {  	v7 =	vor.u32 v6, v7;
	_ =	sdelay $0x3  }
0x18e: {  	[tilespmem:s9+$0x1C5A0] =	vst v8  }
0x18f: {  	v7 =	vld.idx.msk [tilespmem:v7+s19+$0x0], $0xffff;
	_ =	sdelay $0x1  }
0x190: {  	s7 =	sadd.s32 $0xFFFFFFFF, s7  }
0x191: {  	s8 =	sshrl.u32 s8, $0x4;
	p1 =	sne.s32 s7, $0x0  }
.Ltmp15:
0x192: {  	s8 =	sand.u32 $0x1FFF8, s8;
	(pc) =	sbr.rel @!p1 .LBB2_19-.Ltmp15, $4  }
0x193: {  	s8 =	sadd.s32 s3, s8;
	s11 =	sadd.s32 $0x1C580, s9;
	[tilespmem:s9+$0x1C5B0] =	vst v7  }
0x194: {  	[hbm4b:s8+s4] =	stream.linear.scatter [tilespmem:s11], [sflag:$0x9], $0x40, $0x38;
	[tilespmem:$0x1E600] =	vst v63  }
0x195: {  	s11 =	sadd.s32 $0x1, s10  }
0x196: {  	v7 =	vmov s11  }
.LBB2_18:
0x197: {  	s7 =	sadd.s32 $0xFFFFFFFF, s7;
	[tilespmem:$0x1E580] =	vst v7;
	s1 =	sadd.s32 $0x1, s1  }
0x198: {  	v7 =	vld [tilespmem:s1+$0x0];
	p1 =	sne.s32 s7, $0x0  }
0x199: {  	v8 =	vld [tilespmem:$0x1E580];
	_ =	sdelay $0x3  }
0x19a: {  	(v2sf) =	vpush v7, $0x0  }
0x19b: {  	(v2sf) =	vpush v8, $0x0;
	_ =	sdelay $0xd  }
0x19c: {  	s8 =	spop (v2sf)  }
0x19d: {  	s9 =	sand.u32 $0x7F, s8;
	s8 =	sshrl.u32 s8, $0x4;
	s10 =	spop (v2sf)  }
0x19e: {  	v7 =	vmov s9;
	p2 =	slt.s32 s10, $0x40;
	s9 =	sshll.u32 s10, $0x7;
	s8 =	sand.u32 $0x1FFF8, s8  }
0x19f: {  	s10 =	sadd.s32 $0x1, s10;
	s11 =	simm.s32 @!p2 $0x9;
	v8 =	vor.u32 v0, v7;
	_ =	sdelay $0x1  }
0x1a0: {  	_ =	swait.ge @!p2 [sflag:s11], $0x40  }
0x1a1: {  	[sflag:s11] =	ssyncset.done @!p2 $0x0  }
0x1a2: {  	[sflag:s11] =	ssyncadd.s32 @!p2 $0xFFFFFFC0  }
0x1a3: {  	v8 =	vld.idx.msk [tilespmem:v8+s19+$0x0], $0xffff;
	_ =	sdelay $0x1  }
0x1a4: {  	v9 =	vor.u32 v4, v7;
	_ =	sdelay $0x2  }
0x1a5: {  	s9 =	sand.u32 $0x1F80, s9  }
0x1a6: {  	[tilespmem:s9+$0x1C580] =	vst v8  }
0x1a7: {  	v8 =	vld.idx.msk [tilespmem:v9+s19+$0x0], $0xffff;
	_ =	sdelay $0x1  }
0x1a8: {  	v9 =	vor.u32 v5, v7;
	_ =	sdelay $0x3  }
0x1a9: {  	[tilespmem:s9+$0x1C590] =	vst v8  }
0x1aa: {  	v8 =	vld.idx.msk [tilespmem:v9+s19+$0x0], $0xffff;
	_ =	sdelay $0x1  }
0x1ab: {  	v7 =	vor.u32 v6, v7;
	_ =	sdelay $0x3  }
0x1ac: {  	[tilespmem:s9+$0x1C5A0] =	vst v8  }
0x1ad: {  	v7 =	vld.idx.msk [tilespmem:v7+s19+$0x0], $0xffff;
	_ =	sdelay $0x2  }
.Ltmp16:
0x1ae: {  	(pc) =	sbr.rel @p1 .LBB2_18-.Ltmp16, $3  }
0x1af: {  	_ =	sdelay $0x1  }
0x1b0: {  	s8 =	sadd.s32 s3, s8;
	s11 =	sadd.s32 $0x1C580, s9;
	[tilespmem:s9+$0x1C5B0] =	vst v7  }
0x1b1: {  	v7 =	vmov s10;
	[hbm4b:s8+s4] =	stream.linear.scatter [tilespmem:s11], [sflag:$0x9], $0x40, $0x38;
	[tilespmem:$0x1E600] =	vst v63  }
.LBB2_19:
0x1b2: {  	[tilespmem:$0x1E580] =	vst v7  }
.LBB2_20:
0x1b3: {  	v7 =	vld [tilespmem:s2+$0xC109];
	_ =	sdelay $0x4  }
0x1b4: {  	(v2sf) =	vpush v7, $0x0;
	_ =	sdelay $0xd  }
0x1b5: {  	s1 =	sadd.s32 $0x9, s2  }
0x1b6: {  	p1 =	sgt.u32 s1, s5;
	s7 =	spop (v2sf)  }
0x1b7: {  	p2 =	slt.s32 @!p1 s7, $0x1  }
0x1b8: {  	p1 =	por p2, p1  }
0x1b9: {  	s1 =	sshll.u32 @!p1 s1, $0xC;
	s7 =	simm.s32 @!p1 $0x400  }
0x1ba: {  	s8 =	simm.s32 @!p1 $0x7A1400;
	s9 =	simm.s32 @!p1 $0xE580;
	s1 =	sadd.s32 @!p1 s1, s6  }
0x1bb: {  	[tilespmem:s9], [sflag:$0x2] =	stream.strided.gather @!p1 [hbm4b:s1+s7], $0x2000, s8, s7, $0x38;
	[tilespmem:$0x1E600] =	vst v63  }
0x1bc: {  	v7 =	vld [tilespmem:s2+$0xC102];
	_ =	sdelay $0x4  }
0x1bd: {  	(v2sf) =	vpush v7, $0x0;
	_ =	sdelay $0xe  }
0x1be: {  	s7 =	spop (v2sf)  }
0x1bf: {  	p1 =	slt.s32 @!p0 s7, $0x1  }
0x1c0: {  	p1 =	por p0, !p1  }
0x1c1: {  	p2 =	slt.s32 @p1 s7, $0x1  }
0x1c2: {  	p2 =	por !p1, p2  }
.Ltmp17:
0x1c3: {  	_ = 	snop;
	(pc) =	sbr.rel @p2 .LBB2_24-.Ltmp17, $4  }
0x1c4: {  	s1 =	simm.s32 @p1 $0x3  }
0x1c5: {  	_ =	swait.ge @p1 [sflag:s1], $0x2000  }
0x1c6: {  	[sflag:s1] =	ssyncset.done @p1 $0x0  }
0x1c7: {  	[sflag:s1] =	ssyncadd.s32 @p1 $0xFFFFE000  }
0x1c8: {  	s1 =	sor.u32 $0x2, s2  }
0x1c9: {  	v7 =	vld [tilespmem:s1+$0xC280];
	_ =	sdelay $0x4  }
0x1ca: {  	(v2sf) =	vpush v7, $0x0;
	_ =	sdelay $0xe  }
0x1cb: {  	s10 =	spop (v2sf)  }
0x1cc: {  	s1 =	sadd.s32 $0x8080, s10  }
0x1cd: {  	v7 =	vld [tilespmem:s1+$0x0];
	_ =	sdelay $0x1  }
0x1ce: {  	v8 =	vld [tilespmem:$0x1E580];
	_ =	sdelay $0x2  }
0x1cf: {  	(v2sf) =	vpush v7, $0x0;
	_ =	sdelay $0x1  }
0x1d0: {  	(v2sf) =	vpush v8, $0x0;
	_ =	sdelay $0xc  }
0x1d1: {  	s8 =	spop (v2sf)  }
0x1d2: {  	s9 =	sand.u32 $0x7F, s8  }
0x1d3: {  	s10 =	spop (v2sf);
	v7 =	vmov s9  }
0x1d4: {  	p1 =	slt.s32 s10, $0x40;
	v8 =	vor.u32 v0, v7  }
0x1d5: {  	s9 =	simm.s32 @!p1 $0x9  }
0x1d6: {  	_ =	swait.ge @!p1 [sflag:s9], $0x40  }
0x1d7: {  	[sflag:s9] =	ssyncset.done @!p1 $0x0  }
0x1d8: {  	[sflag:s9] =	ssyncadd.s32 @!p1 $0xFFFFFFC0  }
0x1d9: {  	v8 =	vld.idx.msk [tilespmem:v8+s20+$0x0], $0xffff  }
0x1da: {  	v9 =	vor.u32 v4, v7;
	_ =	sdelay $0x1  }
0x1db: {  	s11 =	sshll.u32 s10, $0x7  }
0x1dc: {  	s9 =	sand.u32 $0x1F80, s11  }
0x1dd: {  	[tilespmem:s9+$0x1C580] =	vst v8  }
0x1de: {  	v8 =	vld.idx.msk [tilespmem:v9+s20+$0x0], $0xffff  }
0x1df: {  	v63 =	vor.u32 v5, v7;
	_ =	sdelay $0x3  }
0x1e0: {  	[tilespmem:s9+$0x1C590] =	vst v8  }
0x1e1: {  	v8 =	vld.idx.msk [tilespmem:v63+s20+$0x0], $0xffff  }
0x1e2: {  	v7 =	vor.u32 v6, v7;
	_ =	sdelay $0x3  }
0x1e3: {  	[tilespmem:s9+$0x1C5A0] =	vst v8  }
0x1e4: {  	v7 =	vld.idx.msk [tilespmem:v7+s20+$0x0], $0xffff;
	_ =	sdelay $0x1  }
0x1e5: {  	s7 =	sadd.s32 $0xFFFFFFFF, s7  }
0x1e6: {  	s8 =	sshrl.u32 s8, $0x4;
	p1 =	sne.s32 s7, $0x0  }
.Ltmp18:
0x1e7: {  	s8 =	sand.u32 $0x1FFF8, s8;
	(pc) =	sbr.rel @!p1 .LBB2_23-.Ltmp18, $4  }
0x1e8: {  	s8 =	sadd.s32 s3, s8;
	s11 =	sadd.s32 $0x1C580, s9;
	[tilespmem:s9+$0x1C5B0] =	vst v7  }
0x1e9: {  	[hbm4b:s8+s4] =	stream.linear.scatter [tilespmem:s11], [sflag:$0x9], $0x40, $0x38;
	[tilespmem:$0x1E600] =	vst v63  }
0x1ea: {  	s11 =	sadd.s32 $0x1, s10  }
0x1eb: {  	v7 =	vmov s11  }
.LBB2_22:
0x1ec: {  	s7 =	sadd.s32 $0xFFFFFFFF, s7;
	[tilespmem:$0x1E580] =	vst v7;
	s1 =	sadd.s32 $0x1, s1  }
0x1ed: {  	v7 =	vld [tilespmem:s1+$0x0];
	p1 =	sne.s32 s7, $0x0  }
0x1ee: {  	v8 =	vld [tilespmem:$0x1E580];
	_ =	sdelay $0x3  }
0x1ef: {  	(v2sf) =	vpush v7, $0x0  }
0x1f0: {  	(v2sf) =	vpush v8, $0x0;
	_ =	sdelay $0xd  }
0x1f1: {  	s8 =	spop (v2sf)  }
0x1f2: {  	s9 =	sand.u32 $0x7F, s8;
	s8 =	sshrl.u32 s8, $0x4;
	s10 =	spop (v2sf)  }
0x1f3: {  	v7 =	vmov s9;
	p2 =	slt.s32 s10, $0x40;
	s9 =	sshll.u32 s10, $0x7;
	s8 =	sand.u32 $0x1FFF8, s8  }
0x1f4: {  	s10 =	sadd.s32 $0x1, s10;
	s11 =	simm.s32 @!p2 $0x9;
	v8 =	vor.u32 v0, v7;
	_ =	sdelay $0x1  }
0x1f5: {  	_ =	swait.ge @!p2 [sflag:s11], $0x40  }
0x1f6: {  	[sflag:s11] =	ssyncset.done @!p2 $0x0  }
0x1f7: {  	[sflag:s11] =	ssyncadd.s32 @!p2 $0xFFFFFFC0  }
0x1f8: {  	v8 =	vld.idx.msk [tilespmem:v8+s20+$0x0], $0xffff;
	_ =	sdelay $0x1  }
0x1f9: {  	v9 =	vor.u32 v4, v7;
	_ =	sdelay $0x2  }
0x1fa: {  	s9 =	sand.u32 $0x1F80, s9  }
0x1fb: {  	[tilespmem:s9+$0x1C580] =	vst v8  }
0x1fc: {  	v8 =	vld.idx.msk [tilespmem:v9+s20+$0x0], $0xffff;
	_ =	sdelay $0x1  }
0x1fd: {  	v9 =	vor.u32 v5, v7;
	_ =	sdelay $0x3  }
0x1fe: {  	[tilespmem:s9+$0x1C590] =	vst v8  }
0x1ff: {  	v8 =	vld.idx.msk [tilespmem:v9+s20+$0x0], $0xffff;
	_ =	sdelay $0x1  }
0x200: {  	v7 =	vor.u32 v6, v7;
	_ =	sdelay $0x3  }
0x201: {  	[tilespmem:s9+$0x1C5A0] =	vst v8  }
0x202: {  	v7 =	vld.idx.msk [tilespmem:v7+s20+$0x0], $0xffff;
	_ =	sdelay $0x2  }
.Ltmp19:
0x203: {  	(pc) =	sbr.rel @p1 .LBB2_22-.Ltmp19, $3  }
0x204: {  	_ =	sdelay $0x1  }
0x205: {  	s8 =	sadd.s32 s3, s8;
	s11 =	sadd.s32 $0x1C580, s9;
	[tilespmem:s9+$0x1C5B0] =	vst v7  }
0x206: {  	v7 =	vmov s10;
	[hbm4b:s8+s4] =	stream.linear.scatter [tilespmem:s11], [sflag:$0x9], $0x40, $0x38;
	[tilespmem:$0x1E600] =	vst v63  }
.LBB2_23:
0x207: {  	[tilespmem:$0x1E580] =	vst v7  }
.LBB2_24:
0x208: {  	v7 =	vld [tilespmem:s2+$0xC10A];
	_ =	sdelay $0x4  }
0x209: {  	(v2sf) =	vpush v7, $0x0;
	_ =	sdelay $0xd  }
0x20a: {  	s1 =	sadd.s32 $0xA, s2  }
0x20b: {  	p1 =	sgt.u32 s1, s5;
	s7 =	spop (v2sf)  }
0x20c: {  	p2 =	slt.s32 @!p1 s7, $0x1  }
0x20d: {  	p1 =	por p2, p1  }
0x20e: {  	s1 =	sshll.u32 @!p1 s1, $0xC;
	s7 =	simm.s32 @!p1 $0x400  }
0x20f: {  	s8 =	simm.s32 @!p1 $0x7A1400;
	s9 =	simm.s32 @!p1 $0x10580;
	s1 =	sadd.s32 @!p1 s1, s6  }
0x210: {  	[tilespmem:s9], [sflag:$0x3] =	stream.strided.gather @!p1 [hbm4b:s1+s7], $0x2000, s8, s7, $0x38;
	[tilespmem:$0x1E600] =	vst v63  }
0x211: {  	v7 =	vld [tilespmem:s2+$0xC103];
	_ =	sdelay $0x4  }
0x212: {  	(v2sf) =	vpush v7, $0x0;
	_ =	sdelay $0xe  }
0x213: {  	s7 =	spop (v2sf)  }
0x214: {  	p1 =	slt.s32 @!p0 s7, $0x1  }
0x215: {  	p1 =	por p0, !p1  }
0x216: {  	p2 =	slt.s32 @p1 s7, $0x1  }
0x217: {  	p2 =	por !p1, p2  }
.Ltmp20:
0x218: {  	_ = 	snop;
	(pc) =	sbr.rel @p2 .LBB2_28-.Ltmp20, $4  }
0x219: {  	s1 =	simm.s32 @p1 $0x4  }
0x21a: {  	_ =	swait.ge @p1 [sflag:s1], $0x2000  }
0x21b: {  	[sflag:s1] =	ssyncset.done @p1 $0x0  }
0x21c: {  	[sflag:s1] =	ssyncadd.s32 @p1 $0xFFFFE000  }
0x21d: {  	s1 =	sor.u32 $0x3, s2  }
0x21e: {  	v7 =	vld [tilespmem:s1+$0xC280];
	_ =	sdelay $0x4  }
0x21f: {  	(v2sf) =	vpush v7, $0x0;
	_ =	sdelay $0xe  }
0x220: {  	s10 =	spop (v2sf)  }
0x221: {  	s1 =	sadd.s32 $0x8080, s10  }
0x222: {  	v7 =	vld [tilespmem:s1+$0x0];
	_ =	sdelay $0x1  }
0x223: {  	v8 =	vld [tilespmem:$0x1E580];
	_ =	sdelay $0x2  }
0x224: {  	(v2sf) =	vpush v7, $0x0;
	_ =	sdelay $0x1  }
0x225: {  	(v2sf) =	vpush v8, $0x0;
	_ =	sdelay $0xc  }
0x226: {  	s8 =	spop (v2sf)  }
0x227: {  	s9 =	sand.u32 $0x7F, s8  }
0x228: {  	s10 =	spop (v2sf);
	v7 =	vmov s9  }
0x229: {  	p1 =	slt.s32 s10, $0x40;
	v8 =	vor.u32 v0, v7  }
0x22a: {  	s9 =	simm.s32 @!p1 $0x9  }
0x22b: {  	_ =	swait.ge @!p1 [sflag:s9], $0x40  }
0x22c: {  	[sflag:s9] =	ssyncset.done @!p1 $0x0  }
0x22d: {  	[sflag:s9] =	ssyncadd.s32 @!p1 $0xFFFFFFC0  }
0x22e: {  	v8 =	vld.idx.msk [tilespmem:v8+s21+$0x0], $0xffff  }
0x22f: {  	v9 =	vor.u32 v4, v7;
	_ =	sdelay $0x1  }
0x230: {  	s11 =	sshll.u32 s10, $0x7  }
0x231: {  	s9 =	sand.u32 $0x1F80, s11  }
0x232: {  	[tilespmem:s9+$0x1C580] =	vst v8  }
0x233: {  	v8 =	vld.idx.msk [tilespmem:v9+s21+$0x0], $0xffff  }
0x234: {  	v63 =	vor.u32 v5, v7;
	_ =	sdelay $0x3  }
0x235: {  	[tilespmem:s9+$0x1C590] =	vst v8  }
0x236: {  	v8 =	vld.idx.msk [tilespmem:v63+s21+$0x0], $0xffff  }
0x237: {  	v7 =	vor.u32 v6, v7;
	_ =	sdelay $0x3  }
0x238: {  	[tilespmem:s9+$0x1C5A0] =	vst v8  }
0x239: {  	v7 =	vld.idx.msk [tilespmem:v7+s21+$0x0], $0xffff;
	_ =	sdelay $0x1  }
0x23a: {  	s7 =	sadd.s32 $0xFFFFFFFF, s7  }
0x23b: {  	s8 =	sshrl.u32 s8, $0x4;
	p1 =	sne.s32 s7, $0x0  }
.Ltmp21:
0x23c: {  	s8 =	sand.u32 $0x1FFF8, s8;
	(pc) =	sbr.rel @!p1 .LBB2_27-.Ltmp21, $4  }
0x23d: {  	s8 =	sadd.s32 s3, s8;
	s11 =	sadd.s32 $0x1C580, s9;
	[tilespmem:s9+$0x1C5B0] =	vst v7  }
0x23e: {  	[hbm4b:s8+s4] =	stream.linear.scatter [tilespmem:s11], [sflag:$0x9], $0x40, $0x38;
	[tilespmem:$0x1E600] =	vst v63  }
0x23f: {  	s11 =	sadd.s32 $0x1, s10  }
0x240: {  	v7 =	vmov s11  }
.LBB2_26:
0x241: {  	s7 =	sadd.s32 $0xFFFFFFFF, s7;
	[tilespmem:$0x1E580] =	vst v7;
	s1 =	sadd.s32 $0x1, s1  }
0x242: {  	v7 =	vld [tilespmem:s1+$0x0];
	p1 =	sne.s32 s7, $0x0  }
0x243: {  	v8 =	vld [tilespmem:$0x1E580];
	_ =	sdelay $0x3  }
0x244: {  	(v2sf) =	vpush v7, $0x0  }
0x245: {  	(v2sf) =	vpush v8, $0x0;
	_ =	sdelay $0xd  }
0x246: {  	s8 =	spop (v2sf)  }
0x247: {  	s9 =	sand.u32 $0x7F, s8;
	s8 =	sshrl.u32 s8, $0x4;
	s10 =	spop (v2sf)  }
0x248: {  	v7 =	vmov s9;
	p2 =	slt.s32 s10, $0x40;
	s9 =	sshll.u32 s10, $0x7;
	s8 =	sand.u32 $0x1FFF8, s8  }
0x249: {  	s10 =	sadd.s32 $0x1, s10;
	s11 =	simm.s32 @!p2 $0x9;
	v8 =	vor.u32 v0, v7;
	_ =	sdelay $0x1  }
0x24a: {  	_ =	swait.ge @!p2 [sflag:s11], $0x40  }
0x24b: {  	[sflag:s11] =	ssyncset.done @!p2 $0x0  }
0x24c: {  	[sflag:s11] =	ssyncadd.s32 @!p2 $0xFFFFFFC0  }
0x24d: {  	v8 =	vld.idx.msk [tilespmem:v8+s21+$0x0], $0xffff;
	_ =	sdelay $0x1  }
0x24e: {  	v9 =	vor.u32 v4, v7;
	_ =	sdelay $0x2  }
0x24f: {  	s9 =	sand.u32 $0x1F80, s9  }
0x250: {  	[tilespmem:s9+$0x1C580] =	vst v8  }
0x251: {  	v8 =	vld.idx.msk [tilespmem:v9+s21+$0x0], $0xffff;
	_ =	sdelay $0x1  }
0x252: {  	v9 =	vor.u32 v5, v7;
	_ =	sdelay $0x3  }
0x253: {  	[tilespmem:s9+$0x1C590] =	vst v8  }
0x254: {  	v8 =	vld.idx.msk [tilespmem:v9+s21+$0x0], $0xffff;
	_ =	sdelay $0x1  }
0x255: {  	v7 =	vor.u32 v6, v7;
	_ =	sdelay $0x3  }
0x256: {  	[tilespmem:s9+$0x1C5A0] =	vst v8  }
0x257: {  	v7 =	vld.idx.msk [tilespmem:v7+s21+$0x0], $0xffff;
	_ =	sdelay $0x2  }
.Ltmp22:
0x258: {  	(pc) =	sbr.rel @p1 .LBB2_26-.Ltmp22, $3  }
0x259: {  	_ =	sdelay $0x1  }
0x25a: {  	s8 =	sadd.s32 s3, s8;
	s11 =	sadd.s32 $0x1C580, s9;
	[tilespmem:s9+$0x1C5B0] =	vst v7  }
0x25b: {  	v7 =	vmov s10;
	[hbm4b:s8+s4] =	stream.linear.scatter [tilespmem:s11], [sflag:$0x9], $0x40, $0x38;
	[tilespmem:$0x1E600] =	vst v63  }
.LBB2_27:
0x25c: {  	[tilespmem:$0x1E580] =	vst v7  }
.LBB2_28:
0x25d: {  	v7 =	vld [tilespmem:s2+$0xC10B];
	_ =	sdelay $0x4  }
0x25e: {  	(v2sf) =	vpush v7, $0x0;
	_ =	sdelay $0xd  }
0x25f: {  	s1 =	sadd.s32 $0xB, s2  }
0x260: {  	p1 =	sgt.u32 s1, s5;
	s7 =	spop (v2sf)  }
0x261: {  	p2 =	slt.s32 @!p1 s7, $0x1  }
0x262: {  	p1 =	por p2, p1  }
0x263: {  	s1 =	sshll.u32 @!p1 s1, $0xC;
	s7 =	simm.s32 @!p1 $0x400  }
0x264: {  	s8 =	simm.s32 @!p1 $0x7A1400;
	s9 =	simm.s32 @!p1 $0x12580;
	s1 =	sadd.s32 @!p1 s1, s6  }
0x265: {  	[tilespmem:s9], [sflag:$0x4] =	stream.strided.gather @!p1 [hbm4b:s1+s7], $0x2000, s8, s7, $0x38;
	[tilespmem:$0x1E600] =	vst v63  }
0x266: {  	v7 =	vld [tilespmem:s2+$0xC104];
	_ =	sdelay $0x4  }
0x267: {  	(v2sf) =	vpush v7, $0x0;
	_ =	sdelay $0xe  }
0x268: {  	s7 =	spop (v2sf)  }
0x269: {  	s1 =	sor.u32 $0x4, s2;
	p5 =	sgt.s32 s7, $0x0  }
0x26a: {  	p6 =	sgt.u32 s1, s5;
	p1 =	por p0, p5  }
0x26b: {  	p1 =	por p6, !p1  }
0x26c: {  	p2 =	slt.s32 @!p1 s7, $0x1  }
0x26d: {  	p2 =	por p1, p2  }
.Ltmp23:
0x26e: {  	_ = 	snop;
	(pc) =	sbr.rel @p2 .LBB2_32-.Ltmp23, $4  }
0x26f: {  	s8 =	simm.s32 @!p1 $0x5  }
0x270: {  	_ =	swait.ge @!p1 [sflag:s8], $0x2000  }
0x271: {  	[sflag:s8] =	ssyncset.done @!p1 $0x0  }
0x272: {  	[sflag:s8] =	ssyncadd.s32 @!p1 $0xFFFFE000  }
0x273: {  	v7 =	vld [tilespmem:s1+$0xC280];
	_ =	sdelay $0x4  }
0x274: {  	(v2sf) =	vpush v7, $0x0;
	_ =	sdelay $0xe  }
0x275: {  	s10 =	spop (v2sf)  }
0x276: {  	s1 =	sadd.s32 $0x8080, s10  }
0x277: {  	v7 =	vld [tilespmem:s1+$0x0];
	_ =	sdelay $0x1  }
0x278: {  	v8 =	vld [tilespmem:$0x1E580];
	_ =	sdelay $0x2  }
0x279: {  	(v2sf) =	vpush v7, $0x0;
	_ =	sdelay $0x1  }
0x27a: {  	(v2sf) =	vpush v8, $0x0;
	_ =	sdelay $0xc  }
0x27b: {  	s8 =	spop (v2sf)  }
0x27c: {  	s9 =	sand.u32 $0x7F, s8  }
0x27d: {  	s10 =	spop (v2sf);
	v7 =	vmov s9  }
0x27e: {  	p1 =	slt.s32 s10, $0x40;
	v8 =	vor.u32 v0, v7  }
0x27f: {  	s9 =	simm.s32 @!p1 $0x9  }
0x280: {  	_ =	swait.ge @!p1 [sflag:s9], $0x40  }
0x281: {  	[sflag:s9] =	ssyncset.done @!p1 $0x0  }
0x282: {  	[sflag:s9] =	ssyncadd.s32 @!p1 $0xFFFFFFC0  }
0x283: {  	v8 =	vld.idx.msk [tilespmem:v8+s22+$0x0], $0xffff  }
0x284: {  	v9 =	vor.u32 v4, v7;
	_ =	sdelay $0x1  }
0x285: {  	s11 =	sshll.u32 s10, $0x7  }
0x286: {  	s9 =	sand.u32 $0x1F80, s11  }
0x287: {  	[tilespmem:s9+$0x1C580] =	vst v8  }
0x288: {  	v8 =	vld.idx.msk [tilespmem:v9+s22+$0x0], $0xffff  }
0x289: {  	v63 =	vor.u32 v5, v7;
	_ =	sdelay $0x3  }
0x28a: {  	[tilespmem:s9+$0x1C590] =	vst v8  }
0x28b: {  	v8 =	vld.idx.msk [tilespmem:v63+s22+$0x0], $0xffff  }
0x28c: {  	v7 =	vor.u32 v6, v7;
	_ =	sdelay $0x3  }
0x28d: {  	[tilespmem:s9+$0x1C5A0] =	vst v8  }
0x28e: {  	v7 =	vld.idx.msk [tilespmem:v7+s22+$0x0], $0xffff;
	_ =	sdelay $0x1  }
0x28f: {  	s7 =	sadd.s32 $0xFFFFFFFF, s7  }
0x290: {  	s8 =	sshrl.u32 s8, $0x4;
	p1 =	sne.s32 s7, $0x0  }
.Ltmp24:
0x291: {  	s8 =	sand.u32 $0x1FFF8, s8;
	(pc) =	sbr.rel @!p1 .LBB2_31-.Ltmp24, $4  }
0x292: {  	s8 =	sadd.s32 s3, s8;
	s11 =	sadd.s32 $0x1C580, s9;
	[tilespmem:s9+$0x1C5B0] =	vst v7  }
0x293: {  	[hbm4b:s8+s4] =	stream.linear.scatter [tilespmem:s11], [sflag:$0x9], $0x40, $0x38;
	[tilespmem:$0x1E600] =	vst v63  }
0x294: {  	s11 =	sadd.s32 $0x1, s10  }
0x295: {  	v7 =	vmov s11  }
.LBB2_30:
0x296: {  	s7 =	sadd.s32 $0xFFFFFFFF, s7;
	[tilespmem:$0x1E580] =	vst v7;
	s1 =	sadd.s32 $0x1, s1  }
0x297: {  	v7 =	vld [tilespmem:s1+$0x0];
	p1 =	sne.s32 s7, $0x0  }
0x298: {  	v8 =	vld [tilespmem:$0x1E580];
	_ =	sdelay $0x3  }
0x299: {  	(v2sf) =	vpush v7, $0x0  }
0x29a: {  	(v2sf) =	vpush v8, $0x0;
	_ =	sdelay $0xd  }
0x29b: {  	s8 =	spop (v2sf)  }
0x29c: {  	s9 =	sand.u32 $0x7F, s8;
	s8 =	sshrl.u32 s8, $0x4;
	s10 =	spop (v2sf)  }
0x29d: {  	v7 =	vmov s9;
	p2 =	slt.s32 s10, $0x40;
	s9 =	sshll.u32 s10, $0x7;
	s8 =	sand.u32 $0x1FFF8, s8  }
0x29e: {  	s10 =	sadd.s32 $0x1, s10;
	s11 =	simm.s32 @!p2 $0x9;
	v8 =	vor.u32 v0, v7;
	_ =	sdelay $0x1  }
0x29f: {  	_ =	swait.ge @!p2 [sflag:s11], $0x40  }
0x2a0: {  	[sflag:s11] =	ssyncset.done @!p2 $0x0  }
0x2a1: {  	[sflag:s11] =	ssyncadd.s32 @!p2 $0xFFFFFFC0  }
0x2a2: {  	v8 =	vld.idx.msk [tilespmem:v8+s22+$0x0], $0xffff;
	_ =	sdelay $0x1  }
0x2a3: {  	v9 =	vor.u32 v4, v7;
	_ =	sdelay $0x2  }
0x2a4: {  	s9 =	sand.u32 $0x1F80, s9  }
0x2a5: {  	[tilespmem:s9+$0x1C580] =	vst v8  }
0x2a6: {  	v8 =	vld.idx.msk [tilespmem:v9+s22+$0x0], $0xffff;
	_ =	sdelay $0x1  }
0x2a7: {  	v9 =	vor.u32 v5, v7;
	_ =	sdelay $0x3  }
0x2a8: {  	[tilespmem:s9+$0x1C590] =	vst v8  }
0x2a9: {  	v8 =	vld.idx.msk [tilespmem:v9+s22+$0x0], $0xffff;
	_ =	sdelay $0x1  }
0x2aa: {  	v7 =	vor.u32 v6, v7;
	_ =	sdelay $0x3  }
0x2ab: {  	[tilespmem:s9+$0x1C5A0] =	vst v8  }
0x2ac: {  	v7 =	vld.idx.msk [tilespmem:v7+s22+$0x0], $0xffff;
	_ =	sdelay $0x2  }
.Ltmp25:
0x2ad: {  	(pc) =	sbr.rel @p1 .LBB2_30-.Ltmp25, $3  }
0x2ae: {  	_ =	sdelay $0x1  }
0x2af: {  	s8 =	sadd.s32 s3, s8;
	s11 =	sadd.s32 $0x1C580, s9;
	[tilespmem:s9+$0x1C5B0] =	vst v7  }
0x2b0: {  	v7 =	vmov s10;
	[hbm4b:s8+s4] =	stream.linear.scatter [tilespmem:s11], [sflag:$0x9], $0x40, $0x38;
	[tilespmem:$0x1E600] =	vst v63  }
.LBB2_31:
0x2b1: {  	[tilespmem:$0x1E580] =	vst v7  }
.LBB2_32:
0x2b2: {  	v7 =	vld [tilespmem:s2+$0xC10C];
	_ =	sdelay $0x4  }
0x2b3: {  	(v2sf) =	vpush v7, $0x0;
	_ =	sdelay $0xd  }
0x2b4: {  	s1 =	sadd.s32 $0xC, s2  }
0x2b5: {  	p1 =	sgt.u32 s1, s5;
	s7 =	spop (v2sf)  }
0x2b6: {  	p2 =	slt.s32 @!p1 s7, $0x1  }
0x2b7: {  	p1 =	por p2, p1  }
0x2b8: {  	s1 =	sshll.u32 @!p1 s1, $0xC;
	s7 =	simm.s32 @!p1 $0x400  }
0x2b9: {  	s8 =	simm.s32 @!p1 $0x7A1400;
	s9 =	simm.s32 @!p1 $0x14580;
	s1 =	sadd.s32 @!p1 s1, s6  }
0x2ba: {  	[tilespmem:s9], [sflag:$0x5] =	stream.strided.gather @!p1 [hbm4b:s1+s7], $0x2000, s8, s7, $0x38;
	[tilespmem:$0x1E600] =	vst v63  }
0x2bb: {  	v7 =	vld [tilespmem:s2+$0xC105];
	_ =	sdelay $0x4  }
0x2bc: {  	(v2sf) =	vpush v7, $0x0;
	_ =	sdelay $0xe  }
0x2bd: {  	s7 =	spop (v2sf)  }
0x2be: {  	s1 =	sor.u32 $0x5, s2;
	p5 =	sgt.s32 s7, $0x0  }
0x2bf: {  	p6 =	sgt.u32 s1, s5;
	p1 =	por p0, p5  }
0x2c0: {  	p1 =	por p6, !p1  }
0x2c1: {  	p2 =	slt.s32 @!p1 s7, $0x1  }
0x2c2: {  	p2 =	por p1, p2  }
.Ltmp26:
0x2c3: {  	_ = 	snop;
	(pc) =	sbr.rel @p2 .LBB2_36-.Ltmp26, $4  }
0x2c4: {  	s8 =	simm.s32 @!p1 $0x6  }
0x2c5: {  	_ =	swait.ge @!p1 [sflag:s8], $0x2000  }
0x2c6: {  	[sflag:s8] =	ssyncset.done @!p1 $0x0  }
0x2c7: {  	[sflag:s8] =	ssyncadd.s32 @!p1 $0xFFFFE000  }
0x2c8: {  	v7 =	vld [tilespmem:s1+$0xC280];
	_ =	sdelay $0x4  }
0x2c9: {  	(v2sf) =	vpush v7, $0x0;
	_ =	sdelay $0xe  }
0x2ca: {  	s10 =	spop (v2sf)  }
0x2cb: {  	s1 =	sadd.s32 $0x8080, s10  }
0x2cc: {  	v7 =	vld [tilespmem:s1+$0x0];
	_ =	sdelay $0x1  }
0x2cd: {  	v8 =	vld [tilespmem:$0x1E580];
	_ =	sdelay $0x2  }
0x2ce: {  	(v2sf) =	vpush v7, $0x0;
	_ =	sdelay $0x1  }
0x2cf: {  	(v2sf) =	vpush v8, $0x0;
	_ =	sdelay $0xc  }
0x2d0: {  	s8 =	spop (v2sf)  }
0x2d1: {  	s9 =	sand.u32 $0x7F, s8  }
0x2d2: {  	s10 =	spop (v2sf);
	v7 =	vmov s9  }
0x2d3: {  	p1 =	slt.s32 s10, $0x40;
	v8 =	vor.u32 v0, v7  }
0x2d4: {  	s9 =	simm.s32 @!p1 $0x9  }
0x2d5: {  	_ =	swait.ge @!p1 [sflag:s9], $0x40  }
0x2d6: {  	[sflag:s9] =	ssyncset.done @!p1 $0x0  }
0x2d7: {  	[sflag:s9] =	ssyncadd.s32 @!p1 $0xFFFFFFC0  }
0x2d8: {  	v8 =	vld.idx.msk [tilespmem:v8+s23+$0x0], $0xffff  }
0x2d9: {  	v9 =	vor.u32 v4, v7;
	_ =	sdelay $0x1  }
0x2da: {  	s11 =	sshll.u32 s10, $0x7  }
0x2db: {  	s9 =	sand.u32 $0x1F80, s11  }
0x2dc: {  	[tilespmem:s9+$0x1C580] =	vst v8  }
0x2dd: {  	v8 =	vld.idx.msk [tilespmem:v9+s23+$0x0], $0xffff  }
0x2de: {  	v63 =	vor.u32 v5, v7;
	_ =	sdelay $0x3  }
0x2df: {  	[tilespmem:s9+$0x1C590] =	vst v8  }
0x2e0: {  	v8 =	vld.idx.msk [tilespmem:v63+s23+$0x0], $0xffff  }
0x2e1: {  	v7 =	vor.u32 v6, v7;
	_ =	sdelay $0x3  }
0x2e2: {  	[tilespmem:s9+$0x1C5A0] =	vst v8  }
0x2e3: {  	v7 =	vld.idx.msk [tilespmem:v7+s23+$0x0], $0xffff;
	_ =	sdelay $0x1  }
0x2e4: {  	s7 =	sadd.s32 $0xFFFFFFFF, s7  }
0x2e5: {  	s8 =	sshrl.u32 s8, $0x4;
	p1 =	sne.s32 s7, $0x0  }
.Ltmp27:
0x2e6: {  	s8 =	sand.u32 $0x1FFF8, s8;
	(pc) =	sbr.rel @!p1 .LBB2_35-.Ltmp27, $4  }
0x2e7: {  	s8 =	sadd.s32 s3, s8;
	s11 =	sadd.s32 $0x1C580, s9;
	[tilespmem:s9+$0x1C5B0] =	vst v7  }
0x2e8: {  	[hbm4b:s8+s4] =	stream.linear.scatter [tilespmem:s11], [sflag:$0x9], $0x40, $0x38;
	[tilespmem:$0x1E600] =	vst v63  }
0x2e9: {  	s11 =	sadd.s32 $0x1, s10  }
0x2ea: {  	v7 =	vmov s11  }
.LBB2_34:
0x2eb: {  	s7 =	sadd.s32 $0xFFFFFFFF, s7;
	[tilespmem:$0x1E580] =	vst v7;
	s1 =	sadd.s32 $0x1, s1  }
0x2ec: {  	v7 =	vld [tilespmem:s1+$0x0];
	p1 =	sne.s32 s7, $0x0  }
0x2ed: {  	v8 =	vld [tilespmem:$0x1E580];
	_ =	sdelay $0x3  }
0x2ee: {  	(v2sf) =	vpush v7, $0x0  }
0x2ef: {  	(v2sf) =	vpush v8, $0x0;
	_ =	sdelay $0xd  }
0x2f0: {  	s8 =	spop (v2sf)  }
0x2f1: {  	s9 =	sand.u32 $0x7F, s8;
	s8 =	sshrl.u32 s8, $0x4;
	s10 =	spop (v2sf)  }
0x2f2: {  	v7 =	vmov s9;
	p2 =	slt.s32 s10, $0x40;
	s9 =	sshll.u32 s10, $0x7;
	s8 =	sand.u32 $0x1FFF8, s8  }
0x2f3: {  	s10 =	sadd.s32 $0x1, s10;
	s11 =	simm.s32 @!p2 $0x9;
	v8 =	vor.u32 v0, v7;
	_ =	sdelay $0x1  }
0x2f4: {  	_ =	swait.ge @!p2 [sflag:s11], $0x40  }
0x2f5: {  	[sflag:s11] =	ssyncset.done @!p2 $0x0  }
0x2f6: {  	[sflag:s11] =	ssyncadd.s32 @!p2 $0xFFFFFFC0  }
0x2f7: {  	v8 =	vld.idx.msk [tilespmem:v8+s23+$0x0], $0xffff;
	_ =	sdelay $0x1  }
0x2f8: {  	v9 =	vor.u32 v4, v7;
	_ =	sdelay $0x2  }
0x2f9: {  	s9 =	sand.u32 $0x1F80, s9  }
0x2fa: {  	[tilespmem:s9+$0x1C580] =	vst v8  }
0x2fb: {  	v8 =	vld.idx.msk [tilespmem:v9+s23+$0x0], $0xffff;
	_ =	sdelay $0x1  }
0x2fc: {  	v9 =	vor.u32 v5, v7;
	_ =	sdelay $0x3  }
0x2fd: {  	[tilespmem:s9+$0x1C590] =	vst v8  }
0x2fe: {  	v8 =	vld.idx.msk [tilespmem:v9+s23+$0x0], $0xffff;
	_ =	sdelay $0x1  }
0x2ff: {  	v7 =	vor.u32 v6, v7;
	_ =	sdelay $0x3  }
0x300: {  	[tilespmem:s9+$0x1C5A0] =	vst v8  }
0x301: {  	v7 =	vld.idx.msk [tilespmem:v7+s23+$0x0], $0xffff;
	_ =	sdelay $0x2  }
.Ltmp28:
0x302: {  	(pc) =	sbr.rel @p1 .LBB2_34-.Ltmp28, $3  }
0x303: {  	_ =	sdelay $0x1  }
0x304: {  	s8 =	sadd.s32 s3, s8;
	s11 =	sadd.s32 $0x1C580, s9;
	[tilespmem:s9+$0x1C5B0] =	vst v7  }
0x305: {  	v7 =	vmov s10;
	[hbm4b:s8+s4] =	stream.linear.scatter [tilespmem:s11], [sflag:$0x9], $0x40, $0x38;
	[tilespmem:$0x1E600] =	vst v63  }
.LBB2_35:
0x306: {  	[tilespmem:$0x1E580] =	vst v7  }
.LBB2_36:
0x307: {  	v7 =	vld [tilespmem:s2+$0xC10D];
	_ =	sdelay $0x4  }
0x308: {  	(v2sf) =	vpush v7, $0x0;
	_ =	sdelay $0xd  }
0x309: {  	s1 =	sadd.s32 $0xD, s2  }
0x30a: {  	p1 =	sgt.u32 s1, s5;
	s7 =	spop (v2sf)  }
0x30b: {  	p2 =	slt.s32 @!p1 s7, $0x1  }
0x30c: {  	p1 =	por p2, p1  }
0x30d: {  	s1 =	sshll.u32 @!p1 s1, $0xC;
	s7 =	simm.s32 @!p1 $0x400  }
0x30e: {  	s8 =	simm.s32 @!p1 $0x7A1400;
	s9 =	simm.s32 @!p1 $0x16580;
	s1 =	sadd.s32 @!p1 s1, s6  }
0x30f: {  	[tilespmem:s9], [sflag:$0x6] =	stream.strided.gather @!p1 [hbm4b:s1+s7], $0x2000, s8, s7, $0x38;
	[tilespmem:$0x1E600] =	vst v63  }
0x310: {  	v7 =	vld [tilespmem:s2+$0xC106];
	_ =	sdelay $0x4  }
0x311: {  	(v2sf) =	vpush v7, $0x0;
	_ =	sdelay $0xe  }
0x312: {  	s7 =	spop (v2sf)  }
0x313: {  	s1 =	sor.u32 $0x6, s2;
	p5 =	sgt.s32 s7, $0x0  }
0x314: {  	p6 =	sgt.u32 s1, s5;
	p1 =	por p0, p5  }
0x315: {  	p1 =	por p6, !p1  }
0x316: {  	p2 =	slt.s32 @!p1 s7, $0x1  }
0x317: {  	p2 =	por p1, p2  }
.Ltmp29:
0x318: {  	_ = 	snop;
	(pc) =	sbr.rel @p2 .LBB2_40-.Ltmp29, $4  }
0x319: {  	s8 =	simm.s32 @!p1 $0x7  }
0x31a: {  	_ =	swait.ge @!p1 [sflag:s8], $0x2000  }
0x31b: {  	[sflag:s8] =	ssyncset.done @!p1 $0x0  }
0x31c: {  	[sflag:s8] =	ssyncadd.s32 @!p1 $0xFFFFE000  }
0x31d: {  	v7 =	vld [tilespmem:s1+$0xC280];
	_ =	sdelay $0x4  }
0x31e: {  	(v2sf) =	vpush v7, $0x0;
	_ =	sdelay $0xe  }
0x31f: {  	s10 =	spop (v2sf)  }
0x320: {  	s1 =	sadd.s32 $0x8080, s10  }
0x321: {  	v7 =	vld [tilespmem:s1+$0x0];
	_ =	sdelay $0x1  }
0x322: {  	v8 =	vld [tilespmem:$0x1E580];
	_ =	sdelay $0x2  }
0x323: {  	(v2sf) =	vpush v7, $0x0;
	_ =	sdelay $0x1  }
0x324: {  	(v2sf) =	vpush v8, $0x0;
	_ =	sdelay $0xc  }
0x325: {  	s8 =	spop (v2sf)  }
0x326: {  	s9 =	sand.u32 $0x7F, s8  }
0x327: {  	s10 =	spop (v2sf);
	v7 =	vmov s9  }
0x328: {  	p1 =	slt.s32 s10, $0x40;
	v8 =	vor.u32 v0, v7  }
0x329: {  	s9 =	simm.s32 @!p1 $0x9  }
0x32a: {  	_ =	swait.ge @!p1 [sflag:s9], $0x40  }
0x32b: {  	[sflag:s9] =	ssyncset.done @!p1 $0x0  }
0x32c: {  	[sflag:s9] =	ssyncadd.s32 @!p1 $0xFFFFFFC0  }
0x32d: {  	v8 =	vld.idx.msk [tilespmem:v8+s24+$0x0], $0xffff  }
0x32e: {  	v9 =	vor.u32 v4, v7;
	_ =	sdelay $0x1  }
0x32f: {  	s11 =	sshll.u32 s10, $0x7  }
0x330: {  	s9 =	sand.u32 $0x1F80, s11  }
0x331: {  	[tilespmem:s9+$0x1C580] =	vst v8  }
0x332: {  	v8 =	vld.idx.msk [tilespmem:v9+s24+$0x0], $0xffff  }
0x333: {  	v63 =	vor.u32 v5, v7;
	_ =	sdelay $0x3  }
0x334: {  	[tilespmem:s9+$0x1C590] =	vst v8  }
0x335: {  	v8 =	vld.idx.msk [tilespmem:v63+s24+$0x0], $0xffff  }
0x336: {  	v7 =	vor.u32 v6, v7;
	_ =	sdelay $0x3  }
0x337: {  	[tilespmem:s9+$0x1C5A0] =	vst v8  }
0x338: {  	v7 =	vld.idx.msk [tilespmem:v7+s24+$0x0], $0xffff;
	_ =	sdelay $0x1  }
0x339: {  	s7 =	sadd.s32 $0xFFFFFFFF, s7  }
0x33a: {  	s8 =	sshrl.u32 s8, $0x4;
	p1 =	sne.s32 s7, $0x0  }
.Ltmp30:
0x33b: {  	s8 =	sand.u32 $0x1FFF8, s8;
	(pc) =	sbr.rel @!p1 .LBB2_39-.Ltmp30, $4  }
0x33c: {  	s8 =	sadd.s32 s3, s8;
	s11 =	sadd.s32 $0x1C580, s9;
	[tilespmem:s9+$0x1C5B0] =	vst v7  }
0x33d: {  	[hbm4b:s8+s4] =	stream.linear.scatter [tilespmem:s11], [sflag:$0x9], $0x40, $0x38;
	[tilespmem:$0x1E600] =	vst v63  }
0x33e: {  	s11 =	sadd.s32 $0x1, s10  }
0x33f: {  	v7 =	vmov s11  }
.LBB2_38:
0x340: {  	s7 =	sadd.s32 $0xFFFFFFFF, s7;
	[tilespmem:$0x1E580] =	vst v7;
	s1 =	sadd.s32 $0x1, s1  }
0x341: {  	v7 =	vld [tilespmem:s1+$0x0];
	p1 =	sne.s32 s7, $0x0  }
0x342: {  	v8 =	vld [tilespmem:$0x1E580];
	_ =	sdelay $0x3  }
0x343: {  	(v2sf) =	vpush v7, $0x0  }
0x344: {  	(v2sf) =	vpush v8, $0x0;
	_ =	sdelay $0xd  }
0x345: {  	s8 =	spop (v2sf)  }
0x346: {  	s9 =	sand.u32 $0x7F, s8;
	s8 =	sshrl.u32 s8, $0x4;
	s10 =	spop (v2sf)  }
0x347: {  	v7 =	vmov s9;
	p2 =	slt.s32 s10, $0x40;
	s9 =	sshll.u32 s10, $0x7;
	s8 =	sand.u32 $0x1FFF8, s8  }
0x348: {  	s10 =	sadd.s32 $0x1, s10;
	s11 =	simm.s32 @!p2 $0x9;
	v8 =	vor.u32 v0, v7;
	_ =	sdelay $0x1  }
0x349: {  	_ =	swait.ge @!p2 [sflag:s11], $0x40  }
0x34a: {  	[sflag:s11] =	ssyncset.done @!p2 $0x0  }
0x34b: {  	[sflag:s11] =	ssyncadd.s32 @!p2 $0xFFFFFFC0  }
0x34c: {  	v8 =	vld.idx.msk [tilespmem:v8+s24+$0x0], $0xffff;
	_ =	sdelay $0x1  }
0x34d: {  	v9 =	vor.u32 v4, v7;
	_ =	sdelay $0x2  }
0x34e: {  	s9 =	sand.u32 $0x1F80, s9  }
0x34f: {  	[tilespmem:s9+$0x1C580] =	vst v8  }
0x350: {  	v8 =	vld.idx.msk [tilespmem:v9+s24+$0x0], $0xffff;
	_ =	sdelay $0x1  }
0x351: {  	v9 =	vor.u32 v5, v7;
	_ =	sdelay $0x3  }
0x352: {  	[tilespmem:s9+$0x1C590] =	vst v8  }
0x353: {  	v8 =	vld.idx.msk [tilespmem:v9+s24+$0x0], $0xffff;
	_ =	sdelay $0x1  }
0x354: {  	v7 =	vor.u32 v6, v7;
	_ =	sdelay $0x3  }
0x355: {  	[tilespmem:s9+$0x1C5A0] =	vst v8  }
0x356: {  	v7 =	vld.idx.msk [tilespmem:v7+s24+$0x0], $0xffff;
	_ =	sdelay $0x2  }
.Ltmp31:
0x357: {  	(pc) =	sbr.rel @p1 .LBB2_38-.Ltmp31, $3  }
0x358: {  	_ =	sdelay $0x1  }
0x359: {  	s8 =	sadd.s32 s3, s8;
	s11 =	sadd.s32 $0x1C580, s9;
	[tilespmem:s9+$0x1C5B0] =	vst v7  }
0x35a: {  	v7 =	vmov s10;
	[hbm4b:s8+s4] =	stream.linear.scatter [tilespmem:s11], [sflag:$0x9], $0x40, $0x38;
	[tilespmem:$0x1E600] =	vst v63  }
.LBB2_39:
0x35b: {  	[tilespmem:$0x1E580] =	vst v7  }
.LBB2_40:
0x35c: {  	v7 =	vld [tilespmem:s2+$0xC10E];
	_ =	sdelay $0x4  }
0x35d: {  	(v2sf) =	vpush v7, $0x0;
	_ =	sdelay $0xd  }
0x35e: {  	s1 =	sadd.s32 $0xE, s2  }
0x35f: {  	p1 =	sgt.u32 s1, s5;
	s7 =	spop (v2sf)  }
0x360: {  	p2 =	slt.s32 @!p1 s7, $0x1  }
0x361: {  	p1 =	por p2, p1  }
0x362: {  	s1 =	sshll.u32 @!p1 s1, $0xC;
	s7 =	simm.s32 @!p1 $0x400  }
0x363: {  	s8 =	simm.s32 @!p1 $0x7A1400;
	s9 =	simm.s32 @!p1 $0x18580;
	s1 =	sadd.s32 @!p1 s1, s6  }
0x364: {  	[tilespmem:s9], [sflag:$0x7] =	stream.strided.gather @!p1 [hbm4b:s1+s7], $0x2000, s8, s7, $0x38;
	[tilespmem:$0x1E600] =	vst v63  }
0x365: {  	v7 =	vld [tilespmem:s2+$0xC107];
	_ =	sdelay $0x4  }
0x366: {  	(v2sf) =	vpush v7, $0x0;
	_ =	sdelay $0xe  }
0x367: {  	s7 =	spop (v2sf)  }
0x368: {  	s1 =	sor.u32 $0x7, s2;
	p5 =	sgt.s32 s7, $0x0  }
0x369: {  	p6 =	sgt.u32 s1, s5;
	p0 =	por p0, p5  }
0x36a: {  	p0 =	por p6, !p0  }
0x36b: {  	p1 =	slt.s32 @!p0 s7, $0x1  }
0x36c: {  	p1 =	por p0, p1  }
.Ltmp32:
0x36d: {  	_ = 	snop;
	(pc) =	sbr.rel @p1 .LBB2_44-.Ltmp32, $4  }
0x36e: {  	s8 =	simm.s32 @!p0 $0x8  }
0x36f: {  	_ =	swait.ge @!p0 [sflag:s8], $0x2000  }
0x370: {  	[sflag:s8] =	ssyncset.done @!p0 $0x0  }
0x371: {  	[sflag:s8] =	ssyncadd.s32 @!p0 $0xFFFFE000  }
0x372: {  	v7 =	vld [tilespmem:s1+$0xC280];
	_ =	sdelay $0x4  }
0x373: {  	(v2sf) =	vpush v7, $0x0;
	_ =	sdelay $0xe  }
0x374: {  	s10 =	spop (v2sf)  }
0x375: {  	s1 =	sadd.s32 $0x8080, s10  }
0x376: {  	v7 =	vld [tilespmem:s1+$0x0];
	_ =	sdelay $0x1  }
0x377: {  	v8 =	vld [tilespmem:$0x1E580];
	_ =	sdelay $0x2  }
0x378: {  	(v2sf) =	vpush v7, $0x0;
	_ =	sdelay $0x1  }
0x379: {  	(v2sf) =	vpush v8, $0x0;
	_ =	sdelay $0xc  }
0x37a: {  	s8 =	spop (v2sf)  }
0x37b: {  	s9 =	sand.u32 $0x7F, s8  }
0x37c: {  	s10 =	spop (v2sf);
	v7 =	vmov s9  }
0x37d: {  	p0 =	slt.s32 s10, $0x40;
	v8 =	vor.u32 v0, v7  }
0x37e: {  	s9 =	simm.s32 @!p0 $0x9  }
0x37f: {  	_ =	swait.ge @!p0 [sflag:s9], $0x40  }
0x380: {  	[sflag:s9] =	ssyncset.done @!p0 $0x0  }
0x381: {  	[sflag:s9] =	ssyncadd.s32 @!p0 $0xFFFFFFC0  }
0x382: {  	v8 =	vld.idx.msk [tilespmem:v8+s25+$0x0], $0xffff  }
0x383: {  	v9 =	vor.u32 v4, v7;
	_ =	sdelay $0x1  }
0x384: {  	s11 =	sshll.u32 s10, $0x7  }
0x385: {  	s9 =	sand.u32 $0x1F80, s11  }
0x386: {  	[tilespmem:s9+$0x1C580] =	vst v8  }
0x387: {  	v8 =	vld.idx.msk [tilespmem:v9+s25+$0x0], $0xffff  }
0x388: {  	v63 =	vor.u32 v5, v7;
	_ =	sdelay $0x3  }
0x389: {  	[tilespmem:s9+$0x1C590] =	vst v8  }
0x38a: {  	v8 =	vld.idx.msk [tilespmem:v63+s25+$0x0], $0xffff  }
0x38b: {  	v7 =	vor.u32 v6, v7;
	_ =	sdelay $0x3  }
0x38c: {  	[tilespmem:s9+$0x1C5A0] =	vst v8  }
0x38d: {  	v7 =	vld.idx.msk [tilespmem:v7+s25+$0x0], $0xffff;
	_ =	sdelay $0x1  }
0x38e: {  	s7 =	sadd.s32 $0xFFFFFFFF, s7  }
0x38f: {  	s8 =	sshrl.u32 s8, $0x4;
	p0 =	sne.s32 s7, $0x0  }
.Ltmp33:
0x390: {  	s8 =	sand.u32 $0x1FFF8, s8;
	(pc) =	sbr.rel @!p0 .LBB2_43-.Ltmp33, $4  }
0x391: {  	s8 =	sadd.s32 s3, s8;
	s11 =	sadd.s32 $0x1C580, s9;
	[tilespmem:s9+$0x1C5B0] =	vst v7  }
0x392: {  	[hbm4b:s8+s4] =	stream.linear.scatter [tilespmem:s11], [sflag:$0x9], $0x40, $0x38;
	[tilespmem:$0x1E600] =	vst v63  }
0x393: {  	s11 =	sadd.s32 $0x1, s10  }
0x394: {  	v7 =	vmov s11  }
.LBB2_42:
0x395: {  	s7 =	sadd.s32 $0xFFFFFFFF, s7;
	[tilespmem:$0x1E580] =	vst v7;
	s1 =	sadd.s32 $0x1, s1  }
0x396: {  	v7 =	vld [tilespmem:s1+$0x0];
	p0 =	sne.s32 s7, $0x0  }
0x397: {  	v8 =	vld [tilespmem:$0x1E580];
	_ =	sdelay $0x3  }
0x398: {  	(v2sf) =	vpush v7, $0x0  }
0x399: {  	(v2sf) =	vpush v8, $0x0;
	_ =	sdelay $0xd  }
0x39a: {  	s8 =	spop (v2sf)  }
0x39b: {  	s9 =	sand.u32 $0x7F, s8;
	s8 =	sshrl.u32 s8, $0x4;
	s10 =	spop (v2sf)  }
0x39c: {  	v7 =	vmov s9;
	p1 =	slt.s32 s10, $0x40;
	s9 =	sshll.u32 s10, $0x7;
	s8 =	sand.u32 $0x1FFF8, s8  }
0x39d: {  	s10 =	sadd.s32 $0x1, s10;
	s11 =	simm.s32 @!p1 $0x9;
	v8 =	vor.u32 v0, v7;
	_ =	sdelay $0x1  }
0x39e: {  	_ =	swait.ge @!p1 [sflag:s11], $0x40  }
0x39f: {  	[sflag:s11] =	ssyncset.done @!p1 $0x0  }
0x3a0: {  	[sflag:s11] =	ssyncadd.s32 @!p1 $0xFFFFFFC0  }
0x3a1: {  	v8 =	vld.idx.msk [tilespmem:v8+s25+$0x0], $0xffff;
	_ =	sdelay $0x1  }
0x3a2: {  	v9 =	vor.u32 v4, v7;
	_ =	sdelay $0x2  }
0x3a3: {  	s9 =	sand.u32 $0x1F80, s9  }
0x3a4: {  	[tilespmem:s9+$0x1C580] =	vst v8  }
0x3a5: {  	v8 =	vld.idx.msk [tilespmem:v9+s25+$0x0], $0xffff;
	_ =	sdelay $0x1  }
0x3a6: {  	v9 =	vor.u32 v5, v7;
	_ =	sdelay $0x3  }
0x3a7: {  	[tilespmem:s9+$0x1C590] =	vst v8  }
0x3a8: {  	v8 =	vld.idx.msk [tilespmem:v9+s25+$0x0], $0xffff;
	_ =	sdelay $0x1  }
0x3a9: {  	v7 =	vor.u32 v6, v7;
	_ =	sdelay $0x3  }
0x3aa: {  	[tilespmem:s9+$0x1C5A0] =	vst v8  }
0x3ab: {  	v7 =	vld.idx.msk [tilespmem:v7+s25+$0x0], $0xffff;
	_ =	sdelay $0x2  }
.Ltmp34:
0x3ac: {  	(pc) =	sbr.rel @p0 .LBB2_42-.Ltmp34, $3  }
0x3ad: {  	_ =	sdelay $0x1  }
0x3ae: {  	s8 =	sadd.s32 s3, s8;
	s11 =	sadd.s32 $0x1C580, s9;
	[tilespmem:s9+$0x1C5B0] =	vst v7  }
0x3af: {  	v7 =	vmov s10;
	[hbm4b:s8+s4] =	stream.linear.scatter [tilespmem:s11], [sflag:$0x9], $0x40, $0x38;
	[tilespmem:$0x1E600] =	vst v63  }
.Ltmp35:
0x3b0: {  	_ = 	snop;
	(pc) =	sbr.rel .LBB2_43-.Ltmp35, $1  }
0x3b1: {  	_ =	sdelay $0x3  }
.LBB2_45:
0x3b2: {  	v7 =	vld [tilespmem:$0x1E580];
	_ =	sdelay $0x4  }
0x3b3: {  	(v2sf) =	vpush v7, $0x0;
	_ =	sdelay $0xe  }
0x3b4: {  	s0 =	spop (v2sf)  }
0x3b5: {  	p0 =	slt.s32 s0, $0x1  }
.Ltmp36:
0x3b6: {  	_ = 	snop;
	(pc) =	sbr.rel @p0 .LBB2_49-.Ltmp36, $1  }
0x3b7: {  	_ =	sdelay $0x3  }
0x3b8: {  	p0 =	slt.s32 s0, $0x40  }
0x3b9: {  	s0 =	simm.s32 @!p0 $0x40  }
0x3ba: {  	p0 =	sne.s32 s0, $0x1  }
.Ltmp37:
0x3bb: {  	_ = 	snop;
	(pc) =	sbr.rel @!p0 .LBB2_48-.Ltmp37, $3  }
0x3bc: {  	_ =	sdelay $0x1  }
0x3bd: {  	_ =	swait.ge [sflag:s30], $0x40  }
0x3be: {  	[sflag:s30] =	ssyncset.done $0x0;
	s0 =	sadd.s32 $0xFFFFFFFF, s0  }
.LBB2_47:
0x3bf: {  	p0 =	sne.s32 s0, $0x1;
	s0 =	sadd.s32 $0xFFFFFFFF, s0;
	[sflag:s30] =	ssyncadd.s32 $0xFFFFFFC0  }
.Ltmp38:
0x3c0: {  	(pc) =	sbr.rel @p0 .LBB2_47-.Ltmp38, $3  }
0x3c1: {  	_ =	sdelay $0x1  }
0x3c2: {  	_ =	swait.ge [sflag:s30], $0x40  }
0x3c3: {  	[sflag:s30] =	ssyncset.done $0x0  }
.Ltmp39:
0x3c4: {  	_ = 	snop;
	(pc) =	sbr.rel .LBB2_48-.Ltmp39, $1  }
0x3c5: {  	_ =	sdelay $0x3  }
.LBB2_2:
.Ltmp40:
0x3c6: {  	(pc) =	sbr.rel .LBB2_5-.Ltmp40, $2  }
0x3c7: {  	_ =	sdelay $0x2  }
0x3c8: {  	s0 =	simm.s32 $0x0  }
.LBB2_50:
0x3c9: {  	_ =	sfence.sel $0x180000  }
0x3ca: {  	[bflag:$0x0] =	sbarrier.arrive $0xFFFF  }
0x3cb: {  	_ =	strace $0x90000047  }
0x3cc: {  	s0 =	stileid.u32;
	[bflag:$0x2] =	sbarrier.arrive $0xFFFF  }
0x3cd: {  	p0 =	sne.s32 s0, $0x0;
	s0 =	rddreg [dreg:$0x3]  }
0x3ce: {  	s0 =	sadd.s32 @!p0 $0x100000, s0  }
0x3cf: {  	[sflag:s0] =	ssyncadd.tile.s32 @!p0 $0x1;
	_ =	shalt  }
.Lfunc_end2:
_tile_overlayer_lowered:
.L_overlay_start_2:
0x3d0: {  	(tag) =	ssettag $0x2  }
0x3d1: {  	s0 =	rddreg [dreg:$0x0];
	s2 =	stileid.u32  }
0x3d2: {  	s1 =	rddreg [dreg:$0x1];
	p0 =	sne.s32 s2, $0x0  }
0x3d3: {  	s3 =	rddreg [dreg:$0x2];
	[bflag:$0x3] =	sbarrier.arrive $0xFFFF;
	s2 =	simm.s32 @!p0 $0x1C0A  }
0x3d4: {  	[timem:s3], [sflag:s2] =	dma.local @!p0 [hbm:s0], s1  }
0x3d5: {  	s0 =	simm.s32 @!p0 $0xA  }
0x3d6: {  	_ =	swait.ge @!p0 [sflag:s0], s1  }
0x3d7: {  	s1 =	ssub.s32 @!p0 $0x0, s1;
	[sflag:s0] =	ssyncset.done @!p0 $0x0  }
0x3d8: {  	[sflag:s0] =	ssyncadd.s32 @!p0 s1  }
0x3d9: {  	[bflag:$0x3] =	sbarrier.arrive $0xFFFF  }
0x3da: {  	_ =	shalt  }

</sc_bundles>
